<compile_context>
chip_gen: v7x
topology: tpu7x:2x2x1
jax: 0.10.2.dev20260603
libtpu: 0.0.44.dev20260713+nightly
codegen_flags: <defaults>
</compile_context>

<pallas_src>
import functools

import jax
import jax.numpy as jnp
from jax import lax
from jax.experimental import pallas as pl
from jax.experimental.pallas import tpu as pltpu
from jax.experimental.pallas import tpu_sc as plsc

N_DB = 100000
D_FEAT = 128
Q = 1024
K_CONST = 1.0
TOPK = 10

BN = 2048
NB = 49
NP = NB * BN
NGB = BN // 16
NG = NB * NGB
CAND = TOPK * 16
SLOT = 16
BIG = 3e38

NUM_SC_CORES = 2
NUM_SUBCORES = 16
NW = NUM_SC_CORES * NUM_SUBCORES
EPW = Q * CAND // NW
CHUNK = 128
NCHUNK = EPW // CHUNK


def _score_kernel(xt_ref, x_ref, w_ref, wg_ref, s_ref, gm_ref, wmax_ref,
                  wm_smem):
    j = pl.program_id(0)

    @pl.when(j == 0)
    def _():
        wm = jnp.max(jax.nn.relu(wg_ref[...]))
        wm_smem[0] = wm

    wmax = wm_smem[0]
    wmax_ref[...] = jnp.full((1, 1), wmax, jnp.float32)
    xt = xt_ref[...]
    xb = x_ref[...]
    s = -2.0 * jax.lax.dot_general(
        xt, xb, (((1,), (1,)), ((), ())),
        preferred_element_type=jnp.float32)
    rn = jnp.sum(xb * xb, axis=1)
    wrow = w_ref[0]
    rw = rn[None, :] + (wmax - wrow) / K_CONST
    s = s + rw
    lane = jax.lax.broadcasted_iota(jnp.int32, (Q, BN), 1)
    s = jnp.where(j * BN + lane >= N_DB, BIG, s)
    for t in range(BN // 128):
        s_ref[t] = s[:, t * 128:(t + 1) * 128]
    gm = s[:, 0:NGB]
    for c in range(1, 16):
        gm = jnp.minimum(gm, s[:, c * NGB:(c + 1) * NGB])
    gm_ref[...] = gm


QB = 256


def _group_select_kernel(gm_ref, sidx_ref, cidx_ref):
    i = pl.program_id(0)
    gm = gm_ref[...]
    lane = jax.lax.broadcasted_iota(jnp.int32, (QB, NG), 1)
    cl = jax.lax.broadcasted_iota(jnp.int32, (QB, CAND), 1)
    qrow = i * QB + jax.lax.broadcasted_iota(jnp.int32, (QB, CAND), 0)
    e = cl % 16
    cidx = jnp.zeros((QB, CAND), jnp.int32)
    for p in range(TOPK):
        m = jnp.min(gm, axis=1, keepdims=True)
        am = jnp.min(jnp.where(gm == m, lane, NG), axis=1, keepdims=True)
        gm = jnp.where(lane == am, BIG, gm)
        col_p = (am // NGB) * BN + (am % NGB)
        sel = (cl >= p * 16) & (cl < (p + 1) * 16)
        cidx = jnp.where(sel, col_p + NGB * e, cidx)
    cidx_ref[...] = cidx
    sidx_ref[...] = (cidx // 128) * (Q * 128) + qrow * 128 + (cidx % 128)


def _sc_gather(sidx_hbm, cidx_hbm, s_hbm, w_hbm, sv_hbm, wv_hbm,
               sidx_v, cidx_v, sv_v, wv_v, sem):
    wid = lax.axis_index("s") * NUM_SC_CORES + lax.axis_index("c")
    base = wid * EPW
    pltpu.sync_copy(sidx_hbm.at[pl.ds(base, EPW)], sidx_v)
    pltpu.sync_copy(cidx_hbm.at[pl.ds(base, EPW)], cidx_v)

    def start_group(g):
        off = g * (4 * CHUNK)
        for t in range(4):
            o = off + t * CHUNK
            pltpu.async_copy(s_hbm.at[sidx_v.at[pl.ds(o, CHUNK)]],
                             sv_v.at[pl.ds(o, CHUNK)], sem)
            pltpu.async_copy(w_hbm.at[cidx_v.at[pl.ds(o, CHUNK)]],
                             wv_v.at[pl.ds(o, CHUNK)], sem)

    def wait_group(g):
        off = g * (4 * CHUNK)
        for t in range(4):
            o = off + t * CHUNK
            pltpu.make_async_copy(s_hbm.at[sidx_v.at[pl.ds(o, CHUNK)]],
                                  sv_v.at[pl.ds(o, CHUNK)], sem).wait()
            pltpu.make_async_copy(w_hbm.at[cidx_v.at[pl.ds(o, CHUNK)]],
                                  wv_v.at[pl.ds(o, CHUNK)], sem).wait()

    ngroups = NCHUNK // 4
    start_group(0)

    def body(i, carry):
        start_group(i + 1)
        wait_group(i)
        return carry

    lax.fori_loop(0, ngroups - 1, body, 0)
    wait_group(ngroups - 1)
    pltpu.sync_copy(sv_v, sv_hbm.at[pl.ds(base, EPW)])
    pltpu.sync_copy(wv_v, wv_hbm.at[pl.ds(base, EPW)])


def _final_kernel(sv_ref, wv_ref, cidx_ref, xt_ref, wmax_ref,
                  dmax_ref, imax_ref):
    v = sv_ref[...]
    wv = wv_ref[...]
    ci = cidx_ref[...]
    lane = jax.lax.broadcasted_iota(jnp.int32, (Q, CAND), 1)
    slot = jax.lax.broadcasted_iota(jnp.int32, (Q, SLOT), 1)
    vacc = jnp.full((Q, SLOT), BIG, jnp.float32)
    iacc = jnp.zeros((Q, SLOT), jnp.int32)
    wacc = jnp.zeros((Q, SLOT), jnp.float32)
    for p in range(TOPK):
        m = jnp.min(v, axis=1, keepdims=True)
        am = jnp.min(jnp.where(v == m, lane, CAND), axis=1, keepdims=True)
        sel = lane == am
        iv = jnp.sum(jnp.where(sel, ci, 0), axis=1, keepdims=True)
        wvv = jnp.sum(jnp.where(sel, wv, 0.0), axis=1, keepdims=True)
        vacc = jnp.where(slot == p, m, vacc)
        iacc = jnp.where(slot == p, iv, iacc)
        wacc = jnp.where(slot == p, wvv, wacc)
        v = jnp.where(sel, BIG, v)

    xt = xt_ref[...]
    qn = jnp.sum(xt * xt, axis=1, keepdims=True)
    wmax = wmax_ref[0, 0]
    d2 = vacc + qn - (wmax - wacc) / K_CONST
    f = wacc - K_CONST * jnp.sqrt(jax.nn.relu(d2))
    f = jnp.where(slot >= TOPK, -BIG, f)
    fm = jnp.max(f, axis=1, keepdims=True)
    fam = jnp.min(jnp.where(f == fm, slot, SLOT), axis=1, keepdims=True)
    dmax_ref[...] = fm
    imax_ref[...] = jnp.sum(jnp.where(slot == fam, iacc, 0), axis=1,
                            keepdims=True)


@jax.jit
def kernel(X_tilde, X, w):
    X_tilde = X_tilde.reshape(Q, D_FEAT)
    wflat = jnp.pad(w[:, 0], (0, NP - N_DB))
    wrows = wflat.reshape(NB, 1, BN)
    wgrid = wflat.reshape(NP // D_FEAT, D_FEAT)

    s_full, gm, wmax = pl.pallas_call(
        _score_kernel,
        grid=(NB,),
        in_specs=[
            pl.BlockSpec((Q, D_FEAT), lambda j: (0, 0)),
            pl.BlockSpec((BN, D_FEAT), lambda j: (j, 0)),
            pl.BlockSpec((1, 1, BN), lambda j: (j, 0, 0)),
            pl.BlockSpec((NP // D_FEAT, D_FEAT), lambda j: (0, 0)),
        ],
        out_specs=[
            pl.BlockSpec((BN // 128, Q, 128), lambda j: (j, 0, 0)),
            pl.BlockSpec((Q, NGB), lambda j: (0, j)),
            pl.BlockSpec((1, 1), lambda j: (0, 0)),
        ],
        out_shape=[
            jax.ShapeDtypeStruct((NP // 128, Q, 128), jnp.float32),
            jax.ShapeDtypeStruct((Q, NG), jnp.float32),
            jax.ShapeDtypeStruct((1, 1), jnp.float32),
        ],
        scratch_shapes=[pltpu.SMEM((1,), jnp.float32)],
    )(X_tilde, X, wrows, wgrid)

    sidx, cidx = pl.pallas_call(
        _group_select_kernel,
        grid=(Q // QB,),
        in_specs=[pl.BlockSpec((QB, NG), lambda i: (i, 0))],
        out_specs=[
            pl.BlockSpec((QB, CAND), lambda i: (i, 0)),
            pl.BlockSpec((QB, CAND), lambda i: (i, 0)),
        ],
        out_shape=[
            jax.ShapeDtypeStruct((Q, CAND), jnp.int32),
            jax.ShapeDtypeStruct((Q, CAND), jnp.int32),
        ],
    )(gm)

    gather = pl.kernel(
        _sc_gather,
        mesh=plsc.VectorSubcoreMesh(core_axis_name="c", subcore_axis_name="s"),
        out_type=[
            jax.ShapeDtypeStruct((Q * CAND,), jnp.float32),
            jax.ShapeDtypeStruct((Q * CAND,), jnp.float32),
        ],
        scratch_types=[
            pltpu.VMEM((EPW,), jnp.int32),
            pltpu.VMEM((EPW,), jnp.int32),
            pltpu.VMEM((EPW,), jnp.float32),
            pltpu.VMEM((EPW,), jnp.float32),
            pltpu.SemaphoreType.DMA,
        ],
    )
    sv, wv = gather(sidx.reshape(Q * CAND), cidx.reshape(Q * CAND),
                    s_full.reshape(Q * NP), wflat)

    dmax, imax = pl.pallas_call(
        _final_kernel,
        out_shape=[
            jax.ShapeDtypeStruct((Q, 1), jnp.float32),
            jax.ShapeDtypeStruct((Q, 1), jnp.int32),
        ],
    )(sv.reshape(Q, CAND), wv.reshape(Q, CAND), cidx, X_tilde, wmax)

    return dmax[:, 0], imax[:, 0]

# --- scband reference (transcript-rebuilt; emitter-appended) ---
"""Pipeline reference for scband-neighbor-discriminator-19447611916838 (READ-ONLY COPY).

The authoritative reference and input builder live on the scoring server;
editing this copy changes nothing except your own understanding.
"""

import jax, jax.numpy as jnp
import numpy as np

N_DB = 100000
D_FEAT = 128
Q = 1024
K_CONST = 1.0
TOPK = 10


def setup_inputs(seed: int = 0) -> dict:
    key = jax.random.key(seed)
    k1, k2, k3 = jax.random.split(key, 3)
    X = jax.random.normal(k1, (N_DB, D_FEAT), dtype=jnp.float32)
    X_tilde = jax.random.normal(k2, (Q, D_FEAT), dtype=jnp.float32)
    # learned parameter w (nn.Parameter of shape [n, 1]); small random values
    w = jax.random.normal(k3, (N_DB, 1), dtype=jnp.float32) * 0.01
    return {"X_tilde": X_tilde, "X": X, "w": w}


def reference(X_tilde, X, w):
    K = K_CONST
    k = TOPK
    X_tilde = X_tilde.reshape(X_tilde.shape[0], -1)
    # w_prime = sqrt(-(w - max(relu(w))) / K)
    w_prime = jnp.sqrt(-(w - jnp.max(jax.nn.relu(w))) / K)  # [n, 1]
    # faiss IndexFlatL2 over hstack([X, w_prime]) with zero-padded queries,
    # replicated here as an exact squared-L2 top-k search
    X_w = jnp.concatenate([X, w_prime], axis=1)  # [n, d+1]
    Xq = jnp.concatenate([X_tilde, jnp.zeros((X_tilde.shape[0], 1), X_tilde.dtype)], axis=1)  # [Q, d+1]
    d2 = (jnp.sum(Xq * Xq, axis=1, keepdims=True)
          - 2.0 * (Xq @ X_w.T)
          + jnp.sum(X_w * X_w, axis=1)[None, :])  # [Q, n] squared distances
    negD, I = jax.lax.top_k(-d2, k)  # k smallest squared distances
    D = -negD  # [Q, k], like faiss IndexFlatL2 (squared L2)
    # get_actual_distances: D_actual = sqrt(relu(D - w_prime[I]^2))
    local_w = jnp.take(w_prime[:, 0], I)  # [Q, k]
    D_actual = jnp.sqrt(jax.nn.relu(D - local_w ** 2))
    # get_maximal_neighbor_activations: f_i = w[I] - K * D_actual; argmax over k
    f_i = jnp.take(w[:, 0], I) - K * D_actual  # [Q, k]
    amax = jnp.argmax(f_i, axis=1)  # [Q]
    D_max = jnp.take_along_axis(f_i, amax[:, None], axis=1)[:, 0]
    I_max = jnp.take_along_axis(I, amax[:, None], axis=1)[:, 0].astype(jnp.int64)
    return (D_max, I_max)

if __name__ == "__main__":
    import jax
    _d = setup_inputs()
    print(jax.jit(kernel)(*tuple(_d.values())))

</pallas_src>

<mosaic_0001>
#map = affine_map<(d0, d1) -> (0)>
module attributes {stable_mosaic.version = 14 : i64} {
  func.func @_sc_gather(%arg0: i32, %arg1: i32, %arg2: memref<163840xi32, #tpu.memory_space<hbm>>, %arg3: memref<163840xi32, #tpu.memory_space<hbm>>, %arg4: memref<102760448xf32, #tpu.memory_space<hbm>>, %arg5: memref<100352xf32, #tpu.memory_space<hbm>>, %arg6: memref<163840xf32, #tpu.memory_space<hbm>>, %arg7: memref<163840xf32, #tpu.memory_space<hbm>>, %arg8: memref<5120xi32, #tpu.memory_space<vmem>>, %arg9: memref<5120xi32, #tpu.memory_space<vmem>>, %arg10: memref<5120xf32, #tpu.memory_space<vmem>>, %arg11: memref<5120xf32, #tpu.memory_space<vmem>>, %arg12: memref<!tpu.dma_semaphore, #tpu.memory_space<semaphore_mem>>) attributes {dimension_semantics = [#tpu.dimension_semantics<core_parallel>, #tpu.dimension_semantics<subcore_parallel>], iteration_bounds = array<i64: 2, 16>, scalar_prefetch = 0 : i64, scratch_operands = 5 : i64, tpu.core_type = #tpu.core_type<sc_vector_subcore>, window_params = [{transform_indices = #map}, {transform_indices = #map}, {transform_indices = #map}, {transform_indices = #map}, {transform_indices = #map}, {transform_indices = #map}]} {
    %mul3A = arith.constant 2 : i32
    %mul3A_0 = arith.muli %arg1, %mul3A : i32
    %add3A = arith.addi %mul3A_0, %arg0 : i32
    %mul3A_1 = arith.constant 5120 : i32
    %mul3A_2 = arith.muli %add3A, %mul3A_1 : i32
    "tpu.region"() ({
      %run_scoped3A = tpu.sem_alloc : memref<!tpu.dma_semaphore, #tpu.memory_space<semaphore_mem>>
      %dma_start3A_102 = tpu.memref_slice %arg2[%mul3A_2] : memref<163840xi32, #tpu.memory_space<hbm>> -> memref<5120xi32, #tpu.memory_space<hbm>>
      %dma_start3A_103 = tpu.memref_slice %arg2[%mul3A_2] : memref<163840xi32, #tpu.memory_space<hbm>> -> memref<5120xi32, #tpu.memory_space<hbm>>
      tpu.enqueue_dma source(%dma_start3A_103 : memref<5120xi32, #tpu.memory_space<hbm>>) target(%arg8 : memref<5120xi32, #tpu.memory_space<vmem>>) target_semaphore(%run_scoped3A : memref<!tpu.dma_semaphore, #tpu.memory_space<semaphore_mem>>)
      %dma_wait3A_104 = tpu.memref_slice %arg2[%mul3A_2] : memref<163840xi32, #tpu.memory_space<hbm>> -> memref<5120xi32, #tpu.memory_space<hbm>>
      %dma_wait3A_105 = tpu.memref_slice %arg2[%mul3A_2] : memref<163840xi32, #tpu.memory_space<hbm>> -> memref<5120xi32, #tpu.memory_space<hbm>>
      tpu.wait_dma2 semaphore(%run_scoped3A : memref<!tpu.dma_semaphore, #tpu.memory_space<semaphore_mem>>) src(%dma_wait3A_105 : memref<5120xi32, #tpu.memory_space<hbm>>) dst(%arg8 : memref<5120xi32, #tpu.memory_space<vmem>>)
      tpu.yield
    }) : () -> ()
    "tpu.region"() ({
      %run_scoped3A = tpu.sem_alloc : memref<!tpu.dma_semaphore, #tpu.memory_space<semaphore_mem>>
      %dma_start3A_102 = tpu.memref_slice %arg3[%mul3A_2] : memref<163840xi32, #tpu.memory_space<hbm>> -> memref<5120xi32, #tpu.memory_space<hbm>>
      %dma_start3A_103 = tpu.memref_slice %arg3[%mul3A_2] : memref<163840xi32, #tpu.memory_space<hbm>> -> memref<5120xi32, #tpu.memory_space<hbm>>
      tpu.enqueue_dma source(%dma_start3A_103 : memref<5120xi32, #tpu.memory_space<hbm>>) target(%arg9 : memref<5120xi32, #tpu.memory_space<vmem>>) target_semaphore(%run_scoped3A : memref<!tpu.dma_semaphore, #tpu.memory_space<semaphore_mem>>)
      %dma_wait3A_104 = tpu.memref_slice %arg3[%mul3A_2] : memref<163840xi32, #tpu.memory_space<hbm>> -> memref<5120xi32, #tpu.memory_space<hbm>>
      %dma_wait3A_105 = tpu.memref_slice %arg3[%mul3A_2] : memref<163840xi32, #tpu.memory_space<hbm>> -> memref<5120xi32, #tpu.memory_space<hbm>>
      tpu.wait_dma2 semaphore(%run_scoped3A : memref<!tpu.dma_semaphore, #tpu.memory_space<semaphore_mem>>) src(%dma_wait3A_105 : memref<5120xi32, #tpu.memory_space<hbm>>) dst(%arg9 : memref<5120xi32, #tpu.memory_space<vmem>>)
      tpu.yield
    }) : () -> ()
    %dma_start3A = arith.constant 0 : i32
    %dma_start3A_3 = tpu.memref_slice %arg10[%dma_start3A] : memref<5120xf32, #tpu.memory_space<vmem>> -> memref<128xf32, #tpu.memory_space<vmem>>
    %dma_start3A_4 = arith.constant 0 : i32
    %dma_start3A_5 = tpu.memref_slice %arg8[%dma_start3A_4] : memref<5120xi32, #tpu.memory_space<vmem>> -> memref<128xi32, #tpu.memory_space<vmem>>
    %dma_start3A_6 = arith.constant 0 : i32
    %dma_start3A_7 = tpu.memref_slice %arg4[%dma_start3A_6] : memref<102760448xf32, #tpu.memory_space<hbm>> -> memref<102760448xf32, #tpu.memory_space<hbm>>
    tpu.enqueue_indirect_dma source(%dma_start3A_7 : memref<102760448xf32, #tpu.memory_space<hbm>>) target(%dma_start3A_3 : memref<128xf32, #tpu.memory_space<vmem>>) offsets(%dma_start3A_5 : memref<128xi32, #tpu.memory_space<vmem>>) semaphore(%arg12 : memref<!tpu.dma_semaphore, #tpu.memory_space<semaphore_mem>>)
    %dma_start3A_8 = arith.constant 0 : i32
    %dma_start3A_9 = tpu.memref_slice %arg11[%dma_start3A_8] : memref<5120xf32, #tpu.memory_space<vmem>> -> memref<128xf32, #tpu.memory_space<vmem>>
    %dma_start3A_10 = arith.constant 0 : i32
    %dma_start3A_11 = tpu.memref_slice %arg9[%dma_start3A_10] : memref<5120xi32, #tpu.memory_space<vmem>> -> memref<128xi32, #tpu.memory_space<vmem>>
    %dma_start3A_12 = arith.constant 0 : i32
    %dma_start3A_13 = tpu.memref_slice %arg5[%dma_start3A_12] : memref<100352xf32, #tpu.memory_space<hbm>> -> memref<100352xf32, #tpu.memory_space<hbm>>
    tpu.enqueue_indirect_dma source(%dma_start3A_13 : memref<100352xf32, #tpu.memory_space<hbm>>) target(%dma_start3A_9 : memref<128xf32, #tpu.memory_space<vmem>>) offsets(%dma_start3A_11 : memref<128xi32, #tpu.memory_space<vmem>>) semaphore(%arg12 : memref<!tpu.dma_semaphore, #tpu.memory_space<semaphore_mem>>)
    %dma_start3A_14 = arith.constant 128 : i32
    %dma_start3A_15 = tpu.memref_slice %arg10[%dma_start3A_14] : memref<5120xf32, #tpu.memory_space<vmem>> -> memref<128xf32, #tpu.memory_space<vmem>>
    %dma_start3A_16 = arith.constant 128 : i32
    %dma_start3A_17 = tpu.memref_slice %arg8[%dma_start3A_16] : memref<5120xi32, #tpu.memory_space<vmem>> -> memref<128xi32, #tpu.memory_space<vmem>>
    %dma_start3A_18 = arith.constant 0 : i32
    %dma_start3A_19 = tpu.memref_slice %arg4[%dma_start3A_18] : memref<102760448xf32, #tpu.memory_space<hbm>> -> memref<102760448xf32, #tpu.memory_space<hbm>>
    tpu.enqueue_indirect_dma source(%dma_start3A_19 : memref<102760448xf32, #tpu.memory_space<hbm>>) target(%dma_start3A_15 : memref<128xf32, #tpu.memory_space<vmem>>) offsets(%dma_start3A_17 : memref<128xi32, #tpu.memory_space<vmem>>) semaphore(%arg12 : memref<!tpu.dma_semaphore, #tpu.memory_space<semaphore_mem>>)
    %dma_start3A_20 = arith.constant 128 : i32
    %dma_start3A_21 = tpu.memref_slice %arg11[%dma_start3A_20] : memref<5120xf32, #tpu.memory_space<vmem>> -> memref<128xf32, #tpu.memory_space<vmem>>
    %dma_start3A_22 = arith.constant 128 : i32
    %dma_start3A_23 = tpu.memref_slice %arg9[%dma_start3A_22] : memref<5120xi32, #tpu.memory_space<vmem>> -> memref<128xi32, #tpu.memory_space<vmem>>
    %dma_start3A_24 = arith.constant 0 : i32
    %dma_start3A_25 = tpu.memref_slice %arg5[%dma_start3A_24] : memref<100352xf32, #tpu.memory_space<hbm>> -> memref<100352xf32, #tpu.memory_space<hbm>>
    tpu.enqueue_indirect_dma source(%dma_start3A_25 : memref<100352xf32, #tpu.memory_space<hbm>>) target(%dma_start3A_21 : memref<128xf32, #tpu.memory_space<vmem>>) offsets(%dma_start3A_23 : memref<128xi32, #tpu.memory_space<vmem>>) semaphore(%arg12 : memref<!tpu.dma_semaphore, #tpu.memory_space<semaphore_mem>>)
    %dma_start3A_26 = arith.constant 256 : i32
    %dma_start3A_27 = tpu.memref_slice %arg10[%dma_start3A_26] : memref<5120xf32, #tpu.memory_space<vmem>> -> memref<128xf32, #tpu.memory_space<vmem>>
    %dma_start3A_28 = arith.constant 256 : i32
    %dma_start3A_29 = tpu.memref_slice %arg8[%dma_start3A_28] : memref<5120xi32, #tpu.memory_space<vmem>> -> memref<128xi32, #tpu.memory_space<vmem>>
    %dma_start3A_30 = arith.constant 0 : i32
    %dma_start3A_31 = tpu.memref_slice %arg4[%dma_start3A_30] : memref<102760448xf32, #tpu.memory_space<hbm>> -> memref<102760448xf32, #tpu.memory_space<hbm>>
    tpu.enqueue_indirect_dma source(%dma_start3A_31 : memref<102760448xf32, #tpu.memory_space<hbm>>) target(%dma_start3A_27 : memref<128xf32, #tpu.memory_space<vmem>>) offsets(%dma_start3A_29 : memref<128xi32, #tpu.memory_space<vmem>>) semaphore(%arg12 : memref<!tpu.dma_semaphore, #tpu.memory_space<semaphore_mem>>)
    %dma_start3A_32 = arith.constant 256 : i32
    %dma_start3A_33 = tpu.memref_slice %arg11[%dma_start3A_32] : memref<5120xf32, #tpu.memory_space<vmem>> -> memref<128xf32, #tpu.memory_space<vmem>>
    %dma_start3A_34 = arith.constant 256 : i32
    %dma_start3A_35 = tpu.memref_slice %arg9[%dma_start3A_34] : memref<5120xi32, #tpu.memory_space<vmem>> -> memref<128xi32, #tpu.memory_space<vmem>>
    %dma_start3A_36 = arith.constant 0 : i32
    %dma_start3A_37 = tpu.memref_slice %arg5[%dma_start3A_36] : memref<100352xf32, #tpu.memory_space<hbm>> -> memref<100352xf32, #tpu.memory_space<hbm>>
    tpu.enqueue_indirect_dma source(%dma_start3A_37 : memref<100352xf32, #tpu.memory_space<hbm>>) target(%dma_start3A_33 : memref<128xf32, #tpu.memory_space<vmem>>) offsets(%dma_start3A_35 : memref<128xi32, #tpu.memory_space<vmem>>) semaphore(%arg12 : memref<!tpu.dma_semaphore, #tpu.memory_space<semaphore_mem>>)
    %dma_start3A_38 = arith.constant 384 : i32
    %dma_start3A_39 = tpu.memref_slice %arg10[%dma_start3A_38] : memref<5120xf32, #tpu.memory_space<vmem>> -> memref<128xf32, #tpu.memory_space<vmem>>
    %dma_start3A_40 = arith.constant 384 : i32
    %dma_start3A_41 = tpu.memref_slice %arg8[%dma_start3A_40] : memref<5120xi32, #tpu.memory_space<vmem>> -> memref<128xi32, #tpu.memory_space<vmem>>
    %dma_start3A_42 = arith.constant 0 : i32
    %dma_start3A_43 = tpu.memref_slice %arg4[%dma_start3A_42] : memref<102760448xf32, #tpu.memory_space<hbm>> -> memref<102760448xf32, #tpu.memory_space<hbm>>
    tpu.enqueue_indirect_dma source(%dma_start3A_43 : memref<102760448xf32, #tpu.memory_space<hbm>>) target(%dma_start3A_39 : memref<128xf32, #tpu.memory_space<vmem>>) offsets(%dma_start3A_41 : memref<128xi32, #tpu.memory_space<vmem>>) semaphore(%arg12 : memref<!tpu.dma_semaphore, #tpu.memory_space<semaphore_mem>>)
    %dma_start3A_44 = arith.constant 384 : i32
    %dma_start3A_45 = tpu.memref_slice %arg11[%dma_start3A_44] : memref<5120xf32, #tpu.memory_space<vmem>> -> memref<128xf32, #tpu.memory_space<vmem>>
    %dma_start3A_46 = arith.constant 384 : i32
    %dma_start3A_47 = tpu.memref_slice %arg9[%dma_start3A_46] : memref<5120xi32, #tpu.memory_space<vmem>> -> memref<128xi32, #tpu.memory_space<vmem>>
    %dma_start3A_48 = arith.constant 0 : i32
    %dma_start3A_49 = tpu.memref_slice %arg5[%dma_start3A_48] : memref<100352xf32, #tpu.memory_space<hbm>> -> memref<100352xf32, #tpu.memory_space<hbm>>
    tpu.enqueue_indirect_dma source(%dma_start3A_49 : memref<100352xf32, #tpu.memory_space<hbm>>) target(%dma_start3A_45 : memref<128xf32, #tpu.memory_space<vmem>>) offsets(%dma_start3A_47 : memref<128xi32, #tpu.memory_space<vmem>>) semaphore(%arg12 : memref<!tpu.dma_semaphore, #tpu.memory_space<semaphore_mem>>)
    %scan3A = arith.constant 0 : i32
    %scan3A_50 = arith.constant 0 : i32
    %scan3A_51 = arith.constant 9 : i32
    %scan3A_52 = arith.addi %scan3A_50, %scan3A_51 : i32
    %scan3A_53 = arith.constant 1 : i32
    scf.for %scan3A_102 = %scan3A_50 to %scan3A_52 step %scan3A_53  : i32 {
      %add3A_103 = arith.constant 1 : i32
      %add3A_104 = arith.addi %scan3A_102, %add3A_103 : i32
      %mul3A_105 = arith.constant 512 : i32
      %mul3A_106 = arith.muli %add3A_104, %mul3A_105 : i32
      %add3A_107 = arith.constant 0 : i32
      %add3A_108 = arith.addi %mul3A_106, %add3A_107 : i32
      %dma_start3A_109 = tpu.memref_slice %arg10[%add3A_108] : memref<5120xf32, #tpu.memory_space<vmem>> -> memref<128xf32, #tpu.memory_space<vmem>>
      %dma_start3A_110 = tpu.memref_slice %arg8[%add3A_108] : memref<5120xi32, #tpu.memory_space<vmem>> -> memref<128xi32, #tpu.memory_space<vmem>>
      %dma_start3A_111 = arith.constant 0 : i32
      %dma_start3A_112 = tpu.memref_slice %arg4[%dma_start3A_111] : memref<102760448xf32, #tpu.memory_space<hbm>> -> memref<102760448xf32, #tpu.memory_space<hbm>>
      tpu.enqueue_indirect_dma source(%dma_start3A_112 : memref<102760448xf32, #tpu.memory_space<hbm>>) target(%dma_start3A_109 : memref<128xf32, #tpu.memory_space<vmem>>) offsets(%dma_start3A_110 : memref<128xi32, #tpu.memory_space<vmem>>) semaphore(%arg12 : memref<!tpu.dma_semaphore, #tpu.memory_space<semaphore_mem>>)
      %dma_start3A_113 = tpu.memref_slice %arg11[%add3A_108] : memref<5120xf32, #tpu.memory_space<vmem>> -> memref<128xf32, #tpu.memory_space<vmem>>
      %dma_start3A_114 = tpu.memref_slice %arg9[%add3A_108] : memref<5120xi32, #tpu.memory_space<vmem>> -> memref<128xi32, #tpu.memory_space<vmem>>
      %dma_start3A_115 = arith.constant 0 : i32
      %dma_start3A_116 = tpu.memref_slice %arg5[%dma_start3A_115] : memref<100352xf32, #tpu.memory_space<hbm>> -> memref<100352xf32, #tpu.memory_space<hbm>>
      tpu.enqueue_indirect_dma source(%dma_start3A_116 : memref<100352xf32, #tpu.memory_space<hbm>>) target(%dma_start3A_113 : memref<128xf32, #tpu.memory_space<vmem>>) offsets(%dma_start3A_114 : memref<128xi32, #tpu.memory_space<vmem>>) semaphore(%arg12 : memref<!tpu.dma_semaphore, #tpu.memory_space<semaphore_mem>>)
      %add3A_117 = arith.constant 128 : i32
      %add3A_118 = arith.addi %mul3A_106, %add3A_117 : i32
      %dma_start3A_119 = tpu.memref_slice %arg10[%add3A_118] : memref<5120xf32, #tpu.memory_space<vmem>> -> memref<128xf32, #tpu.memory_space<vmem>>
      %dma_start3A_120 = tpu.memref_slice %arg8[%add3A_118] : memref<5120xi32, #tpu.memory_space<vmem>> -> memref<128xi32, #tpu.memory_space<vmem>>
      %dma_start3A_121 = arith.constant 0 : i32
      %dma_start3A_122 = tpu.memref_slice %arg4[%dma_start3A_121] : memref<102760448xf32, #tpu.memory_space<hbm>> -> memref<102760448xf32, #tpu.memory_space<hbm>>
      tpu.enqueue_indirect_dma source(%dma_start3A_122 : memref<102760448xf32, #tpu.memory_space<hbm>>) target(%dma_start3A_119 : memref<128xf32, #tpu.memory_space<vmem>>) offsets(%dma_start3A_120 : memref<128xi32, #tpu.memory_space<vmem>>) semaphore(%arg12 : memref<!tpu.dma_semaphore, #tpu.memory_space<semaphore_mem>>)
      %dma_start3A_123 = tpu.memref_slice %arg11[%add3A_118] : memref<5120xf32, #tpu.memory_space<vmem>> -> memref<128xf32, #tpu.memory_space<vmem>>
      %dma_start3A_124 = tpu.memref_slice %arg9[%add3A_118] : memref<5120xi32, #tpu.memory_space<vmem>> -> memref<128xi32, #tpu.memory_space<vmem>>
      %dma_start3A_125 = arith.constant 0 : i32
      %dma_start3A_126 = tpu.memref_slice %arg5[%dma_start3A_125] : memref<100352xf32, #tpu.memory_space<hbm>> -> memref<100352xf32, #tpu.memory_space<hbm>>
      tpu.enqueue_indirect_dma source(%dma_start3A_126 : memref<100352xf32, #tpu.memory_space<hbm>>) target(%dma_start3A_123 : memref<128xf32, #tpu.memory_space<vmem>>) offsets(%dma_start3A_124 : memref<128xi32, #tpu.memory_space<vmem>>) semaphore(%arg12 : memref<!tpu.dma_semaphore, #tpu.memory_space<semaphore_mem>>)
      %add3A_127 = arith.constant 256 : i32
      %add3A_128 = arith.addi %mul3A_106, %add3A_127 : i32
      %dma_start3A_129 = tpu.memref_slice %arg10[%add3A_128] : memref<5120xf32, #tpu.memory_space<vmem>> -> memref<128xf32, #tpu.memory_space<vmem>>
      %dma_start3A_130 = tpu.memref_slice %arg8[%add3A_128] : memref<5120xi32, #tpu.memory_space<vmem>> -> memref<128xi32, #tpu.memory_space<vmem>>
      %dma_start3A_131 = arith.constant 0 : i32
      %dma_start3A_132 = tpu.memref_slice %arg4[%dma_start3A_131] : memref<102760448xf32, #tpu.memory_space<hbm>> -> memref<102760448xf32, #tpu.memory_space<hbm>>
      tpu.enqueue_indirect_dma source(%dma_start3A_132 : memref<102760448xf32, #tpu.memory_space<hbm>>) target(%dma_start3A_129 : memref<128xf32, #tpu.memory_space<vmem>>) offsets(%dma_start3A_130 : memref<128xi32, #tpu.memory_space<vmem>>) semaphore(%arg12 : memref<!tpu.dma_semaphore, #tpu.memory_space<semaphore_mem>>)
      %dma_start3A_133 = tpu.memref_slice %arg11[%add3A_128] : memref<5120xf32, #tpu.memory_space<vmem>> -> memref<128xf32, #tpu.memory_space<vmem>>
      %dma_start3A_134 = tpu.memref_slice %arg9[%add3A_128] : memref<5120xi32, #tpu.memory_space<vmem>> -> memref<128xi32, #tpu.memory_space<vmem>>
      %dma_start3A_135 = arith.constant 0 : i32
      %dma_start3A_136 = tpu.memref_slice %arg5[%dma_start3A_135] : memref<100352xf32, #tpu.memory_space<hbm>> -> memref<100352xf32, #tpu.memory_space<hbm>>
      tpu.enqueue_indirect_dma source(%dma_start3A_136 : memref<100352xf32, #tpu.memory_space<hbm>>) target(%dma_start3A_133 : memref<128xf32, #tpu.memory_space<vmem>>) offsets(%dma_start3A_134 : memref<128xi32, #tpu.memory_space<vmem>>) semaphore(%arg12 : memref<!tpu.dma_semaphore, #tpu.memory_space<semaphore_mem>>)
      %add3A_137 = arith.constant 384 : i32
      %add3A_138 = arith.addi %mul3A_106, %add3A_137 : i32
      %dma_start3A_139 = tpu.memref_slice %arg10[%add3A_138] : memref<5120xf32, #tpu.memory_space<vmem>> -> memref<128xf32, #tpu.memory_space<vmem>>
      %dma_start3A_140 = tpu.memref_slice %arg8[%add3A_138] : memref<5120xi32, #tpu.memory_space<vmem>> -> memref<128xi32, #tpu.memory_space<vmem>>
      %dma_start3A_141 = arith.constant 0 : i32
      %dma_start3A_142 = tpu.memref_slice %arg4[%dma_start3A_141] : memref<102760448xf32, #tpu.memory_space<hbm>> -> memref<102760448xf32, #tpu.memory_space<hbm>>
      tpu.enqueue_indirect_dma source(%dma_start3A_142 : memref<102760448xf32, #tpu.memory_space<hbm>>) target(%dma_start3A_139 : memref<128xf32, #tpu.memory_space<vmem>>) offsets(%dma_start3A_140 : memref<128xi32, #tpu.memory_space<vmem>>) semaphore(%arg12 : memref<!tpu.dma_semaphore, #tpu.memory_space<semaphore_mem>>)
      %dma_start3A_143 = tpu.memref_slice %arg11[%add3A_138] : memref<5120xf32, #tpu.memory_space<vmem>> -> memref<128xf32, #tpu.memory_space<vmem>>
      %dma_start3A_144 = tpu.memref_slice %arg9[%add3A_138] : memref<5120xi32, #tpu.memory_space<vmem>> -> memref<128xi32, #tpu.memory_space<vmem>>
      %dma_start3A_145 = arith.constant 0 : i32
      %dma_start3A_146 = tpu.memref_slice %arg5[%dma_start3A_145] : memref<100352xf32, #tpu.memory_space<hbm>> -> memref<100352xf32, #tpu.memory_space<hbm>>
      tpu.enqueue_indirect_dma source(%dma_start3A_146 : memref<100352xf32, #tpu.memory_space<hbm>>) target(%dma_start3A_143 : memref<128xf32, #tpu.memory_space<vmem>>) offsets(%dma_start3A_144 : memref<128xi32, #tpu.memory_space<vmem>>) semaphore(%arg12 : memref<!tpu.dma_semaphore, #tpu.memory_space<semaphore_mem>>)
      %mul3A_147 = arith.constant 512 : i32
      %mul3A_148 = arith.muli %scan3A_102, %mul3A_147 : i32
      %add3A_149 = arith.constant 0 : i32
      %add3A_150 = arith.addi %mul3A_148, %add3A_149 : i32
      %dma_wait3A_151 = tpu.memref_slice %arg10[%add3A_150] : memref<5120xf32, #tpu.memory_space<vmem>> -> memref<128xf32, #tpu.memory_space<vmem>>
      %dma_wait3A_152 = tpu.memref_slice %arg8[%add3A_150] : memref<5120xi32, #tpu.memory_space<vmem>> -> memref<128xi32, #tpu.memory_space<vmem>>
      %dma_wait3A_153 = arith.constant 0 : i32
      %dma_wait3A_154 = tpu.memref_slice %arg4[%dma_wait3A_153] : memref<102760448xf32, #tpu.memory_space<hbm>> -> memref<102760448xf32, #tpu.memory_space<hbm>>
      tpu.wait_indirect_dma semaphore(%arg12 : memref<!tpu.dma_semaphore, #tpu.memory_space<semaphore_mem>>) src(%dma_wait3A_154 : memref<102760448xf32, #tpu.memory_space<hbm>>) dst(%dma_wait3A_151 : memref<128xf32, #tpu.memory_space<vmem>>)
      %dma_wait3A_155 = tpu.memref_slice %arg11[%add3A_150] : memref<5120xf32, #tpu.memory_space<vmem>> -> memref<128xf32, #tpu.memory_space<vmem>>
      %dma_wait3A_156 = tpu.memref_slice %arg9[%add3A_150] : memref<5120xi32, #tpu.memory_space<vmem>> -> memref<128xi32, #tpu.memory_space<vmem>>
      %dma_wait3A_157 = arith.constant 0 : i32
      %dma_wait3A_158 = tpu.memref_slice %arg5[%dma_wait3A_157] : memref<100352xf32, #tpu.memory_space<hbm>> -> memref<100352xf32, #tpu.memory_space<hbm>>
      tpu.wait_indirect_dma semaphore(%arg12 : memref<!tpu.dma_semaphore, #tpu.memory_space<semaphore_mem>>) src(%dma_wait3A_158 : memref<100352xf32, #tpu.memory_space<hbm>>) dst(%dma_wait3A_155 : memref<128xf32, #tpu.memory_space<vmem>>)
      %add3A_159 = arith.constant 128 : i32
      %add3A_160 = arith.addi %mul3A_148, %add3A_159 : i32
      %dma_wait3A_161 = tpu.memref_slice %arg10[%add3A_160] : memref<5120xf32, #tpu.memory_space<vmem>> -> memref<128xf32, #tpu.memory_space<vmem>>
      %dma_wait3A_162 = tpu.memref_slice %arg8[%add3A_160] : memref<5120xi32, #tpu.memory_space<vmem>> -> memref<128xi32, #tpu.memory_space<vmem>>
      %dma_wait3A_163 = arith.constant 0 : i32
      %dma_wait3A_164 = tpu.memref_slice %arg4[%dma_wait3A_163] : memref<102760448xf32, #tpu.memory_space<hbm>> -> memref<102760448xf32, #tpu.memory_space<hbm>>
      tpu.wait_indirect_dma semaphore(%arg12 : memref<!tpu.dma_semaphore, #tpu.memory_space<semaphore_mem>>) src(%dma_wait3A_164 : memref<102760448xf32, #tpu.memory_space<hbm>>) dst(%dma_wait3A_161 : memref<128xf32, #tpu.memory_space<vmem>>)
      %dma_wait3A_165 = tpu.memref_slice %arg11[%add3A_160] : memref<5120xf32, #tpu.memory_space<vmem>> -> memref<128xf32, #tpu.memory_space<vmem>>
      %dma_wait3A_166 = tpu.memref_slice %arg9[%add3A_160] : memref<5120xi32, #tpu.memory_space<vmem>> -> memref<128xi32, #tpu.memory_space<vmem>>
      %dma_wait3A_167 = arith.constant 0 : i32
      %dma_wait3A_168 = tpu.memref_slice %arg5[%dma_wait3A_167] : memref<100352xf32, #tpu.memory_space<hbm>> -> memref<100352xf32, #tpu.memory_space<hbm>>
      tpu.wait_indirect_dma semaphore(%arg12 : memref<!tpu.dma_semaphore, #tpu.memory_space<semaphore_mem>>) src(%dma_wait3A_168 : memref<100352xf32, #tpu.memory_space<hbm>>) dst(%dma_wait3A_165 : memref<128xf32, #tpu.memory_space<vmem>>)
      %add3A_169 = arith.constant 256 : i32
      %add3A_170 = arith.addi %mul3A_148, %add3A_169 : i32
      %dma_wait3A_171 = tpu.memref_slice %arg10[%add3A_170] : memref<5120xf32, #tpu.memory_space<vmem>> -> memref<128xf32, #tpu.memory_space<vmem>>
      %dma_wait3A_172 = tpu.memref_slice %arg8[%add3A_170] : memref<5120xi32, #tpu.memory_space<vmem>> -> memref<128xi32, #tpu.memory_space<vmem>>
      %dma_wait3A_173 = arith.constant 0 : i32
      %dma_wait3A_174 = tpu.memref_slice %arg4[%dma_wait3A_173] : memref<102760448xf32, #tpu.memory_space<hbm>> -> memref<102760448xf32, #tpu.memory_space<hbm>>
      tpu.wait_indirect_dma semaphore(%arg12 : memref<!tpu.dma_semaphore, #tpu.memory_space<semaphore_mem>>) src(%dma_wait3A_174 : memref<102760448xf32, #tpu.memory_space<hbm>>) dst(%dma_wait3A_171 : memref<128xf32, #tpu.memory_space<vmem>>)
      %dma_wait3A_175 = tpu.memref_slice %arg11[%add3A_170] : memref<5120xf32, #tpu.memory_space<vmem>> -> memref<128xf32, #tpu.memory_space<vmem>>
      %dma_wait3A_176 = tpu.memref_slice %arg9[%add3A_170] : memref<5120xi32, #tpu.memory_space<vmem>> -> memref<128xi32, #tpu.memory_space<vmem>>
      %dma_wait3A_177 = arith.constant 0 : i32
      %dma_wait3A_178 = tpu.memref_slice %arg5[%dma_wait3A_177] : memref<100352xf32, #tpu.memory_space<hbm>> -> memref<100352xf32, #tpu.memory_space<hbm>>
      tpu.wait_indirect_dma semaphore(%arg12 : memref<!tpu.dma_semaphore, #tpu.memory_space<semaphore_mem>>) src(%dma_wait3A_178 : memref<100352xf32, #tpu.memory_space<hbm>>) dst(%dma_wait3A_175 : memref<128xf32, #tpu.memory_space<vmem>>)
      %add3A_179 = arith.constant 384 : i32
      %add3A_180 = arith.addi %mul3A_148, %add3A_179 : i32
      %dma_wait3A_181 = tpu.memref_slice %arg10[%add3A_180] : memref<5120xf32, #tpu.memory_space<vmem>> -> memref<128xf32, #tpu.memory_space<vmem>>
      %dma_wait3A_182 = tpu.memref_slice %arg8[%add3A_180] : memref<5120xi32, #tpu.memory_space<vmem>> -> memref<128xi32, #tpu.memory_space<vmem>>
      %dma_wait3A_183 = arith.constant 0 : i32
      %dma_wait3A_184 = tpu.memref_slice %arg4[%dma_wait3A_183] : memref<102760448xf32, #tpu.memory_space<hbm>> -> memref<102760448xf32, #tpu.memory_space<hbm>>
      tpu.wait_indirect_dma semaphore(%arg12 : memref<!tpu.dma_semaphore, #tpu.memory_space<semaphore_mem>>) src(%dma_wait3A_184 : memref<102760448xf32, #tpu.memory_space<hbm>>) dst(%dma_wait3A_181 : memref<128xf32, #tpu.memory_space<vmem>>)
      %dma_wait3A_185 = tpu.memref_slice %arg11[%add3A_180] : memref<5120xf32, #tpu.memory_space<vmem>> -> memref<128xf32, #tpu.memory_space<vmem>>
      %dma_wait3A_186 = tpu.memref_slice %arg9[%add3A_180] : memref<5120xi32, #tpu.memory_space<vmem>> -> memref<128xi32, #tpu.memory_space<vmem>>
      %dma_wait3A_187 = arith.constant 0 : i32
      %dma_wait3A_188 = tpu.memref_slice %arg5[%dma_wait3A_187] : memref<100352xf32, #tpu.memory_space<hbm>> -> memref<100352xf32, #tpu.memory_space<hbm>>
      tpu.wait_indirect_dma semaphore(%arg12 : memref<!tpu.dma_semaphore, #tpu.memory_space<semaphore_mem>>) src(%dma_wait3A_188 : memref<100352xf32, #tpu.memory_space<hbm>>) dst(%dma_wait3A_185 : memref<128xf32, #tpu.memory_space<vmem>>)
    }
    %scan3A_54 = arith.constant 9 : i32
    %dma_wait3A = arith.constant 4608 : i32
    %dma_wait3A_55 = tpu.memref_slice %arg10[%dma_wait3A] : memref<5120xf32, #tpu.memory_space<vmem>> -> memref<128xf32, #tpu.memory_space<vmem>>
    %dma_wait3A_56 = arith.constant 4608 : i32
    %dma_wait3A_57 = tpu.memref_slice %arg8[%dma_wait3A_56] : memref<5120xi32, #tpu.memory_space<vmem>> -> memref<128xi32, #tpu.memory_space<vmem>>
    %dma_wait3A_58 = arith.constant 0 : i32
    %dma_wait3A_59 = tpu.memref_slice %arg4[%dma_wait3A_58] : memref<102760448xf32, #tpu.memory_space<hbm>> -> memref<102760448xf32, #tpu.memory_space<hbm>>
    tpu.wait_indirect_dma semaphore(%arg12 : memref<!tpu.dma_semaphore, #tpu.memory_space<semaphore_mem>>) src(%dma_wait3A_59 : memref<102760448xf32, #tpu.memory_space<hbm>>) dst(%dma_wait3A_55 : memref<128xf32, #tpu.memory_space<vmem>>)
    %dma_wait3A_60 = arith.constant 4608 : i32
    %dma_wait3A_61 = tpu.memref_slice %arg11[%dma_wait3A_60] : memref<5120xf32, #tpu.memory_space<vmem>> -> memref<128xf32, #tpu.memory_space<vmem>>
    %dma_wait3A_62 = arith.constant 4608 : i32
    %dma_wait3A_63 = tpu.memref_slice %arg9[%dma_wait3A_62] : memref<5120xi32, #tpu.memory_space<vmem>> -> memref<128xi32, #tpu.memory_space<vmem>>
    %dma_wait3A_64 = arith.constant 0 : i32
    %dma_wait3A_65 = tpu.memref_slice %arg5[%dma_wait3A_64] : memref<100352xf32, #tpu.memory_space<hbm>> -> memref<100352xf32, #tpu.memory_space<hbm>>
    tpu.wait_indirect_dma semaphore(%arg12 : memref<!tpu.dma_semaphore, #tpu.memory_space<semaphore_mem>>) src(%dma_wait3A_65 : memref<100352xf32, #tpu.memory_space<hbm>>) dst(%dma_wait3A_61 : memref<128xf32, #tpu.memory_space<vmem>>)
    %dma_wait3A_66 = arith.constant 4736 : i32
    %dma_wait3A_67 = tpu.memref_slice %arg10[%dma_wait3A_66] : memref<5120xf32, #tpu.memory_space<vmem>> -> memref<128xf32, #tpu.memory_space<vmem>>
    %dma_wait3A_68 = arith.constant 4736 : i32
    %dma_wait3A_69 = tpu.memref_slice %arg8[%dma_wait3A_68] : memref<5120xi32, #tpu.memory_space<vmem>> -> memref<128xi32, #tpu.memory_space<vmem>>
    %dma_wait3A_70 = arith.constant 0 : i32
    %dma_wait3A_71 = tpu.memref_slice %arg4[%dma_wait3A_70] : memref<102760448xf32, #tpu.memory_space<hbm>> -> memref<102760448xf32, #tpu.memory_space<hbm>>
    tpu.wait_indirect_dma semaphore(%arg12 : memref<!tpu.dma_semaphore, #tpu.memory_space<semaphore_mem>>) src(%dma_wait3A_71 : memref<102760448xf32, #tpu.memory_space<hbm>>) dst(%dma_wait3A_67 : memref<128xf32, #tpu.memory_space<vmem>>)
    %dma_wait3A_72 = arith.constant 4736 : i32
    %dma_wait3A_73 = tpu.memref_slice %arg11[%dma_wait3A_72] : memref<5120xf32, #tpu.memory_space<vmem>> -> memref<128xf32, #tpu.memory_space<vmem>>
    %dma_wait3A_74 = arith.constant 4736 : i32
    %dma_wait3A_75 = tpu.memref_slice %arg9[%dma_wait3A_74] : memref<5120xi32, #tpu.memory_space<vmem>> -> memref<128xi32, #tpu.memory_space<vmem>>
    %dma_wait3A_76 = arith.constant 0 : i32
    %dma_wait3A_77 = tpu.memref_slice %arg5[%dma_wait3A_76] : memref<100352xf32, #tpu.memory_space<hbm>> -> memref<100352xf32, #tpu.memory_space<hbm>>
    tpu.wait_indirect_dma semaphore(%arg12 : memref<!tpu.dma_semaphore, #tpu.memory_space<semaphore_mem>>) src(%dma_wait3A_77 : memref<100352xf32, #tpu.memory_space<hbm>>) dst(%dma_wait3A_73 : memref<128xf32, #tpu.memory_space<vmem>>)
    %dma_wait3A_78 = arith.constant 4864 : i32
    %dma_wait3A_79 = tpu.memref_slice %arg10[%dma_wait3A_78] : memref<5120xf32, #tpu.memory_space<vmem>> -> memref<128xf32, #tpu.memory_space<vmem>>
    %dma_wait3A_80 = arith.constant 4864 : i32
    %dma_wait3A_81 = tpu.memref_slice %arg8[%dma_wait3A_80] : memref<5120xi32, #tpu.memory_space<vmem>> -> memref<128xi32, #tpu.memory_space<vmem>>
    %dma_wait3A_82 = arith.constant 0 : i32
    %dma_wait3A_83 = tpu.memref_slice %arg4[%dma_wait3A_82] : memref<102760448xf32, #tpu.memory_space<hbm>> -> memref<102760448xf32, #tpu.memory_space<hbm>>
    tpu.wait_indirect_dma semaphore(%arg12 : memref<!tpu.dma_semaphore, #tpu.memory_space<semaphore_mem>>) src(%dma_wait3A_83 : memref<102760448xf32, #tpu.memory_space<hbm>>) dst(%dma_wait3A_79 : memref<128xf32, #tpu.memory_space<vmem>>)
    %dma_wait3A_84 = arith.constant 4864 : i32
    %dma_wait3A_85 = tpu.memref_slice %arg11[%dma_wait3A_84] : memref<5120xf32, #tpu.memory_space<vmem>> -> memref<128xf32, #tpu.memory_space<vmem>>
    %dma_wait3A_86 = arith.constant 4864 : i32
    %dma_wait3A_87 = tpu.memref_slice %arg9[%dma_wait3A_86] : memref<5120xi32, #tpu.memory_space<vmem>> -> memref<128xi32, #tpu.memory_space<vmem>>
    %dma_wait3A_88 = arith.constant 0 : i32
    %dma_wait3A_89 = tpu.memref_slice %arg5[%dma_wait3A_88] : memref<100352xf32, #tpu.memory_space<hbm>> -> memref<100352xf32, #tpu.memory_space<hbm>>
    tpu.wait_indirect_dma semaphore(%arg12 : memref<!tpu.dma_semaphore, #tpu.memory_space<semaphore_mem>>) src(%dma_wait3A_89 : memref<100352xf32, #tpu.memory_space<hbm>>) dst(%dma_wait3A_85 : memref<128xf32, #tpu.memory_space<vmem>>)
    %dma_wait3A_90 = arith.constant 4992 : i32
    %dma_wait3A_91 = tpu.memref_slice %arg10[%dma_wait3A_90] : memref<5120xf32, #tpu.memory_space<vmem>> -> memref<128xf32, #tpu.memory_space<vmem>>
    %dma_wait3A_92 = arith.constant 4992 : i32
    %dma_wait3A_93 = tpu.memref_slice %arg8[%dma_wait3A_92] : memref<5120xi32, #tpu.memory_space<vmem>> -> memref<128xi32, #tpu.memory_space<vmem>>
    %dma_wait3A_94 = arith.constant 0 : i32
    %dma_wait3A_95 = tpu.memref_slice %arg4[%dma_wait3A_94] : memref<102760448xf32, #tpu.memory_space<hbm>> -> memref<102760448xf32, #tpu.memory_space<hbm>>
    tpu.wait_indirect_dma semaphore(%arg12 : memref<!tpu.dma_semaphore, #tpu.memory_space<semaphore_mem>>) src(%dma_wait3A_95 : memref<102760448xf32, #tpu.memory_space<hbm>>) dst(%dma_wait3A_91 : memref<128xf32, #tpu.memory_space<vmem>>)
    %dma_wait3A_96 = arith.constant 4992 : i32
    %dma_wait3A_97 = tpu.memref_slice %arg11[%dma_wait3A_96] : memref<5120xf32, #tpu.memory_space<vmem>> -> memref<128xf32, #tpu.memory_space<vmem>>
    %dma_wait3A_98 = arith.constant 4992 : i32
    %dma_wait3A_99 = tpu.memref_slice %arg9[%dma_wait3A_98] : memref<5120xi32, #tpu.memory_space<vmem>> -> memref<128xi32, #tpu.memory_space<vmem>>
    %dma_wait3A_100 = arith.constant 0 : i32
    %dma_wait3A_101 = tpu.memref_slice %arg5[%dma_wait3A_100] : memref<100352xf32, #tpu.memory_space<hbm>> -> memref<100352xf32, #tpu.memory_space<hbm>>
    tpu.wait_indirect_dma semaphore(%arg12 : memref<!tpu.dma_semaphore, #tpu.memory_space<semaphore_mem>>) src(%dma_wait3A_101 : memref<100352xf32, #tpu.memory_space<hbm>>) dst(%dma_wait3A_97 : memref<128xf32, #tpu.memory_space<vmem>>)
    "tpu.region"() ({
      %run_scoped3A = tpu.sem_alloc : memref<!tpu.dma_semaphore, #tpu.memory_space<semaphore_mem>>
      %dma_start3A_102 = tpu.memref_slice %arg6[%mul3A_2] : memref<163840xf32, #tpu.memory_space<hbm>> -> memref<5120xf32, #tpu.memory_space<hbm>>
      %dma_start3A_103 = tpu.memref_slice %arg6[%mul3A_2] : memref<163840xf32, #tpu.memory_space<hbm>> -> memref<5120xf32, #tpu.memory_space<hbm>>
      tpu.enqueue_dma source(%arg10 : memref<5120xf32, #tpu.memory_space<vmem>>) target(%dma_start3A_103 : memref<5120xf32, #tpu.memory_space<hbm>>) target_semaphore(%run_scoped3A : memref<!tpu.dma_semaphore, #tpu.memory_space<semaphore_mem>>)
      %dma_wait3A_104 = tpu.memref_slice %arg6[%mul3A_2] : memref<163840xf32, #tpu.memory_space<hbm>> -> memref<5120xf32, #tpu.memory_space<hbm>>
      %dma_wait3A_105 = tpu.memref_slice %arg6[%mul3A_2] : memref<163840xf32, #tpu.memory_space<hbm>> -> memref<5120xf32, #tpu.memory_space<hbm>>
      tpu.wait_dma2 semaphore(%run_scoped3A : memref<!tpu.dma_semaphore, #tpu.memory_space<semaphore_mem>>) src(%arg10 : memref<5120xf32, #tpu.memory_space<vmem>>) dst(%dma_wait3A_105 : memref<5120xf32, #tpu.memory_space<hbm>>)
      tpu.yield
    }) : () -> ()
    "tpu.region"() ({
      %run_scoped3A = tpu.sem_alloc : memref<!tpu.dma_semaphore, #tpu.memory_space<semaphore_mem>>
      %dma_start3A_102 = tpu.memref_slice %arg7[%mul3A_2] : memref<163840xf32, #tpu.memory_space<hbm>> -> memref<5120xf32, #tpu.memory_space<hbm>>
      %dma_start3A_103 = tpu.memref_slice %arg7[%mul3A_2] : memref<163840xf32, #tpu.memory_space<hbm>> -> memref<5120xf32, #tpu.memory_space<hbm>>
      tpu.enqueue_dma source(%arg11 : memref<5120xf32, #tpu.memory_space<vmem>>) target(%dma_start3A_103 : memref<5120xf32, #tpu.memory_space<hbm>>) target_semaphore(%run_scoped3A : memref<!tpu.dma_semaphore, #tpu.memory_space<semaphore_mem>>)
      %dma_wait3A_104 = tpu.memref_slice %arg7[%mul3A_2] : memref<163840xf32, #tpu.memory_space<hbm>> -> memref<5120xf32, #tpu.memory_space<hbm>>
      %dma_wait3A_105 = tpu.memref_slice %arg7[%mul3A_2] : memref<163840xf32, #tpu.memory_space<hbm>> -> memref<5120xf32, #tpu.memory_space<hbm>>
      tpu.wait_dma2 semaphore(%run_scoped3A : memref<!tpu.dma_semaphore, #tpu.memory_space<semaphore_mem>>) src(%arg11 : memref<5120xf32, #tpu.memory_space<vmem>>) dst(%dma_wait3A_105 : memref<5120xf32, #tpu.memory_space<hbm>>)
      tpu.yield
    }) : () -> ()
    return
  }
}

module attributes {stable_mosaic.version = 14 : i64} {
  func.func @_score_kernel(%arg0: i32, %arg1: memref<1024x128xf32, #tpu.memory_space<vmem>>, %arg2: memref<2048x128xf32, #tpu.memory_space<vmem>>, %arg3: memref<1x1x2048xf32, #tpu.memory_space<vmem>>, %arg4: memref<784x128xf32, #tpu.memory_space<vmem>>, %arg5: memref<16x1024x128xf32, #tpu.memory_space<vmem>>, %arg6: memref<1024x128xf32, #tpu.memory_space<vmem>>, %arg7: memref<1x1xf32, #tpu.memory_space<vmem>>, %arg8: memref<1xf32, #tpu.memory_space<smem>>) attributes {dimension_semantics = [#tpu.dimension_semantics<arbitrary>], iteration_bounds = array<i64: 49>, scalar_prefetch = 0 : i64, scratch_operands = 1 : i64, tpu.core_type = #tpu.core_type<tc>, window_params = [{pipeline_mode = #tpu.pipeline_mode<synchronous>, transform_indices = @transform_0, window_bounds = array<i64: 1024, 128>}, {transform_indices = @transform_1, window_bounds = array<i64: 2048, 128>}, {transform_indices = @transform_2, window_bounds = array<i64: 1, 1, 2048>}, {pipeline_mode = #tpu.pipeline_mode<synchronous>, transform_indices = @transform_3, window_bounds = array<i64: 784, 128>}, {transform_indices = @transform_4, window_bounds = array<i64: 16, 1024, 128>}, {transform_indices = @transform_5, window_bounds = array<i64: 1024, 128>}, {pipeline_mode = #tpu.pipeline_mode<synchronous>, transform_indices = @transform_6, window_bounds = array<i64: 1, 1>}]} {
    %eq3A = arith.constant 0 : i32
    %eq3A_0 = arith.cmpi eq, %arg0, %eq3A : i32
    %convert_element_type3A = arith.extui %eq3A_0 : i1 to i32
    %cond3A = arith.constant 0 : i32
    %cond3A_1 = arith.cmpi ne, %convert_element_type3A, %cond3A : i32
    scf.if %cond3A_1 {
      %get3A_178 = arith.constant 0 : index
      %get3A_179 = arith.constant 0 : index
      %get3A_180 = vector.load %arg4[%get3A_178, %get3A_179] : memref<784x128xf32, #tpu.memory_space<vmem>>, vector<784x128xf32>
      %max3A = arith.constant 0.000000e+00 : f32
      %max3A_181 = vector.broadcast %max3A : f32 to vector<784x128xf32>
      %max3A_182 = arith.maximumf %get3A_180, %max3A_181 : vector<784x128xf32>
      %reduce_max3A = vector.shape_cast %max3A_182 : vector<784x128xf32> to vector<1x784x128xf32>
      %reduce_max3A_183 = arith.constant dense<0xFF800000> : vector<1xf32>
      %reduce_max3A_184 = vector.multi_reduction <maximumf>, %reduce_max3A, %reduce_max3A_183 [1, 2] : vector<1x784x128xf32> to vector<1xf32>
      %reduce_max3A_185 = vector.shape_cast %reduce_max3A_184 : vector<1xf32> to vector<1x1x1xf32>
      %reduce_max3A_186 = vector.extract %reduce_max3A_185[0, 0, 0] : f32 from vector<1x1x1xf32>
      %swap3A_187 = arith.constant 0 : index
      %swap3A_188 = memref.load %arg8[%swap3A_187] : memref<1xf32, #tpu.memory_space<smem>>
      memref.store %reduce_max3A_186, %arg8[%swap3A_187] : memref<1xf32, #tpu.memory_space<smem>>
    } else {
    }
    %get3A = arith.constant 0 : index
    %get3A_2 = memref.load %arg8[%get3A] : memref<1xf32, #tpu.memory_space<smem>>
    %broadcast_in_dim3A = vector.broadcast %get3A_2 : f32 to vector<1x1xf32>
    %swap3A = arith.constant 0 : index
    %swap3A_3 = arith.constant 0 : index
    %swap3A_4 = vector.load %arg7[%swap3A, %swap3A_3] : memref<1x1xf32, #tpu.memory_space<vmem>>, vector<1x1xf32>
    tpu.vector_store %arg7[%swap3A, %swap3A_3], %broadcast_in_dim3A {strides = array<i32>} : memref<1x1xf32, #tpu.memory_space<vmem>>, vector<1x1xf32>,
    %get3A_5 = arith.constant 0 : index
    %get3A_6 = arith.constant 0 : index
    %get3A_7 = vector.load %arg1[%get3A_5, %get3A_6] : memref<1024x128xf32, #tpu.memory_space<vmem>>, vector<1024x128xf32>
    %get3A_8 = arith.constant 0 : index
    %get3A_9 = arith.constant 0 : index
    %get3A_10 = vector.load %arg2[%get3A_8, %get3A_9] : memref<2048x128xf32, #tpu.memory_space<vmem>>, vector<2048x128xf32>
    %dot_general3A = arith.constant dense<0.000000e+00> : vector<1024x2048xf32>
    %dot_general3A_11 = tpu.matmul %get3A_7, %get3A_10, %dot_general3A {dimension_numbers = #tpu.dot_dimension_numbers<[1], [1], [0], [0], [0, 0, 1, 0], [], []>, transpose_lhs_hint = false} : vector<1024x128xf32>, vector<2048x128xf32>, vector<1024x2048xf32> -> vector<1024x2048xf32>
    %mul3A = arith.constant -2.000000e+00 : f32
    %mul3A_12 = vector.broadcast %mul3A : f32 to vector<1024x2048xf32>
    %mul3A_13 = arith.mulf %mul3A_12, %dot_general3A_11 : vector<1024x2048xf32>
    %mul3A_14 = arith.mulf %get3A_10, %get3A_10 : vector<2048x128xf32>
    %reduce_sum3A = arith.constant dense<0.000000e+00> : vector<2048xf32>
    %reduce_sum3A_15 = vector.multi_reduction <add>, %mul3A_14, %reduce_sum3A [1] : vector<2048x128xf32> to vector<2048xf32>
    %get3A_16 = arith.constant 0 : index
    %get3A_17 = arith.constant 0 : index
    %get3A_18 = arith.constant 0 : index
    %get3A_19 = vector.load %arg3[%get3A_16, %get3A_17, %get3A_18] : memref<1x1x2048xf32, #tpu.memory_space<vmem>>, vector<1x1x2048xf32>
    %get3A_20 = vector.shape_cast %get3A_19 : vector<1x1x2048xf32> to vector<1x2048xf32>
    %broadcast_in_dim3A_21 = vector.shape_cast %reduce_sum3A_15 : vector<2048xf32> to vector<1x2048xf32>
    %sub3A = vector.broadcast %get3A_2 : f32 to vector<1x2048xf32>
    %sub3A_22 = arith.subf %sub3A, %get3A_20 : vector<1x2048xf32>
    %div3A = arith.constant 1.000000e+00 : f32
    %div3A_23 = vector.broadcast %div3A : f32 to vector<1x2048xf32>
    %div3A_24 = arith.divf %sub3A_22, %div3A_23 : vector<1x2048xf32>
    %add3A = arith.addf %broadcast_in_dim3A_21, %div3A_24 : vector<1x2048xf32>
    %add3A_25 = vector.broadcast %add3A : vector<1x2048xf32> to vector<1024x2048xf32>
    %add3A_26 = arith.addf %mul3A_13, %add3A_25 : vector<1024x2048xf32>
    %iota3A = tpu.iota {dimensions = array<i32: 1>} : vector<1024x2048xi32>
    %mul3A_27 = arith.constant 2048 : i32
    %mul3A_28 = arith.muli %arg0, %mul3A_27 : i32
    %add3A_29 = vector.broadcast %mul3A_28 : i32 to vector<1024x2048xi32>
    %add3A_30 = arith.addi %add3A_29, %iota3A : vector<1024x2048xi32>
    %ge3A = arith.constant 100000 : i32
    %ge3A_31 = vector.broadcast %ge3A : i32 to vector<1024x2048xi32>
    %ge3A_32 = arith.cmpi sge, %add3A_30, %ge3A_31 : vector<1024x2048xi32>
    %jit3A = arith.constant 3.000000e+38 : f32
    %broadcast_in_dim3A_33 = vector.broadcast %jit3A : f32 to vector<1024x2048xf32>
    %select_n3A = arith.select %ge3A_32, %broadcast_in_dim3A_33, %add3A_26 : vector<1024x2048xi1>, vector<1024x2048xf32>
    %slice3A = vector.extract_strided_slice %select_n3A {offsets = [0, 0], sizes = [1024, 128], strides = [1, 1]} : vector<1024x2048xf32> to vector<1024x128xf32>
    %swap3A_34 = arith.constant 0 : index
    %swap3A_35 = arith.constant 0 : index
    %swap3A_36 = arith.constant 0 : index
    %swap3A_37 = vector.load %arg5[%swap3A_34, %swap3A_35, %swap3A_36] : memref<16x1024x128xf32, #tpu.memory_space<vmem>>, vector<1x1024x128xf32>
    %swap3A_38 = vector.shape_cast %swap3A_37 : vector<1x1024x128xf32> to vector<1024x128xf32>
    %swap3A_39 = vector.shape_cast %slice3A : vector<1024x128xf32> to vector<1x1024x128xf32>
    tpu.vector_store %arg5[%swap3A_34, %swap3A_35, %swap3A_36], %swap3A_39 {strides = array<i32>} : memref<16x1024x128xf32, #tpu.memory_space<vmem>>, vector<1x1024x128xf32>,
    %slice3A_40 = vector.extract_strided_slice %select_n3A {offsets = [0, 128], sizes = [1024, 128], strides = [1, 1]} : vector<1024x2048xf32> to vector<1024x128xf32>
    %swap3A_41 = arith.constant 1 : index
    %swap3A_42 = arith.constant 0 : index
    %swap3A_43 = arith.constant 0 : index
    %swap3A_44 = vector.load %arg5[%swap3A_41, %swap3A_42, %swap3A_43] : memref<16x1024x128xf32, #tpu.memory_space<vmem>>, vector<1x1024x128xf32>
    %swap3A_45 = vector.shape_cast %swap3A_44 : vector<1x1024x128xf32> to vector<1024x128xf32>
    %swap3A_46 = vector.shape_cast %slice3A_40 : vector<1024x128xf32> to vector<1x1024x128xf32>
    tpu.vector_store %arg5[%swap3A_41, %swap3A_42, %swap3A_43], %swap3A_46 {strides = array<i32>} : memref<16x1024x128xf32, #tpu.memory_space<vmem>>, vector<1x1024x128xf32>,
    %slice3A_47 = vector.extract_strided_slice %select_n3A {offsets = [0, 256], sizes = [1024, 128], strides = [1, 1]} : vector<1024x2048xf32> to vector<1024x128xf32>
    %swap3A_48 = arith.constant 2 : index
    %swap3A_49 = arith.constant 0 : index
    %swap3A_50 = arith.constant 0 : index
    %swap3A_51 = vector.load %arg5[%swap3A_48, %swap3A_49, %swap3A_50] : memref<16x1024x128xf32, #tpu.memory_space<vmem>>, vector<1x1024x128xf32>
    %swap3A_52 = vector.shape_cast %swap3A_51 : vector<1x1024x128xf32> to vector<1024x128xf32>
    %swap3A_53 = vector.shape_cast %slice3A_47 : vector<1024x128xf32> to vector<1x1024x128xf32>
    tpu.vector_store %arg5[%swap3A_48, %swap3A_49, %swap3A_50], %swap3A_53 {strides = array<i32>} : memref<16x1024x128xf32, #tpu.memory_space<vmem>>, vector<1x1024x128xf32>,
    %slice3A_54 = vector.extract_strided_slice %select_n3A {offsets = [0, 384], sizes = [1024, 128], strides = [1, 1]} : vector<1024x2048xf32> to vector<1024x128xf32>
    %swap3A_55 = arith.constant 3 : index
    %swap3A_56 = arith.constant 0 : index
    %swap3A_57 = arith.constant 0 : index
    %swap3A_58 = vector.load %arg5[%swap3A_55, %swap3A_56, %swap3A_57] : memref<16x1024x128xf32, #tpu.memory_space<vmem>>, vector<1x1024x128xf32>
    %swap3A_59 = vector.shape_cast %swap3A_58 : vector<1x1024x128xf32> to vector<1024x128xf32>
    %swap3A_60 = vector.shape_cast %slice3A_54 : vector<1024x128xf32> to vector<1x1024x128xf32>
    tpu.vector_store %arg5[%swap3A_55, %swap3A_56, %swap3A_57], %swap3A_60 {strides = array<i32>} : memref<16x1024x128xf32, #tpu.memory_space<vmem>>, vector<1x1024x128xf32>,
    %slice3A_61 = vector.extract_strided_slice %select_n3A {offsets = [0, 512], sizes = [1024, 128], strides = [1, 1]} : vector<1024x2048xf32> to vector<1024x128xf32>
    %swap3A_62 = arith.constant 4 : index
    %swap3A_63 = arith.constant 0 : index
    %swap3A_64 = arith.constant 0 : index
    %swap3A_65 = vector.load %arg5[%swap3A_62, %swap3A_63, %swap3A_64] : memref<16x1024x128xf32, #tpu.memory_space<vmem>>, vector<1x1024x128xf32>
    %swap3A_66 = vector.shape_cast %swap3A_65 : vector<1x1024x128xf32> to vector<1024x128xf32>
    %swap3A_67 = vector.shape_cast %slice3A_61 : vector<1024x128xf32> to vector<1x1024x128xf32>
    tpu.vector_store %arg5[%swap3A_62, %swap3A_63, %swap3A_64], %swap3A_67 {strides = array<i32>} : memref<16x1024x128xf32, #tpu.memory_space<vmem>>, vector<1x1024x128xf32>,
    %slice3A_68 = vector.extract_strided_slice %select_n3A {offsets = [0, 640], sizes = [1024, 128], strides = [1, 1]} : vector<1024x2048xf32> to vector<1024x128xf32>
    %swap3A_69 = arith.constant 5 : index
    %swap3A_70 = arith.constant 0 : index
    %swap3A_71 = arith.constant 0 : index
    %swap3A_72 = vector.load %arg5[%swap3A_69, %swap3A_70, %swap3A_71] : memref<16x1024x128xf32, #tpu.memory_space<vmem>>, vector<1x1024x128xf32>
    %swap3A_73 = vector.shape_cast %swap3A_72 : vector<1x1024x128xf32> to vector<1024x128xf32>
    %swap3A_74 = vector.shape_cast %slice3A_68 : vector<1024x128xf32> to vector<1x1024x128xf32>
    tpu.vector_store %arg5[%swap3A_69, %swap3A_70, %swap3A_71], %swap3A_74 {strides = array<i32>} : memref<16x1024x128xf32, #tpu.memory_space<vmem>>, vector<1x1024x128xf32>,
    %slice3A_75 = vector.extract_strided_slice %select_n3A {offsets = [0, 768], sizes = [1024, 128], strides = [1, 1]} : vector<1024x2048xf32> to vector<1024x128xf32>
    %swap3A_76 = arith.constant 6 : index
    %swap3A_77 = arith.constant 0 : index
    %swap3A_78 = arith.constant 0 : index
    %swap3A_79 = vector.load %arg5[%swap3A_76, %swap3A_77, %swap3A_78] : memref<16x1024x128xf32, #tpu.memory_space<vmem>>, vector<1x1024x128xf32>
    %swap3A_80 = vector.shape_cast %swap3A_79 : vector<1x1024x128xf32> to vector<1024x128xf32>
    %swap3A_81 = vector.shape_cast %slice3A_75 : vector<1024x128xf32> to vector<1x1024x128xf32>
    tpu.vector_store %arg5[%swap3A_76, %swap3A_77, %swap3A_78], %swap3A_81 {strides = array<i32>} : memref<16x1024x128xf32, #tpu.memory_space<vmem>>, vector<1x1024x128xf32>,
    %slice3A_82 = vector.extract_strided_slice %select_n3A {offsets = [0, 896], sizes = [1024, 128], strides = [1, 1]} : vector<1024x2048xf32> to vector<1024x128xf32>
    %swap3A_83 = arith.constant 7 : index
    %swap3A_84 = arith.constant 0 : index
    %swap3A_85 = arith.constant 0 : index
    %swap3A_86 = vector.load %arg5[%swap3A_83, %swap3A_84, %swap3A_85] : memref<16x1024x128xf32, #tpu.memory_space<vmem>>, vector<1x1024x128xf32>
    %swap3A_87 = vector.shape_cast %swap3A_86 : vector<1x1024x128xf32> to vector<1024x128xf32>
    %swap3A_88 = vector.shape_cast %slice3A_82 : vector<1024x128xf32> to vector<1x1024x128xf32>
    tpu.vector_store %arg5[%swap3A_83, %swap3A_84, %swap3A_85], %swap3A_88 {strides = array<i32>} : memref<16x1024x128xf32, #tpu.memory_space<vmem>>, vector<1x1024x128xf32>,
    %slice3A_89 = vector.extract_strided_slice %select_n3A {offsets = [0, 1024], sizes = [1024, 128], strides = [1, 1]} : vector<1024x2048xf32> to vector<1024x128xf32>
    %swap3A_90 = arith.constant 8 : index
    %swap3A_91 = arith.constant 0 : index
    %swap3A_92 = arith.constant 0 : index
    %swap3A_93 = vector.load %arg5[%swap3A_90, %swap3A_91, %swap3A_92] : memref<16x1024x128xf32, #tpu.memory_space<vmem>>, vector<1x1024x128xf32>
    %swap3A_94 = vector.shape_cast %swap3A_93 : vector<1x1024x128xf32> to vector<1024x128xf32>
    %swap3A_95 = vector.shape_cast %slice3A_89 : vector<1024x128xf32> to vector<1x1024x128xf32>
    tpu.vector_store %arg5[%swap3A_90, %swap3A_91, %swap3A_92], %swap3A_95 {strides = array<i32>} : memref<16x1024x128xf32, #tpu.memory_space<vmem>>, vector<1x1024x128xf32>,
    %slice3A_96 = vector.extract_strided_slice %select_n3A {offsets = [0, 1152], sizes = [1024, 128], strides = [1, 1]} : vector<1024x2048xf32> to vector<1024x128xf32>
    %swap3A_97 = arith.constant 9 : index
    %swap3A_98 = arith.constant 0 : index
    %swap3A_99 = arith.constant 0 : index
    %swap3A_100 = vector.load %arg5[%swap3A_97, %swap3A_98, %swap3A_99] : memref<16x1024x128xf32, #tpu.memory_space<vmem>>, vector<1x1024x128xf32>
    %swap3A_101 = vector.shape_cast %swap3A_100 : vector<1x1024x128xf32> to vector<1024x128xf32>
    %swap3A_102 = vector.shape_cast %slice3A_96 : vector<1024x128xf32> to vector<1x1024x128xf32>
    tpu.vector_store %arg5[%swap3A_97, %swap3A_98, %swap3A_99], %swap3A_102 {strides = array<i32>} : memref<16x1024x128xf32, #tpu.memory_space<vmem>>, vector<1x1024x128xf32>,
    %slice3A_103 = vector.extract_strided_slice %select_n3A {offsets = [0, 1280], sizes = [1024, 128], strides = [1, 1]} : vector<1024x2048xf32> to vector<1024x128xf32>
    %swap3A_104 = arith.constant 10 : index
    %swap3A_105 = arith.constant 0 : index
    %swap3A_106 = arith.constant 0 : index
    %swap3A_107 = vector.load %arg5[%swap3A_104, %swap3A_105, %swap3A_106] : memref<16x1024x128xf32, #tpu.memory_space<vmem>>, vector<1x1024x128xf32>
    %swap3A_108 = vector.shape_cast %swap3A_107 : vector<1x1024x128xf32> to vector<1024x128xf32>
    %swap3A_109 = vector.shape_cast %slice3A_103 : vector<1024x128xf32> to vector<1x1024x128xf32>
    tpu.vector_store %arg5[%swap3A_104, %swap3A_105, %swap3A_106], %swap3A_109 {strides = array<i32>} : memref<16x1024x128xf32, #tpu.memory_space<vmem>>, vector<1x1024x128xf32>,
    %slice3A_110 = vector.extract_strided_slice %select_n3A {offsets = [0, 1408], sizes = [1024, 128], strides = [1, 1]} : vector<1024x2048xf32> to vector<1024x128xf32>
    %swap3A_111 = arith.constant 11 : index
    %swap3A_112 = arith.constant 0 : index
    %swap3A_113 = arith.constant 0 : index
    %swap3A_114 = vector.load %arg5[%swap3A_111, %swap3A_112, %swap3A_113] : memref<16x1024x128xf32, #tpu.memory_space<vmem>>, vector<1x1024x128xf32>
    %swap3A_115 = vector.shape_cast %swap3A_114 : vector<1x1024x128xf32> to vector<1024x128xf32>
    %swap3A_116 = vector.shape_cast %slice3A_110 : vector<1024x128xf32> to vector<1x1024x128xf32>
    tpu.vector_store %arg5[%swap3A_111, %swap3A_112, %swap3A_113], %swap3A_116 {strides = array<i32>} : memref<16x1024x128xf32, #tpu.memory_space<vmem>>, vector<1x1024x128xf32>,
    %slice3A_117 = vector.extract_strided_slice %select_n3A {offsets = [0, 1536], sizes = [1024, 128], strides = [1, 1]} : vector<1024x2048xf32> to vector<1024x128xf32>
    %swap3A_118 = arith.constant 12 : index
    %swap3A_119 = arith.constant 0 : index
    %swap3A_120 = arith.constant 0 : index
    %swap3A_121 = vector.load %arg5[%swap3A_118, %swap3A_119, %swap3A_120] : memref<16x1024x128xf32, #tpu.memory_space<vmem>>, vector<1x1024x128xf32>
    %swap3A_122 = vector.shape_cast %swap3A_121 : vector<1x1024x128xf32> to vector<1024x128xf32>
    %swap3A_123 = vector.shape_cast %slice3A_117 : vector<1024x128xf32> to vector<1x1024x128xf32>
    tpu.vector_store %arg5[%swap3A_118, %swap3A_119, %swap3A_120], %swap3A_123 {strides = array<i32>} : memref<16x1024x128xf32, #tpu.memory_space<vmem>>, vector<1x1024x128xf32>,
    %slice3A_124 = vector.extract_strided_slice %select_n3A {offsets = [0, 1664], sizes = [1024, 128], strides = [1, 1]} : vector<1024x2048xf32> to vector<1024x128xf32>
    %swap3A_125 = arith.constant 13 : index
    %swap3A_126 = arith.constant 0 : index
    %swap3A_127 = arith.constant 0 : index
    %swap3A_128 = vector.load %arg5[%swap3A_125, %swap3A_126, %swap3A_127] : memref<16x1024x128xf32, #tpu.memory_space<vmem>>, vector<1x1024x128xf32>
    %swap3A_129 = vector.shape_cast %swap3A_128 : vector<1x1024x128xf32> to vector<1024x128xf32>
    %swap3A_130 = vector.shape_cast %slice3A_124 : vector<1024x128xf32> to vector<1x1024x128xf32>
    tpu.vector_store %arg5[%swap3A_125, %swap3A_126, %swap3A_127], %swap3A_130 {strides = array<i32>} : memref<16x1024x128xf32, #tpu.memory_space<vmem>>, vector<1x1024x128xf32>,
    %slice3A_131 = vector.extract_strided_slice %select_n3A {offsets = [0, 1792], sizes = [1024, 128], strides = [1, 1]} : vector<1024x2048xf32> to vector<1024x128xf32>
    %swap3A_132 = arith.constant 14 : index
    %swap3A_133 = arith.constant 0 : index
    %swap3A_134 = arith.constant 0 : index
    %swap3A_135 = vector.load %arg5[%swap3A_132, %swap3A_133, %swap3A_134] : memref<16x1024x128xf32, #tpu.memory_space<vmem>>, vector<1x1024x128xf32>
    %swap3A_136 = vector.shape_cast %swap3A_135 : vector<1x1024x128xf32> to vector<1024x128xf32>
    %swap3A_137 = vector.shape_cast %slice3A_131 : vector<1024x128xf32> to vector<1x1024x128xf32>
    tpu.vector_store %arg5[%swap3A_132, %swap3A_133, %swap3A_134], %swap3A_137 {strides = array<i32>} : memref<16x1024x128xf32, #tpu.memory_space<vmem>>, vector<1x1024x128xf32>,
    %slice3A_138 = vector.extract_strided_slice %select_n3A {offsets = [0, 1920], sizes = [1024, 128], strides = [1, 1]} : vector<1024x2048xf32> to vector<1024x128xf32>
    %swap3A_139 = arith.constant 15 : index
    %swap3A_140 = arith.constant 0 : index
    %swap3A_141 = arith.constant 0 : index
    %swap3A_142 = vector.load %arg5[%swap3A_139, %swap3A_140, %swap3A_141] : memref<16x1024x128xf32, #tpu.memory_space<vmem>>, vector<1x1024x128xf32>
    %swap3A_143 = vector.shape_cast %swap3A_142 : vector<1x1024x128xf32> to vector<1024x128xf32>
    %swap3A_144 = vector.shape_cast %slice3A_138 : vector<1024x128xf32> to vector<1x1024x128xf32>
    tpu.vector_store %arg5[%swap3A_139, %swap3A_140, %swap3A_141], %swap3A_144 {strides = array<i32>} : memref<16x1024x128xf32, #tpu.memory_space<vmem>>, vector<1x1024x128xf32>,
    %slice3A_145 = vector.extract_strided_slice %select_n3A {offsets = [0, 0], sizes = [1024, 128], strides = [1, 1]} : vector<1024x2048xf32> to vector<1024x128xf32>
    %slice3A_146 = vector.extract_strided_slice %select_n3A {offsets = [0, 128], sizes = [1024, 128], strides = [1, 1]} : vector<1024x2048xf32> to vector<1024x128xf32>
    %min3A = arith.minimumf %slice3A_145, %slice3A_146 : vector<1024x128xf32>
    %slice3A_147 = vector.extract_strided_slice %select_n3A {offsets = [0, 256], sizes = [1024, 128], strides = [1, 1]} : vector<1024x2048xf32> to vector<1024x128xf32>
    %min3A_148 = arith.minimumf %min3A, %slice3A_147 : vector<1024x128xf32>
    %slice3A_149 = vector.extract_strided_slice %select_n3A {offsets = [0, 384], sizes = [1024, 128], strides = [1, 1]} : vector<1024x2048xf32> to vector<1024x128xf32>
    %min3A_150 = arith.minimumf %min3A_148, %slice3A_149 : vector<1024x128xf32>
    %slice3A_151 = vector.extract_strided_slice %select_n3A {offsets = [0, 512], sizes = [1024, 128], strides = [1, 1]} : vector<1024x2048xf32> to vector<1024x128xf32>
    %min3A_152 = arith.minimumf %min3A_150, %slice3A_151 : vector<1024x128xf32>
    %slice3A_153 = vector.extract_strided_slice %select_n3A {offsets = [0, 640], sizes = [1024, 128], strides = [1, 1]} : vector<1024x2048xf32> to vector<1024x128xf32>
    %min3A_154 = arith.minimumf %min3A_152, %slice3A_153 : vector<1024x128xf32>
    %slice3A_155 = vector.extract_strided_slice %select_n3A {offsets = [0, 768], sizes = [1024, 128], strides = [1, 1]} : vector<1024x2048xf32> to vector<1024x128xf32>
    %min3A_156 = arith.minimumf %min3A_154, %slice3A_155 : vector<1024x128xf32>
    %slice3A_157 = vector.extract_strided_slice %select_n3A {offsets = [0, 896], sizes = [1024, 128], strides = [1, 1]} : vector<1024x2048xf32> to vector<1024x128xf32>
    %min3A_158 = arith.minimumf %min3A_156, %slice3A_157 : vector<1024x128xf32>
    %slice3A_159 = vector.extract_strided_slice %select_n3A {offsets = [0, 1024], sizes = [1024, 128], strides = [1, 1]} : vector<1024x2048xf32> to vector<1024x128xf32>
    %min3A_160 = arith.minimumf %min3A_158, %slice3A_159 : vector<1024x128xf32>
    %slice3A_161 = vector.extract_strided_slice %select_n3A {offsets = [0, 1152], sizes = [1024, 128], strides = [1, 1]} : vector<1024x2048xf32> to vector<1024x128xf32>
    %min3A_162 = arith.minimumf %min3A_160, %slice3A_161 : vector<1024x128xf32>
    %slice3A_163 = vector.extract_strided_slice %select_n3A {offsets = [0, 1280], sizes = [1024, 128], strides = [1, 1]} : vector<1024x2048xf32> to vector<1024x128xf32>
    %min3A_164 = arith.minimumf %min3A_162, %slice3A_163 : vector<1024x128xf32>
    %slice3A_165 = vector.extract_strided_slice %select_n3A {offsets = [0, 1408], sizes = [1024, 128], strides = [1, 1]} : vector<1024x2048xf32> to vector<1024x128xf32>
    %min3A_166 = arith.minimumf %min3A_164, %slice3A_165 : vector<1024x128xf32>
    %slice3A_167 = vector.extract_strided_slice %select_n3A {offsets = [0, 1536], sizes = [1024, 128], strides = [1, 1]} : vector<1024x2048xf32> to vector<1024x128xf32>
    %min3A_168 = arith.minimumf %min3A_166, %slice3A_167 : vector<1024x128xf32>
    %slice3A_169 = vector.extract_strided_slice %select_n3A {offsets = [0, 1664], sizes = [1024, 128], strides = [1, 1]} : vector<1024x2048xf32> to vector<1024x128xf32>
    %min3A_170 = arith.minimumf %min3A_168, %slice3A_169 : vector<1024x128xf32>
    %slice3A_171 = vector.extract_strided_slice %select_n3A {offsets = [0, 1792], sizes = [1024, 128], strides = [1, 1]} : vector<1024x2048xf32> to vector<1024x128xf32>
    %min3A_172 = arith.minimumf %min3A_170, %slice3A_171 : vector<1024x128xf32>
    %slice3A_173 = vector.extract_strided_slice %select_n3A {offsets = [0, 1920], sizes = [1024, 128], strides = [1, 1]} : vector<1024x2048xf32> to vector<1024x128xf32>
    %min3A_174 = arith.minimumf %min3A_172, %slice3A_173 : vector<1024x128xf32>
    %swap3A_175 = arith.constant 0 : index
    %swap3A_176 = arith.constant 0 : index
    %swap3A_177 = vector.load %arg6[%swap3A_175, %swap3A_176] : memref<1024x128xf32, #tpu.memory_space<vmem>>, vector<1024x128xf32>
    tpu.vector_store %arg6[%swap3A_175, %swap3A_176], %min3A_174 {strides = array<i32>} : memref<1024x128xf32, #tpu.memory_space<vmem>>, vector<1024x128xf32>,
    return
  }
  func.func @transform_0(%arg0: i32) -> (i32, i32) {
    %c0_i32 = arith.constant 0 : i32
    %c0_i32_0 = arith.constant 0 : i32
    %c0_i32_1 = arith.constant 0 : i32
    return %c0_i32, %c0_i32_0 : i32, i32
  }
  func.func @transform_1(%arg0: i32) -> (i32, i32) {
    %c0_i32 = arith.constant 0 : i32
    %c0_i32_0 = arith.constant 0 : i32
    return %arg0, %c0_i32 : i32, i32
  }
  func.func @transform_2(%arg0: i32) -> (i32, i32, i32) {
    %c0_i32 = arith.constant 0 : i32
    %c0_i32_0 = arith.constant 0 : i32
    %c0_i32_1 = arith.constant 0 : i32
    return %arg0, %c0_i32, %c0_i32_0 : i32, i32, i32
  }
  func.func @transform_3(%arg0: i32) -> (i32, i32) {
    %c0_i32 = arith.constant 0 : i32
    %c0_i32_0 = arith.constant 0 : i32
    %c0_i32_1 = arith.constant 0 : i32
    return %c0_i32, %c0_i32_0 : i32, i32
  }
  func.func @transform_4(%arg0: i32) -> (i32, i32, i32) {
    %c0_i32 = arith.constant 0 : i32
    %c0_i32_0 = arith.constant 0 : i32
    %c0_i32_1 = arith.constant 0 : i32
    return %arg0, %c0_i32, %c0_i32_0 : i32, i32, i32
  }
  func.func @transform_5(%arg0: i32) -> (i32, i32) {
    %c0_i32 = arith.constant 0 : i32
    %c0_i32_0 = arith.constant 0 : i32
    return %c0_i32, %arg0 : i32, i32
  }
  func.func @transform_6(%arg0: i32) -> (i32, i32) {
    %c0_i32 = arith.constant 0 : i32
    %c0_i32_0 = arith.constant 0 : i32
    %c0_i32_1 = arith.constant 0 : i32
    return %c0_i32, %c0_i32_0 : i32, i32
  }
}

module attributes {stable_mosaic.version = 14 : i64} {
  func.func @_group_select_kernel(%arg0: i32, %arg1: memref<256x6272xf32, #tpu.memory_space<vmem>>, %arg2: memref<256x160xi32, #tpu.memory_space<vmem>>, %arg3: memref<256x160xi32, #tpu.memory_space<vmem>>) attributes {dimension_semantics = [#tpu.dimension_semantics<arbitrary>], iteration_bounds = array<i64: 4>, scalar_prefetch = 0 : i64, scratch_operands = 0 : i64, tpu.core_type = #tpu.core_type<tc>, window_params = [{transform_indices = @transform_0, window_bounds = array<i64: 256, 6272>}, {transform_indices = @transform_1, window_bounds = array<i64: 256, 160>}, {transform_indices = @transform_2, window_bounds = array<i64: 256, 160>}]} {
    %get3A = arith.constant 0 : index
    %get3A_0 = arith.constant 0 : index
    %get3A_1 = vector.load %arg1[%get3A, %get3A_0] : memref<256x6272xf32, #tpu.memory_space<vmem>>, vector<256x6272xf32>
    %iota3A = tpu.iota {dimensions = array<i32: 1>} : vector<256x6272xi32>
    %iota3A_2 = tpu.iota {dimensions = array<i32: 1>} : vector<256x160xi32>
    %mul3A = arith.constant 256 : i32
    %mul3A_3 = arith.muli %arg0, %mul3A : i32
    %iota3A_4 = tpu.iota {dimensions = array<i32: 0>} : vector<256x160xi32>
    %add3A = vector.broadcast %mul3A_3 : i32 to vector<256x160xi32>
    %add3A_5 = arith.addi %add3A, %iota3A_4 : vector<256x160xi32>
    %jit3A = arith.constant 16 : i32
    %eq3A = arith.constant 0 : i32
    %eq3A_6 = arith.cmpi eq, %jit3A, %eq3A : i32
    %jit3A_7 = arith.constant 1 : i32
    %select_n3A = arith.select %eq3A_6, %jit3A_7, %jit3A : i32
    %rem3A = vector.broadcast %select_n3A : i32 to vector<256x160xi32>
    %rem3A_8 = arith.remsi %iota3A_2, %rem3A : vector<256x160xi32>
    %ne3A = arith.constant 0 : i32
    %ne3A_9 = vector.broadcast %ne3A : i32 to vector<256x160xi32>
    %ne3A_10 = arith.cmpi ne, %rem3A_8, %ne3A_9 : vector<256x160xi32>
    %lt3A = arith.constant 0 : i32
    %lt3A_11 = vector.broadcast %lt3A : i32 to vector<256x160xi32>
    %lt3A_12 = arith.cmpi slt, %rem3A_8, %lt3A_11 : vector<256x160xi32>
    %lt3A_13 = arith.constant 0 : i32
    %lt3A_14 = arith.cmpi slt, %select_n3A, %lt3A_13 : i32
    %ne3A_15 = vector.broadcast %lt3A_14 : i1 to vector<256x160xi1>
    %ne3A_16 = vector.broadcast %ne3A_15 : vector<256x160xi1> to vector<256x160xi1>
    %ne3A_17 = arith.xori %lt3A_12, %ne3A_16 : vector<256x160xi1>
    %and3A = arith.andi %ne3A_17, %ne3A_10 : vector<256x160xi1>
    %add3A_18 = vector.broadcast %select_n3A : i32 to vector<256x160xi32>
    %add3A_19 = arith.addi %rem3A_8, %add3A_18 : vector<256x160xi32>
    %select_n3A_20 = arith.select %and3A, %add3A_19, %rem3A_8 : vector<256x160xi1>, vector<256x160xi32>
    %broadcast_in_dim3A = arith.constant 0 : i32
    %broadcast_in_dim3A_21 = vector.broadcast %broadcast_in_dim3A : i32 to vector<256x160xi32>
    %reduce_min3A = arith.constant dense<0x7F800000> : vector<256xf32>
    %reduce_min3A_22 = vector.multi_reduction <minimumf>, %get3A_1, %reduce_min3A [1] : vector<256x6272xf32> to vector<256xf32>
    %broadcast_in_dim3A_23 = vector.shape_cast %reduce_min3A_22 : vector<256xf32> to vector<256x1xf32>
    %eq3A_24 = vector.broadcast %broadcast_in_dim3A_23 : vector<256x1xf32> to vector<256x6272xf32>
    %eq3A_25 = arith.cmpf oeq, %get3A_1, %eq3A_24 : vector<256x6272xf32>
    %jit3A_26 = arith.constant 6272 : i32
    %broadcast_in_dim3A_27 = vector.broadcast %jit3A_26 : i32 to vector<256x6272xi32>
    %select_n3A_28 = arith.select %eq3A_25, %iota3A, %broadcast_in_dim3A_27 : vector<256x6272xi1>, vector<256x6272xi32>
    %reduce_min3A_29 = arith.constant dense<2147483647> : vector<256xi32>
    %reduce_min3A_30 = vector.multi_reduction <minsi>, %select_n3A_28, %reduce_min3A_29 [1] : vector<256x6272xi32> to vector<256xi32>
    %broadcast_in_dim3A_31 = vector.shape_cast %reduce_min3A_30 : vector<256xi32> to vector<256x1xi32>
    %eq3A_32 = vector.broadcast %broadcast_in_dim3A_31 : vector<256x1xi32> to vector<256x6272xi32>
    %eq3A_33 = arith.cmpi eq, %iota3A, %eq3A_32 : vector<256x6272xi32>
    %jit3A_34 = arith.constant 3.000000e+38 : f32
    %broadcast_in_dim3A_35 = vector.broadcast %jit3A_34 : f32 to vector<256x6272xf32>
    %select_n3A_36 = arith.select %eq3A_33, %broadcast_in_dim3A_35, %get3A_1 : vector<256x6272xi1>, vector<256x6272xf32>
    %jit3A_37 = arith.constant 128 : i32
    %div3A = vector.broadcast %jit3A_37 : i32 to vector<256x1xi32>
    %div3A_38 = arith.divsi %broadcast_in_dim3A_31, %div3A : vector<256x1xi32>
    %sign3A = arith.constant 0 : i32
    %sign3A_39 = vector.broadcast %sign3A : i32 to vector<256x1xi32>
    %sign3A_40 = arith.cmpi sgt, %broadcast_in_dim3A_31, %sign3A_39 : vector<256x1xi32>
    %sign3A_41 = arith.extui %sign3A_40 : vector<256x1xi1> to vector<256x1xi32>
    %sign3A_42 = arith.constant 0 : i32
    %sign3A_43 = vector.broadcast %sign3A_42 : i32 to vector<256x1xi32>
    %sign3A_44 = arith.cmpi slt, %broadcast_in_dim3A_31, %sign3A_43 : vector<256x1xi32>
    %sign3A_45 = arith.extui %sign3A_44 : vector<256x1xi1> to vector<256x1xi32>
    %sign3A_46 = arith.subi %sign3A_41, %sign3A_45 : vector<256x1xi32>
    %sign3A_47 = arith.constant 0 : i32
    %sign3A_48 = arith.cmpi sgt, %jit3A_37, %sign3A_47 : i32
    %sign3A_49 = arith.extui %sign3A_48 : i1 to i32
    %sign3A_50 = arith.constant 0 : i32
    %sign3A_51 = arith.cmpi slt, %jit3A_37, %sign3A_50 : i32
    %sign3A_52 = arith.extui %sign3A_51 : i1 to i32
    %sign3A_53 = arith.subi %sign3A_49, %sign3A_52 : i32
    %ne3A_54 = vector.broadcast %sign3A_53 : i32 to vector<256x1xi32>
    %ne3A_55 = arith.cmpi ne, %sign3A_46, %ne3A_54 : vector<256x1xi32>
    %rem3A_56 = vector.broadcast %jit3A_37 : i32 to vector<256x1xi32>
    %rem3A_57 = arith.remsi %broadcast_in_dim3A_31, %rem3A_56 : vector<256x1xi32>
    %ne3A_58 = arith.constant 0 : i32
    %ne3A_59 = vector.broadcast %ne3A_58 : i32 to vector<256x1xi32>
    %ne3A_60 = arith.cmpi ne, %rem3A_57, %ne3A_59 : vector<256x1xi32>
    %and3A_61 = arith.andi %ne3A_55, %ne3A_60 : vector<256x1xi1>
    %sub3A = arith.constant 1 : i32
    %sub3A_62 = vector.broadcast %sub3A : i32 to vector<256x1xi32>
    %sub3A_63 = arith.subi %div3A_38, %sub3A_62 : vector<256x1xi32>
    %select_n3A_64 = arith.select %and3A_61, %sub3A_63, %div3A_38 : vector<256x1xi1>, vector<256x1xi32>
    %mul3A_65 = arith.constant 2048 : i32
    %mul3A_66 = vector.broadcast %mul3A_65 : i32 to vector<256x1xi32>
    %mul3A_67 = arith.muli %select_n3A_64, %mul3A_66 : vector<256x1xi32>
    %jit3A_68 = arith.constant 128 : i32
    %eq3A_69 = arith.constant 0 : i32
    %eq3A_70 = arith.cmpi eq, %jit3A_68, %eq3A_69 : i32
    %jit3A_71 = arith.constant 1 : i32
    %select_n3A_72 = arith.select %eq3A_70, %jit3A_71, %jit3A_68 : i32
    %rem3A_73 = vector.broadcast %select_n3A_72 : i32 to vector<256x1xi32>
    %rem3A_74 = arith.remsi %broadcast_in_dim3A_31, %rem3A_73 : vector<256x1xi32>
    %ne3A_75 = arith.constant 0 : i32
    %ne3A_76 = vector.broadcast %ne3A_75 : i32 to vector<256x1xi32>
    %ne3A_77 = arith.cmpi ne, %rem3A_74, %ne3A_76 : vector<256x1xi32>
    %lt3A_78 = arith.constant 0 : i32
    %lt3A_79 = vector.broadcast %lt3A_78 : i32 to vector<256x1xi32>
    %lt3A_80 = arith.cmpi slt, %rem3A_74, %lt3A_79 : vector<256x1xi32>
    %lt3A_81 = arith.constant 0 : i32
    %lt3A_82 = arith.cmpi slt, %select_n3A_72, %lt3A_81 : i32
    %ne3A_83 = vector.broadcast %lt3A_82 : i1 to vector<256x1xi1>
    %ne3A_84 = vector.broadcast %ne3A_83 : vector<256x1xi1> to vector<256x1xi1>
    %ne3A_85 = arith.xori %lt3A_80, %ne3A_84 : vector<256x1xi1>
    %and3A_86 = arith.andi %ne3A_85, %ne3A_77 : vector<256x1xi1>
    %add3A_87 = vector.broadcast %select_n3A_72 : i32 to vector<256x1xi32>
    %add3A_88 = arith.addi %rem3A_74, %add3A_87 : vector<256x1xi32>
    %select_n3A_89 = arith.select %and3A_86, %add3A_88, %rem3A_74 : vector<256x1xi1>, vector<256x1xi32>
    %add3A_90 = arith.addi %mul3A_67, %select_n3A_89 : vector<256x1xi32>
    %ge3A = arith.constant 0 : i32
    %ge3A_91 = vector.broadcast %ge3A : i32 to vector<256x160xi32>
    %ge3A_92 = arith.cmpi sge, %iota3A_2, %ge3A_91 : vector<256x160xi32>
    %lt3A_93 = arith.constant 16 : i32
    %lt3A_94 = vector.broadcast %lt3A_93 : i32 to vector<256x160xi32>
    %lt3A_95 = arith.cmpi slt, %iota3A_2, %lt3A_94 : vector<256x160xi32>
    %and3A_96 = arith.andi %ge3A_92, %lt3A_95 : vector<256x160xi1>
    %mul3A_97 = arith.constant 128 : i32
    %mul3A_98 = vector.broadcast %mul3A_97 : i32 to vector<256x160xi32>
    %mul3A_99 = arith.muli %mul3A_98, %select_n3A_20 : vector<256x160xi32>
    %add3A_100 = vector.broadcast %add3A_90 : vector<256x1xi32> to vector<256x160xi32>
    %add3A_101 = arith.addi %add3A_100, %mul3A_99 : vector<256x160xi32>
    %select_n3A_102 = arith.select %and3A_96, %add3A_101, %broadcast_in_dim3A_21 : vector<256x160xi1>, vector<256x160xi32>
    %reduce_min3A_103 = arith.constant dense<0x7F800000> : vector<256xf32>
    %reduce_min3A_104 = vector.multi_reduction <minimumf>, %select_n3A_36, %reduce_min3A_103 [1] : vector<256x6272xf32> to vector<256xf32>
    %broadcast_in_dim3A_105 = vector.shape_cast %reduce_min3A_104 : vector<256xf32> to vector<256x1xf32>
    %eq3A_106 = vector.broadcast %broadcast_in_dim3A_105 : vector<256x1xf32> to vector<256x6272xf32>
    %eq3A_107 = arith.cmpf oeq, %select_n3A_36, %eq3A_106 : vector<256x6272xf32>
    %jit3A_108 = arith.constant 6272 : i32
    %broadcast_in_dim3A_109 = vector.broadcast %jit3A_108 : i32 to vector<256x6272xi32>
    %select_n3A_110 = arith.select %eq3A_107, %iota3A, %broadcast_in_dim3A_109 : vector<256x6272xi1>, vector<256x6272xi32>
    %reduce_min3A_111 = arith.constant dense<2147483647> : vector<256xi32>
    %reduce_min3A_112 = vector.multi_reduction <minsi>, %select_n3A_110, %reduce_min3A_111 [1] : vector<256x6272xi32> to vector<256xi32>
    %broadcast_in_dim3A_113 = vector.shape_cast %reduce_min3A_112 : vector<256xi32> to vector<256x1xi32>
    %eq3A_114 = vector.broadcast %broadcast_in_dim3A_113 : vector<256x1xi32> to vector<256x6272xi32>
    %eq3A_115 = arith.cmpi eq, %iota3A, %eq3A_114 : vector<256x6272xi32>
    %jit3A_116 = arith.constant 3.000000e+38 : f32
    %broadcast_in_dim3A_117 = vector.broadcast %jit3A_116 : f32 to vector<256x6272xf32>
    %select_n3A_118 = arith.select %eq3A_115, %broadcast_in_dim3A_117, %select_n3A_36 : vector<256x6272xi1>, vector<256x6272xf32>
    %jit3A_119 = arith.constant 128 : i32
    %div3A_120 = vector.broadcast %jit3A_119 : i32 to vector<256x1xi32>
    %div3A_121 = arith.divsi %broadcast_in_dim3A_113, %div3A_120 : vector<256x1xi32>
    %sign3A_122 = arith.constant 0 : i32
    %sign3A_123 = vector.broadcast %sign3A_122 : i32 to vector<256x1xi32>
    %sign3A_124 = arith.cmpi sgt, %broadcast_in_dim3A_113, %sign3A_123 : vector<256x1xi32>
    %sign3A_125 = arith.extui %sign3A_124 : vector<256x1xi1> to vector<256x1xi32>
    %sign3A_126 = arith.constant 0 : i32
    %sign3A_127 = vector.broadcast %sign3A_126 : i32 to vector<256x1xi32>
    %sign3A_128 = arith.cmpi slt, %broadcast_in_dim3A_113, %sign3A_127 : vector<256x1xi32>
    %sign3A_129 = arith.extui %sign3A_128 : vector<256x1xi1> to vector<256x1xi32>
    %sign3A_130 = arith.subi %sign3A_125, %sign3A_129 : vector<256x1xi32>
    %sign3A_131 = arith.constant 0 : i32
    %sign3A_132 = arith.cmpi sgt, %jit3A_119, %sign3A_131 : i32
    %sign3A_133 = arith.extui %sign3A_132 : i1 to i32
    %sign3A_134 = arith.constant 0 : i32
    %sign3A_135 = arith.cmpi slt, %jit3A_119, %sign3A_134 : i32
    %sign3A_136 = arith.extui %sign3A_135 : i1 to i32
    %sign3A_137 = arith.subi %sign3A_133, %sign3A_136 : i32
    %ne3A_138 = vector.broadcast %sign3A_137 : i32 to vector<256x1xi32>
    %ne3A_139 = arith.cmpi ne, %sign3A_130, %ne3A_138 : vector<256x1xi32>
    %rem3A_140 = vector.broadcast %jit3A_119 : i32 to vector<256x1xi32>
    %rem3A_141 = arith.remsi %broadcast_in_dim3A_113, %rem3A_140 : vector<256x1xi32>
    %ne3A_142 = arith.constant 0 : i32
    %ne3A_143 = vector.broadcast %ne3A_142 : i32 to vector<256x1xi32>
    %ne3A_144 = arith.cmpi ne, %rem3A_141, %ne3A_143 : vector<256x1xi32>
    %and3A_145 = arith.andi %ne3A_139, %ne3A_144 : vector<256x1xi1>
    %sub3A_146 = arith.constant 1 : i32
    %sub3A_147 = vector.broadcast %sub3A_146 : i32 to vector<256x1xi32>
    %sub3A_148 = arith.subi %div3A_121, %sub3A_147 : vector<256x1xi32>
    %select_n3A_149 = arith.select %and3A_145, %sub3A_148, %div3A_121 : vector<256x1xi1>, vector<256x1xi32>
    %mul3A_150 = arith.constant 2048 : i32
    %mul3A_151 = vector.broadcast %mul3A_150 : i32 to vector<256x1xi32>
    %mul3A_152 = arith.muli %select_n3A_149, %mul3A_151 : vector<256x1xi32>
    %jit3A_153 = arith.constant 128 : i32
    %eq3A_154 = arith.constant 0 : i32
    %eq3A_155 = arith.cmpi eq, %jit3A_153, %eq3A_154 : i32
    %jit3A_156 = arith.constant 1 : i32
    %select_n3A_157 = arith.select %eq3A_155, %jit3A_156, %jit3A_153 : i32
    %rem3A_158 = vector.broadcast %select_n3A_157 : i32 to vector<256x1xi32>
    %rem3A_159 = arith.remsi %broadcast_in_dim3A_113, %rem3A_158 : vector<256x1xi32>
    %ne3A_160 = arith.constant 0 : i32
    %ne3A_161 = vector.broadcast %ne3A_160 : i32 to vector<256x1xi32>
    %ne3A_162 = arith.cmpi ne, %rem3A_159, %ne3A_161 : vector<256x1xi32>
    %lt3A_163 = arith.constant 0 : i32
    %lt3A_164 = vector.broadcast %lt3A_163 : i32 to vector<256x1xi32>
    %lt3A_165 = arith.cmpi slt, %rem3A_159, %lt3A_164 : vector<256x1xi32>
    %lt3A_166 = arith.constant 0 : i32
    %lt3A_167 = arith.cmpi slt, %select_n3A_157, %lt3A_166 : i32
    %ne3A_168 = vector.broadcast %lt3A_167 : i1 to vector<256x1xi1>
    %ne3A_169 = vector.broadcast %ne3A_168 : vector<256x1xi1> to vector<256x1xi1>
    %ne3A_170 = arith.xori %lt3A_165, %ne3A_169 : vector<256x1xi1>
    %and3A_171 = arith.andi %ne3A_170, %ne3A_162 : vector<256x1xi1>
    %add3A_172 = vector.broadcast %select_n3A_157 : i32 to vector<256x1xi32>
    %add3A_173 = arith.addi %rem3A_159, %add3A_172 : vector<256x1xi32>
    %select_n3A_174 = arith.select %and3A_171, %add3A_173, %rem3A_159 : vector<256x1xi1>, vector<256x1xi32>
    %add3A_175 = arith.addi %mul3A_152, %select_n3A_174 : vector<256x1xi32>
    %ge3A_176 = arith.constant 16 : i32
    %ge3A_177 = vector.broadcast %ge3A_176 : i32 to vector<256x160xi32>
    %ge3A_178 = arith.cmpi sge, %iota3A_2, %ge3A_177 : vector<256x160xi32>
    %lt3A_179 = arith.constant 32 : i32
    %lt3A_180 = vector.broadcast %lt3A_179 : i32 to vector<256x160xi32>
    %lt3A_181 = arith.cmpi slt, %iota3A_2, %lt3A_180 : vector<256x160xi32>
    %and3A_182 = arith.andi %ge3A_178, %lt3A_181 : vector<256x160xi1>
    %mul3A_183 = arith.constant 128 : i32
    %mul3A_184 = vector.broadcast %mul3A_183 : i32 to vector<256x160xi32>
    %mul3A_185 = arith.muli %mul3A_184, %select_n3A_20 : vector<256x160xi32>
    %add3A_186 = vector.broadcast %add3A_175 : vector<256x1xi32> to vector<256x160xi32>
    %add3A_187 = arith.addi %add3A_186, %mul3A_185 : vector<256x160xi32>
    %select_n3A_188 = arith.select %and3A_182, %add3A_187, %select_n3A_102 : vector<256x160xi1>, vector<256x160xi32>
    %reduce_min3A_189 = arith.constant dense<0x7F800000> : vector<256xf32>
    %reduce_min3A_190 = vector.multi_reduction <minimumf>, %select_n3A_118, %reduce_min3A_189 [1] : vector<256x6272xf32> to vector<256xf32>
    %broadcast_in_dim3A_191 = vector.shape_cast %reduce_min3A_190 : vector<256xf32> to vector<256x1xf32>
    %eq3A_192 = vector.broadcast %broadcast_in_dim3A_191 : vector<256x1xf32> to vector<256x6272xf32>
    %eq3A_193 = arith.cmpf oeq, %select_n3A_118, %eq3A_192 : vector<256x6272xf32>
    %jit3A_194 = arith.constant 6272 : i32
    %broadcast_in_dim3A_195 = vector.broadcast %jit3A_194 : i32 to vector<256x6272xi32>
    %select_n3A_196 = arith.select %eq3A_193, %iota3A, %broadcast_in_dim3A_195 : vector<256x6272xi1>, vector<256x6272xi32>
    %reduce_min3A_197 = arith.constant dense<2147483647> : vector<256xi32>
    %reduce_min3A_198 = vector.multi_reduction <minsi>, %select_n3A_196, %reduce_min3A_197 [1] : vector<256x6272xi32> to vector<256xi32>
    %broadcast_in_dim3A_199 = vector.shape_cast %reduce_min3A_198 : vector<256xi32> to vector<256x1xi32>
    %eq3A_200 = vector.broadcast %broadcast_in_dim3A_199 : vector<256x1xi32> to vector<256x6272xi32>
    %eq3A_201 = arith.cmpi eq, %iota3A, %eq3A_200 : vector<256x6272xi32>
    %jit3A_202 = arith.constant 3.000000e+38 : f32
    %broadcast_in_dim3A_203 = vector.broadcast %jit3A_202 : f32 to vector<256x6272xf32>
    %select_n3A_204 = arith.select %eq3A_201, %broadcast_in_dim3A_203, %select_n3A_118 : vector<256x6272xi1>, vector<256x6272xf32>
    %jit3A_205 = arith.constant 128 : i32
    %div3A_206 = vector.broadcast %jit3A_205 : i32 to vector<256x1xi32>
    %div3A_207 = arith.divsi %broadcast_in_dim3A_199, %div3A_206 : vector<256x1xi32>
    %sign3A_208 = arith.constant 0 : i32
    %sign3A_209 = vector.broadcast %sign3A_208 : i32 to vector<256x1xi32>
    %sign3A_210 = arith.cmpi sgt, %broadcast_in_dim3A_199, %sign3A_209 : vector<256x1xi32>
    %sign3A_211 = arith.extui %sign3A_210 : vector<256x1xi1> to vector<256x1xi32>
    %sign3A_212 = arith.constant 0 : i32
    %sign3A_213 = vector.broadcast %sign3A_212 : i32 to vector<256x1xi32>
    %sign3A_214 = arith.cmpi slt, %broadcast_in_dim3A_199, %sign3A_213 : vector<256x1xi32>
    %sign3A_215 = arith.extui %sign3A_214 : vector<256x1xi1> to vector<256x1xi32>
    %sign3A_216 = arith.subi %sign3A_211, %sign3A_215 : vector<256x1xi32>
    %sign3A_217 = arith.constant 0 : i32
    %sign3A_218 = arith.cmpi sgt, %jit3A_205, %sign3A_217 : i32
    %sign3A_219 = arith.extui %sign3A_218 : i1 to i32
    %sign3A_220 = arith.constant 0 : i32
    %sign3A_221 = arith.cmpi slt, %jit3A_205, %sign3A_220 : i32
    %sign3A_222 = arith.extui %sign3A_221 : i1 to i32
    %sign3A_223 = arith.subi %sign3A_219, %sign3A_222 : i32
    %ne3A_224 = vector.broadcast %sign3A_223 : i32 to vector<256x1xi32>
    %ne3A_225 = arith.cmpi ne, %sign3A_216, %ne3A_224 : vector<256x1xi32>
    %rem3A_226 = vector.broadcast %jit3A_205 : i32 to vector<256x1xi32>
    %rem3A_227 = arith.remsi %broadcast_in_dim3A_199, %rem3A_226 : vector<256x1xi32>
    %ne3A_228 = arith.constant 0 : i32
    %ne3A_229 = vector.broadcast %ne3A_228 : i32 to vector<256x1xi32>
    %ne3A_230 = arith.cmpi ne, %rem3A_227, %ne3A_229 : vector<256x1xi32>
    %and3A_231 = arith.andi %ne3A_225, %ne3A_230 : vector<256x1xi1>
    %sub3A_232 = arith.constant 1 : i32
    %sub3A_233 = vector.broadcast %sub3A_232 : i32 to vector<256x1xi32>
    %sub3A_234 = arith.subi %div3A_207, %sub3A_233 : vector<256x1xi32>
    %select_n3A_235 = arith.select %and3A_231, %sub3A_234, %div3A_207 : vector<256x1xi1>, vector<256x1xi32>
    %mul3A_236 = arith.constant 2048 : i32
    %mul3A_237 = vector.broadcast %mul3A_236 : i32 to vector<256x1xi32>
    %mul3A_238 = arith.muli %select_n3A_235, %mul3A_237 : vector<256x1xi32>
    %jit3A_239 = arith.constant 128 : i32
    %eq3A_240 = arith.constant 0 : i32
    %eq3A_241 = arith.cmpi eq, %jit3A_239, %eq3A_240 : i32
    %jit3A_242 = arith.constant 1 : i32
    %select_n3A_243 = arith.select %eq3A_241, %jit3A_242, %jit3A_239 : i32
    %rem3A_244 = vector.broadcast %select_n3A_243 : i32 to vector<256x1xi32>
    %rem3A_245 = arith.remsi %broadcast_in_dim3A_199, %rem3A_244 : vector<256x1xi32>
    %ne3A_246 = arith.constant 0 : i32
    %ne3A_247 = vector.broadcast %ne3A_246 : i32 to vector<256x1xi32>
    %ne3A_248 = arith.cmpi ne, %rem3A_245, %ne3A_247 : vector<256x1xi32>
    %lt3A_249 = arith.constant 0 : i32
    %lt3A_250 = vector.broadcast %lt3A_249 : i32 to vector<256x1xi32>
    %lt3A_251 = arith.cmpi slt, %rem3A_245, %lt3A_250 : vector<256x1xi32>
    %lt3A_252 = arith.constant 0 : i32
    %lt3A_253 = arith.cmpi slt, %select_n3A_243, %lt3A_252 : i32
    %ne3A_254 = vector.broadcast %lt3A_253 : i1 to vector<256x1xi1>
    %ne3A_255 = vector.broadcast %ne3A_254 : vector<256x1xi1> to vector<256x1xi1>
    %ne3A_256 = arith.xori %lt3A_251, %ne3A_255 : vector<256x1xi1>
    %and3A_257 = arith.andi %ne3A_256, %ne3A_248 : vector<256x1xi1>
    %add3A_258 = vector.broadcast %select_n3A_243 : i32 to vector<256x1xi32>
    %add3A_259 = arith.addi %rem3A_245, %add3A_258 : vector<256x1xi32>
    %select_n3A_260 = arith.select %and3A_257, %add3A_259, %rem3A_245 : vector<256x1xi1>, vector<256x1xi32>
    %add3A_261 = arith.addi %mul3A_238, %select_n3A_260 : vector<256x1xi32>
    %ge3A_262 = arith.constant 32 : i32
    %ge3A_263 = vector.broadcast %ge3A_262 : i32 to vector<256x160xi32>
    %ge3A_264 = arith.cmpi sge, %iota3A_2, %ge3A_263 : vector<256x160xi32>
    %lt3A_265 = arith.constant 48 : i32
    %lt3A_266 = vector.broadcast %lt3A_265 : i32 to vector<256x160xi32>
    %lt3A_267 = arith.cmpi slt, %iota3A_2, %lt3A_266 : vector<256x160xi32>
    %and3A_268 = arith.andi %ge3A_264, %lt3A_267 : vector<256x160xi1>
    %mul3A_269 = arith.constant 128 : i32
    %mul3A_270 = vector.broadcast %mul3A_269 : i32 to vector<256x160xi32>
    %mul3A_271 = arith.muli %mul3A_270, %select_n3A_20 : vector<256x160xi32>
    %add3A_272 = vector.broadcast %add3A_261 : vector<256x1xi32> to vector<256x160xi32>
    %add3A_273 = arith.addi %add3A_272, %mul3A_271 : vector<256x160xi32>
    %select_n3A_274 = arith.select %and3A_268, %add3A_273, %select_n3A_188 : vector<256x160xi1>, vector<256x160xi32>
    %reduce_min3A_275 = arith.constant dense<0x7F800000> : vector<256xf32>
    %reduce_min3A_276 = vector.multi_reduction <minimumf>, %select_n3A_204, %reduce_min3A_275 [1] : vector<256x6272xf32> to vector<256xf32>
    %broadcast_in_dim3A_277 = vector.shape_cast %reduce_min3A_276 : vector<256xf32> to vector<256x1xf32>
    %eq3A_278 = vector.broadcast %broadcast_in_dim3A_277 : vector<256x1xf32> to vector<256x6272xf32>
    %eq3A_279 = arith.cmpf oeq, %select_n3A_204, %eq3A_278 : vector<256x6272xf32>
    %jit3A_280 = arith.constant 6272 : i32
    %broadcast_in_dim3A_281 = vector.broadcast %jit3A_280 : i32 to vector<256x6272xi32>
    %select_n3A_282 = arith.select %eq3A_279, %iota3A, %broadcast_in_dim3A_281 : vector<256x6272xi1>, vector<256x6272xi32>
    %reduce_min3A_283 = arith.constant dense<2147483647> : vector<256xi32>
    %reduce_min3A_284 = vector.multi_reduction <minsi>, %select_n3A_282, %reduce_min3A_283 [1] : vector<256x6272xi32> to vector<256xi32>
    %broadcast_in_dim3A_285 = vector.shape_cast %reduce_min3A_284 : vector<256xi32> to vector<256x1xi32>
    %eq3A_286 = vector.broadcast %broadcast_in_dim3A_285 : vector<256x1xi32> to vector<256x6272xi32>
    %eq3A_287 = arith.cmpi eq, %iota3A, %eq3A_286 : vector<256x6272xi32>
    %jit3A_288 = arith.constant 3.000000e+38 : f32
    %broadcast_in_dim3A_289 = vector.broadcast %jit3A_288 : f32 to vector<256x6272xf32>
    %select_n3A_290 = arith.select %eq3A_287, %broadcast_in_dim3A_289, %select_n3A_204 : vector<256x6272xi1>, vector<256x6272xf32>
    %jit3A_291 = arith.constant 128 : i32
    %div3A_292 = vector.broadcast %jit3A_291 : i32 to vector<256x1xi32>
    %div3A_293 = arith.divsi %broadcast_in_dim3A_285, %div3A_292 : vector<256x1xi32>
    %sign3A_294 = arith.constant 0 : i32
    %sign3A_295 = vector.broadcast %sign3A_294 : i32 to vector<256x1xi32>
    %sign3A_296 = arith.cmpi sgt, %broadcast_in_dim3A_285, %sign3A_295 : vector<256x1xi32>
    %sign3A_297 = arith.extui %sign3A_296 : vector<256x1xi1> to vector<256x1xi32>
    %sign3A_298 = arith.constant 0 : i32
    %sign3A_299 = vector.broadcast %sign3A_298 : i32 to vector<256x1xi32>
    %sign3A_300 = arith.cmpi slt, %broadcast_in_dim3A_285, %sign3A_299 : vector<256x1xi32>
    %sign3A_301 = arith.extui %sign3A_300 : vector<256x1xi1> to vector<256x1xi32>
    %sign3A_302 = arith.subi %sign3A_297, %sign3A_301 : vector<256x1xi32>
    %sign3A_303 = arith.constant 0 : i32
    %sign3A_304 = arith.cmpi sgt, %jit3A_291, %sign3A_303 : i32
    %sign3A_305 = arith.extui %sign3A_304 : i1 to i32
    %sign3A_306 = arith.constant 0 : i32
    %sign3A_307 = arith.cmpi slt, %jit3A_291, %sign3A_306 : i32
    %sign3A_308 = arith.extui %sign3A_307 : i1 to i32
    %sign3A_309 = arith.subi %sign3A_305, %sign3A_308 : i32
    %ne3A_310 = vector.broadcast %sign3A_309 : i32 to vector<256x1xi32>
    %ne3A_311 = arith.cmpi ne, %sign3A_302, %ne3A_310 : vector<256x1xi32>
    %rem3A_312 = vector.broadcast %jit3A_291 : i32 to vector<256x1xi32>
    %rem3A_313 = arith.remsi %broadcast_in_dim3A_285, %rem3A_312 : vector<256x1xi32>
    %ne3A_314 = arith.constant 0 : i32
    %ne3A_315 = vector.broadcast %ne3A_314 : i32 to vector<256x1xi32>
    %ne3A_316 = arith.cmpi ne, %rem3A_313, %ne3A_315 : vector<256x1xi32>
    %and3A_317 = arith.andi %ne3A_311, %ne3A_316 : vector<256x1xi1>
    %sub3A_318 = arith.constant 1 : i32
    %sub3A_319 = vector.broadcast %sub3A_318 : i32 to vector<256x1xi32>
    %sub3A_320 = arith.subi %div3A_293, %sub3A_319 : vector<256x1xi32>
    %select_n3A_321 = arith.select %and3A_317, %sub3A_320, %div3A_293 : vector<256x1xi1>, vector<256x1xi32>
    %mul3A_322 = arith.constant 2048 : i32
    %mul3A_323 = vector.broadcast %mul3A_322 : i32 to vector<256x1xi32>
    %mul3A_324 = arith.muli %select_n3A_321, %mul3A_323 : vector<256x1xi32>
    %jit3A_325 = arith.constant 128 : i32
    %eq3A_326 = arith.constant 0 : i32
    %eq3A_327 = arith.cmpi eq, %jit3A_325, %eq3A_326 : i32
    %jit3A_328 = arith.constant 1 : i32
    %select_n3A_329 = arith.select %eq3A_327, %jit3A_328, %jit3A_325 : i32
    %rem3A_330 = vector.broadcast %select_n3A_329 : i32 to vector<256x1xi32>
    %rem3A_331 = arith.remsi %broadcast_in_dim3A_285, %rem3A_330 : vector<256x1xi32>
    %ne3A_332 = arith.constant 0 : i32
    %ne3A_333 = vector.broadcast %ne3A_332 : i32 to vector<256x1xi32>
    %ne3A_334 = arith.cmpi ne, %rem3A_331, %ne3A_333 : vector<256x1xi32>
    %lt3A_335 = arith.constant 0 : i32
    %lt3A_336 = vector.broadcast %lt3A_335 : i32 to vector<256x1xi32>
    %lt3A_337 = arith.cmpi slt, %rem3A_331, %lt3A_336 : vector<256x1xi32>
    %lt3A_338 = arith.constant 0 : i32
    %lt3A_339 = arith.cmpi slt, %select_n3A_329, %lt3A_338 : i32
    %ne3A_340 = vector.broadcast %lt3A_339 : i1 to vector<256x1xi1>
    %ne3A_341 = vector.broadcast %ne3A_340 : vector<256x1xi1> to vector<256x1xi1>
    %ne3A_342 = arith.xori %lt3A_337, %ne3A_341 : vector<256x1xi1>
    %and3A_343 = arith.andi %ne3A_342, %ne3A_334 : vector<256x1xi1>
    %add3A_344 = vector.broadcast %select_n3A_329 : i32 to vector<256x1xi32>
    %add3A_345 = arith.addi %rem3A_331, %add3A_344 : vector<256x1xi32>
    %select_n3A_346 = arith.select %and3A_343, %add3A_345, %rem3A_331 : vector<256x1xi1>, vector<256x1xi32>
    %add3A_347 = arith.addi %mul3A_324, %select_n3A_346 : vector<256x1xi32>
    %ge3A_348 = arith.constant 48 : i32
    %ge3A_349 = vector.broadcast %ge3A_348 : i32 to vector<256x160xi32>
    %ge3A_350 = arith.cmpi sge, %iota3A_2, %ge3A_349 : vector<256x160xi32>
    %lt3A_351 = arith.constant 64 : i32
    %lt3A_352 = vector.broadcast %lt3A_351 : i32 to vector<256x160xi32>
    %lt3A_353 = arith.cmpi slt, %iota3A_2, %lt3A_352 : vector<256x160xi32>
    %and3A_354 = arith.andi %ge3A_350, %lt3A_353 : vector<256x160xi1>
    %mul3A_355 = arith.constant 128 : i32
    %mul3A_356 = vector.broadcast %mul3A_355 : i32 to vector<256x160xi32>
    %mul3A_357 = arith.muli %mul3A_356, %select_n3A_20 : vector<256x160xi32>
    %add3A_358 = vector.broadcast %add3A_347 : vector<256x1xi32> to vector<256x160xi32>
    %add3A_359 = arith.addi %add3A_358, %mul3A_357 : vector<256x160xi32>
    %select_n3A_360 = arith.select %and3A_354, %add3A_359, %select_n3A_274 : vector<256x160xi1>, vector<256x160xi32>
    %reduce_min3A_361 = arith.constant dense<0x7F800000> : vector<256xf32>
    %reduce_min3A_362 = vector.multi_reduction <minimumf>, %select_n3A_290, %reduce_min3A_361 [1] : vector<256x6272xf32> to vector<256xf32>
    %broadcast_in_dim3A_363 = vector.shape_cast %reduce_min3A_362 : vector<256xf32> to vector<256x1xf32>
    %eq3A_364 = vector.broadcast %broadcast_in_dim3A_363 : vector<256x1xf32> to vector<256x6272xf32>
    %eq3A_365 = arith.cmpf oeq, %select_n3A_290, %eq3A_364 : vector<256x6272xf32>
    %jit3A_366 = arith.constant 6272 : i32
    %broadcast_in_dim3A_367 = vector.broadcast %jit3A_366 : i32 to vector<256x6272xi32>
    %select_n3A_368 = arith.select %eq3A_365, %iota3A, %broadcast_in_dim3A_367 : vector<256x6272xi1>, vector<256x6272xi32>
    %reduce_min3A_369 = arith.constant dense<2147483647> : vector<256xi32>
    %reduce_min3A_370 = vector.multi_reduction <minsi>, %select_n3A_368, %reduce_min3A_369 [1] : vector<256x6272xi32> to vector<256xi32>
    %broadcast_in_dim3A_371 = vector.shape_cast %reduce_min3A_370 : vector<256xi32> to vector<256x1xi32>
    %eq3A_372 = vector.broadcast %broadcast_in_dim3A_371 : vector<256x1xi32> to vector<256x6272xi32>
    %eq3A_373 = arith.cmpi eq, %iota3A, %eq3A_372 : vector<256x6272xi32>
    %jit3A_374 = arith.constant 3.000000e+38 : f32
    %broadcast_in_dim3A_375 = vector.broadcast %jit3A_374 : f32 to vector<256x6272xf32>
    %select_n3A_376 = arith.select %eq3A_373, %broadcast_in_dim3A_375, %select_n3A_290 : vector<256x6272xi1>, vector<256x6272xf32>
    %jit3A_377 = arith.constant 128 : i32
    %div3A_378 = vector.broadcast %jit3A_377 : i32 to vector<256x1xi32>
    %div3A_379 = arith.divsi %broadcast_in_dim3A_371, %div3A_378 : vector<256x1xi32>
    %sign3A_380 = arith.constant 0 : i32
    %sign3A_381 = vector.broadcast %sign3A_380 : i32 to vector<256x1xi32>
    %sign3A_382 = arith.cmpi sgt, %broadcast_in_dim3A_371, %sign3A_381 : vector<256x1xi32>
    %sign3A_383 = arith.extui %sign3A_382 : vector<256x1xi1> to vector<256x1xi32>
    %sign3A_384 = arith.constant 0 : i32
    %sign3A_385 = vector.broadcast %sign3A_384 : i32 to vector<256x1xi32>
    %sign3A_386 = arith.cmpi slt, %broadcast_in_dim3A_371, %sign3A_385 : vector<256x1xi32>
    %sign3A_387 = arith.extui %sign3A_386 : vector<256x1xi1> to vector<256x1xi32>
    %sign3A_388 = arith.subi %sign3A_383, %sign3A_387 : vector<256x1xi32>
    %sign3A_389 = arith.constant 0 : i32
    %sign3A_390 = arith.cmpi sgt, %jit3A_377, %sign3A_389 : i32
    %sign3A_391 = arith.extui %sign3A_390 : i1 to i32
    %sign3A_392 = arith.constant 0 : i32
    %sign3A_393 = arith.cmpi slt, %jit3A_377, %sign3A_392 : i32
    %sign3A_394 = arith.extui %sign3A_393 : i1 to i32
    %sign3A_395 = arith.subi %sign3A_391, %sign3A_394 : i32
    %ne3A_396 = vector.broadcast %sign3A_395 : i32 to vector<256x1xi32>
    %ne3A_397 = arith.cmpi ne, %sign3A_388, %ne3A_396 : vector<256x1xi32>
    %rem3A_398 = vector.broadcast %jit3A_377 : i32 to vector<256x1xi32>
    %rem3A_399 = arith.remsi %broadcast_in_dim3A_371, %rem3A_398 : vector<256x1xi32>
    %ne3A_400 = arith.constant 0 : i32
    %ne3A_401 = vector.broadcast %ne3A_400 : i32 to vector<256x1xi32>
    %ne3A_402 = arith.cmpi ne, %rem3A_399, %ne3A_401 : vector<256x1xi32>
    %and3A_403 = arith.andi %ne3A_397, %ne3A_402 : vector<256x1xi1>
    %sub3A_404 = arith.constant 1 : i32
    %sub3A_405 = vector.broadcast %sub3A_404 : i32 to vector<256x1xi32>
    %sub3A_406 = arith.subi %div3A_379, %sub3A_405 : vector<256x1xi32>
    %select_n3A_407 = arith.select %and3A_403, %sub3A_406, %div3A_379 : vector<256x1xi1>, vector<256x1xi32>
    %mul3A_408 = arith.constant 2048 : i32
    %mul3A_409 = vector.broadcast %mul3A_408 : i32 to vector<256x1xi32>
    %mul3A_410 = arith.muli %select_n3A_407, %mul3A_409 : vector<256x1xi32>
    %jit3A_411 = arith.constant 128 : i32
    %eq3A_412 = arith.constant 0 : i32
    %eq3A_413 = arith.cmpi eq, %jit3A_411, %eq3A_412 : i32
    %jit3A_414 = arith.constant 1 : i32
    %select_n3A_415 = arith.select %eq3A_413, %jit3A_414, %jit3A_411 : i32
    %rem3A_416 = vector.broadcast %select_n3A_415 : i32 to vector<256x1xi32>
    %rem3A_417 = arith.remsi %broadcast_in_dim3A_371, %rem3A_416 : vector<256x1xi32>
    %ne3A_418 = arith.constant 0 : i32
    %ne3A_419 = vector.broadcast %ne3A_418 : i32 to vector<256x1xi32>
    %ne3A_420 = arith.cmpi ne, %rem3A_417, %ne3A_419 : vector<256x1xi32>
    %lt3A_421 = arith.constant 0 : i32
    %lt3A_422 = vector.broadcast %lt3A_421 : i32 to vector<256x1xi32>
    %lt3A_423 = arith.cmpi slt, %rem3A_417, %lt3A_422 : vector<256x1xi32>
    %lt3A_424 = arith.constant 0 : i32
    %lt3A_425 = arith.cmpi slt, %select_n3A_415, %lt3A_424 : i32
    %ne3A_426 = vector.broadcast %lt3A_425 : i1 to vector<256x1xi1>
    %ne3A_427 = vector.broadcast %ne3A_426 : vector<256x1xi1> to vector<256x1xi1>
    %ne3A_428 = arith.xori %lt3A_423, %ne3A_427 : vector<256x1xi1>
    %and3A_429 = arith.andi %ne3A_428, %ne3A_420 : vector<256x1xi1>
    %add3A_430 = vector.broadcast %select_n3A_415 : i32 to vector<256x1xi32>
    %add3A_431 = arith.addi %rem3A_417, %add3A_430 : vector<256x1xi32>
    %select_n3A_432 = arith.select %and3A_429, %add3A_431, %rem3A_417 : vector<256x1xi1>, vector<256x1xi32>
    %add3A_433 = arith.addi %mul3A_410, %select_n3A_432 : vector<256x1xi32>
    %ge3A_434 = arith.constant 64 : i32
    %ge3A_435 = vector.broadcast %ge3A_434 : i32 to vector<256x160xi32>
    %ge3A_436 = arith.cmpi sge, %iota3A_2, %ge3A_435 : vector<256x160xi32>
    %lt3A_437 = arith.constant 80 : i32
    %lt3A_438 = vector.broadcast %lt3A_437 : i32 to vector<256x160xi32>
    %lt3A_439 = arith.cmpi slt, %iota3A_2, %lt3A_438 : vector<256x160xi32>
    %and3A_440 = arith.andi %ge3A_436, %lt3A_439 : vector<256x160xi1>
    %mul3A_441 = arith.constant 128 : i32
    %mul3A_442 = vector.broadcast %mul3A_441 : i32 to vector<256x160xi32>
    %mul3A_443 = arith.muli %mul3A_442, %select_n3A_20 : vector<256x160xi32>
    %add3A_444 = vector.broadcast %add3A_433 : vector<256x1xi32> to vector<256x160xi32>
    %add3A_445 = arith.addi %add3A_444, %mul3A_443 : vector<256x160xi32>
    %select_n3A_446 = arith.select %and3A_440, %add3A_445, %select_n3A_360 : vector<256x160xi1>, vector<256x160xi32>
    %reduce_min3A_447 = arith.constant dense<0x7F800000> : vector<256xf32>
    %reduce_min3A_448 = vector.multi_reduction <minimumf>, %select_n3A_376, %reduce_min3A_447 [1] : vector<256x6272xf32> to vector<256xf32>
    %broadcast_in_dim3A_449 = vector.shape_cast %reduce_min3A_448 : vector<256xf32> to vector<256x1xf32>
    %eq3A_450 = vector.broadcast %broadcast_in_dim3A_449 : vector<256x1xf32> to vector<256x6272xf32>
    %eq3A_451 = arith.cmpf oeq, %select_n3A_376, %eq3A_450 : vector<256x6272xf32>
    %jit3A_452 = arith.constant 6272 : i32
    %broadcast_in_dim3A_453 = vector.broadcast %jit3A_452 : i32 to vector<256x6272xi32>
    %select_n3A_454 = arith.select %eq3A_451, %iota3A, %broadcast_in_dim3A_453 : vector<256x6272xi1>, vector<256x6272xi32>
    %reduce_min3A_455 = arith.constant dense<2147483647> : vector<256xi32>
    %reduce_min3A_456 = vector.multi_reduction <minsi>, %select_n3A_454, %reduce_min3A_455 [1] : vector<256x6272xi32> to vector<256xi32>
    %broadcast_in_dim3A_457 = vector.shape_cast %reduce_min3A_456 : vector<256xi32> to vector<256x1xi32>
    %eq3A_458 = vector.broadcast %broadcast_in_dim3A_457 : vector<256x1xi32> to vector<256x6272xi32>
    %eq3A_459 = arith.cmpi eq, %iota3A, %eq3A_458 : vector<256x6272xi32>
    %jit3A_460 = arith.constant 3.000000e+38 : f32
    %broadcast_in_dim3A_461 = vector.broadcast %jit3A_460 : f32 to vector<256x6272xf32>
    %select_n3A_462 = arith.select %eq3A_459, %broadcast_in_dim3A_461, %select_n3A_376 : vector<256x6272xi1>, vector<256x6272xf32>
    %jit3A_463 = arith.constant 128 : i32
    %div3A_464 = vector.broadcast %jit3A_463 : i32 to vector<256x1xi32>
    %div3A_465 = arith.divsi %broadcast_in_dim3A_457, %div3A_464 : vector<256x1xi32>
    %sign3A_466 = arith.constant 0 : i32
    %sign3A_467 = vector.broadcast %sign3A_466 : i32 to vector<256x1xi32>
    %sign3A_468 = arith.cmpi sgt, %broadcast_in_dim3A_457, %sign3A_467 : vector<256x1xi32>
    %sign3A_469 = arith.extui %sign3A_468 : vector<256x1xi1> to vector<256x1xi32>
    %sign3A_470 = arith.constant 0 : i32
    %sign3A_471 = vector.broadcast %sign3A_470 : i32 to vector<256x1xi32>
    %sign3A_472 = arith.cmpi slt, %broadcast_in_dim3A_457, %sign3A_471 : vector<256x1xi32>
    %sign3A_473 = arith.extui %sign3A_472 : vector<256x1xi1> to vector<256x1xi32>
    %sign3A_474 = arith.subi %sign3A_469, %sign3A_473 : vector<256x1xi32>
    %sign3A_475 = arith.constant 0 : i32
    %sign3A_476 = arith.cmpi sgt, %jit3A_463, %sign3A_475 : i32
    %sign3A_477 = arith.extui %sign3A_476 : i1 to i32
    %sign3A_478 = arith.constant 0 : i32
    %sign3A_479 = arith.cmpi slt, %jit3A_463, %sign3A_478 : i32
    %sign3A_480 = arith.extui %sign3A_479 : i1 to i32
    %sign3A_481 = arith.subi %sign3A_477, %sign3A_480 : i32
    %ne3A_482 = vector.broadcast %sign3A_481 : i32 to vector<256x1xi32>
    %ne3A_483 = arith.cmpi ne, %sign3A_474, %ne3A_482 : vector<256x1xi32>
    %rem3A_484 = vector.broadcast %jit3A_463 : i32 to vector<256x1xi32>
    %rem3A_485 = arith.remsi %broadcast_in_dim3A_457, %rem3A_484 : vector<256x1xi32>
    %ne3A_486 = arith.constant 0 : i32
    %ne3A_487 = vector.broadcast %ne3A_486 : i32 to vector<256x1xi32>
    %ne3A_488 = arith.cmpi ne, %rem3A_485, %ne3A_487 : vector<256x1xi32>
    %and3A_489 = arith.andi %ne3A_483, %ne3A_488 : vector<256x1xi1>
    %sub3A_490 = arith.constant 1 : i32
    %sub3A_491 = vector.broadcast %sub3A_490 : i32 to vector<256x1xi32>
    %sub3A_492 = arith.subi %div3A_465, %sub3A_491 : vector<256x1xi32>
    %select_n3A_493 = arith.select %and3A_489, %sub3A_492, %div3A_465 : vector<256x1xi1>, vector<256x1xi32>
    %mul3A_494 = arith.constant 2048 : i32
    %mul3A_495 = vector.broadcast %mul3A_494 : i32 to vector<256x1xi32>
    %mul3A_496 = arith.muli %select_n3A_493, %mul3A_495 : vector<256x1xi32>
    %jit3A_497 = arith.constant 128 : i32
    %eq3A_498 = arith.constant 0 : i32
    %eq3A_499 = arith.cmpi eq, %jit3A_497, %eq3A_498 : i32
    %jit3A_500 = arith.constant 1 : i32
    %select_n3A_501 = arith.select %eq3A_499, %jit3A_500, %jit3A_497 : i32
    %rem3A_502 = vector.broadcast %select_n3A_501 : i32 to vector<256x1xi32>
    %rem3A_503 = arith.remsi %broadcast_in_dim3A_457, %rem3A_502 : vector<256x1xi32>
    %ne3A_504 = arith.constant 0 : i32
    %ne3A_505 = vector.broadcast %ne3A_504 : i32 to vector<256x1xi32>
    %ne3A_506 = arith.cmpi ne, %rem3A_503, %ne3A_505 : vector<256x1xi32>
    %lt3A_507 = arith.constant 0 : i32
    %lt3A_508 = vector.broadcast %lt3A_507 : i32 to vector<256x1xi32>
    %lt3A_509 = arith.cmpi slt, %rem3A_503, %lt3A_508 : vector<256x1xi32>
    %lt3A_510 = arith.constant 0 : i32
    %lt3A_511 = arith.cmpi slt, %select_n3A_501, %lt3A_510 : i32
    %ne3A_512 = vector.broadcast %lt3A_511 : i1 to vector<256x1xi1>
    %ne3A_513 = vector.broadcast %ne3A_512 : vector<256x1xi1> to vector<256x1xi1>
    %ne3A_514 = arith.xori %lt3A_509, %ne3A_513 : vector<256x1xi1>
    %and3A_515 = arith.andi %ne3A_514, %ne3A_506 : vector<256x1xi1>
    %add3A_516 = vector.broadcast %select_n3A_501 : i32 to vector<256x1xi32>
    %add3A_517 = arith.addi %rem3A_503, %add3A_516 : vector<256x1xi32>
    %select_n3A_518 = arith.select %and3A_515, %add3A_517, %rem3A_503 : vector<256x1xi1>, vector<256x1xi32>
    %add3A_519 = arith.addi %mul3A_496, %select_n3A_518 : vector<256x1xi32>
    %ge3A_520 = arith.constant 80 : i32
    %ge3A_521 = vector.broadcast %ge3A_520 : i32 to vector<256x160xi32>
    %ge3A_522 = arith.cmpi sge, %iota3A_2, %ge3A_521 : vector<256x160xi32>
    %lt3A_523 = arith.constant 96 : i32
    %lt3A_524 = vector.broadcast %lt3A_523 : i32 to vector<256x160xi32>
    %lt3A_525 = arith.cmpi slt, %iota3A_2, %lt3A_524 : vector<256x160xi32>
    %and3A_526 = arith.andi %ge3A_522, %lt3A_525 : vector<256x160xi1>
    %mul3A_527 = arith.constant 128 : i32
    %mul3A_528 = vector.broadcast %mul3A_527 : i32 to vector<256x160xi32>
    %mul3A_529 = arith.muli %mul3A_528, %select_n3A_20 : vector<256x160xi32>
    %add3A_530 = vector.broadcast %add3A_519 : vector<256x1xi32> to vector<256x160xi32>
    %add3A_531 = arith.addi %add3A_530, %mul3A_529 : vector<256x160xi32>
    %select_n3A_532 = arith.select %and3A_526, %add3A_531, %select_n3A_446 : vector<256x160xi1>, vector<256x160xi32>
    %reduce_min3A_533 = arith.constant dense<0x7F800000> : vector<256xf32>
    %reduce_min3A_534 = vector.multi_reduction <minimumf>, %select_n3A_462, %reduce_min3A_533 [1] : vector<256x6272xf32> to vector<256xf32>
    %broadcast_in_dim3A_535 = vector.shape_cast %reduce_min3A_534 : vector<256xf32> to vector<256x1xf32>
    %eq3A_536 = vector.broadcast %broadcast_in_dim3A_535 : vector<256x1xf32> to vector<256x6272xf32>
    %eq3A_537 = arith.cmpf oeq, %select_n3A_462, %eq3A_536 : vector<256x6272xf32>
    %jit3A_538 = arith.constant 6272 : i32
    %broadcast_in_dim3A_539 = vector.broadcast %jit3A_538 : i32 to vector<256x6272xi32>
    %select_n3A_540 = arith.select %eq3A_537, %iota3A, %broadcast_in_dim3A_539 : vector<256x6272xi1>, vector<256x6272xi32>
    %reduce_min3A_541 = arith.constant dense<2147483647> : vector<256xi32>
    %reduce_min3A_542 = vector.multi_reduction <minsi>, %select_n3A_540, %reduce_min3A_541 [1] : vector<256x6272xi32> to vector<256xi32>
    %broadcast_in_dim3A_543 = vector.shape_cast %reduce_min3A_542 : vector<256xi32> to vector<256x1xi32>
    %eq3A_544 = vector.broadcast %broadcast_in_dim3A_543 : vector<256x1xi32> to vector<256x6272xi32>
    %eq3A_545 = arith.cmpi eq, %iota3A, %eq3A_544 : vector<256x6272xi32>
    %jit3A_546 = arith.constant 3.000000e+38 : f32
    %broadcast_in_dim3A_547 = vector.broadcast %jit3A_546 : f32 to vector<256x6272xf32>
    %select_n3A_548 = arith.select %eq3A_545, %broadcast_in_dim3A_547, %select_n3A_462 : vector<256x6272xi1>, vector<256x6272xf32>
    %jit3A_549 = arith.constant 128 : i32
    %div3A_550 = vector.broadcast %jit3A_549 : i32 to vector<256x1xi32>
    %div3A_551 = arith.divsi %broadcast_in_dim3A_543, %div3A_550 : vector<256x1xi32>
    %sign3A_552 = arith.constant 0 : i32
    %sign3A_553 = vector.broadcast %sign3A_552 : i32 to vector<256x1xi32>
    %sign3A_554 = arith.cmpi sgt, %broadcast_in_dim3A_543, %sign3A_553 : vector<256x1xi32>
    %sign3A_555 = arith.extui %sign3A_554 : vector<256x1xi1> to vector<256x1xi32>
    %sign3A_556 = arith.constant 0 : i32
    %sign3A_557 = vector.broadcast %sign3A_556 : i32 to vector<256x1xi32>
    %sign3A_558 = arith.cmpi slt, %broadcast_in_dim3A_543, %sign3A_557 : vector<256x1xi32>
    %sign3A_559 = arith.extui %sign3A_558 : vector<256x1xi1> to vector<256x1xi32>
    %sign3A_560 = arith.subi %sign3A_555, %sign3A_559 : vector<256x1xi32>
    %sign3A_561 = arith.constant 0 : i32
    %sign3A_562 = arith.cmpi sgt, %jit3A_549, %sign3A_561 : i32
    %sign3A_563 = arith.extui %sign3A_562 : i1 to i32
    %sign3A_564 = arith.constant 0 : i32
    %sign3A_565 = arith.cmpi slt, %jit3A_549, %sign3A_564 : i32
    %sign3A_566 = arith.extui %sign3A_565 : i1 to i32
    %sign3A_567 = arith.subi %sign3A_563, %sign3A_566 : i32
    %ne3A_568 = vector.broadcast %sign3A_567 : i32 to vector<256x1xi32>
    %ne3A_569 = arith.cmpi ne, %sign3A_560, %ne3A_568 : vector<256x1xi32>
    %rem3A_570 = vector.broadcast %jit3A_549 : i32 to vector<256x1xi32>
    %rem3A_571 = arith.remsi %broadcast_in_dim3A_543, %rem3A_570 : vector<256x1xi32>
    %ne3A_572 = arith.constant 0 : i32
    %ne3A_573 = vector.broadcast %ne3A_572 : i32 to vector<256x1xi32>
    %ne3A_574 = arith.cmpi ne, %rem3A_571, %ne3A_573 : vector<256x1xi32>
    %and3A_575 = arith.andi %ne3A_569, %ne3A_574 : vector<256x1xi1>
    %sub3A_576 = arith.constant 1 : i32
    %sub3A_577 = vector.broadcast %sub3A_576 : i32 to vector<256x1xi32>
    %sub3A_578 = arith.subi %div3A_551, %sub3A_577 : vector<256x1xi32>
    %select_n3A_579 = arith.select %and3A_575, %sub3A_578, %div3A_551 : vector<256x1xi1>, vector<256x1xi32>
    %mul3A_580 = arith.constant 2048 : i32
    %mul3A_581 = vector.broadcast %mul3A_580 : i32 to vector<256x1xi32>
    %mul3A_582 = arith.muli %select_n3A_579, %mul3A_581 : vector<256x1xi32>
    %jit3A_583 = arith.constant 128 : i32
    %eq3A_584 = arith.constant 0 : i32
    %eq3A_585 = arith.cmpi eq, %jit3A_583, %eq3A_584 : i32
    %jit3A_586 = arith.constant 1 : i32
    %select_n3A_587 = arith.select %eq3A_585, %jit3A_586, %jit3A_583 : i32
    %rem3A_588 = vector.broadcast %select_n3A_587 : i32 to vector<256x1xi32>
    %rem3A_589 = arith.remsi %broadcast_in_dim3A_543, %rem3A_588 : vector<256x1xi32>
    %ne3A_590 = arith.constant 0 : i32
    %ne3A_591 = vector.broadcast %ne3A_590 : i32 to vector<256x1xi32>
    %ne3A_592 = arith.cmpi ne, %rem3A_589, %ne3A_591 : vector<256x1xi32>
    %lt3A_593 = arith.constant 0 : i32
    %lt3A_594 = vector.broadcast %lt3A_593 : i32 to vector<256x1xi32>
    %lt3A_595 = arith.cmpi slt, %rem3A_589, %lt3A_594 : vector<256x1xi32>
    %lt3A_596 = arith.constant 0 : i32
    %lt3A_597 = arith.cmpi slt, %select_n3A_587, %lt3A_596 : i32
    %ne3A_598 = vector.broadcast %lt3A_597 : i1 to vector<256x1xi1>
    %ne3A_599 = vector.broadcast %ne3A_598 : vector<256x1xi1> to vector<256x1xi1>
    %ne3A_600 = arith.xori %lt3A_595, %ne3A_599 : vector<256x1xi1>
    %and3A_601 = arith.andi %ne3A_600, %ne3A_592 : vector<256x1xi1>
    %add3A_602 = vector.broadcast %select_n3A_587 : i32 to vector<256x1xi32>
    %add3A_603 = arith.addi %rem3A_589, %add3A_602 : vector<256x1xi32>
    %select_n3A_604 = arith.select %and3A_601, %add3A_603, %rem3A_589 : vector<256x1xi1>, vector<256x1xi32>
    %add3A_605 = arith.addi %mul3A_582, %select_n3A_604 : vector<256x1xi32>
    %ge3A_606 = arith.constant 96 : i32
    %ge3A_607 = vector.broadcast %ge3A_606 : i32 to vector<256x160xi32>
    %ge3A_608 = arith.cmpi sge, %iota3A_2, %ge3A_607 : vector<256x160xi32>
    %lt3A_609 = arith.constant 112 : i32
    %lt3A_610 = vector.broadcast %lt3A_609 : i32 to vector<256x160xi32>
    %lt3A_611 = arith.cmpi slt, %iota3A_2, %lt3A_610 : vector<256x160xi32>
    %and3A_612 = arith.andi %ge3A_608, %lt3A_611 : vector<256x160xi1>
    %mul3A_613 = arith.constant 128 : i32
    %mul3A_614 = vector.broadcast %mul3A_613 : i32 to vector<256x160xi32>
    %mul3A_615 = arith.muli %mul3A_614, %select_n3A_20 : vector<256x160xi32>
    %add3A_616 = vector.broadcast %add3A_605 : vector<256x1xi32> to vector<256x160xi32>
    %add3A_617 = arith.addi %add3A_616, %mul3A_615 : vector<256x160xi32>
    %select_n3A_618 = arith.select %and3A_612, %add3A_617, %select_n3A_532 : vector<256x160xi1>, vector<256x160xi32>
    %reduce_min3A_619 = arith.constant dense<0x7F800000> : vector<256xf32>
    %reduce_min3A_620 = vector.multi_reduction <minimumf>, %select_n3A_548, %reduce_min3A_619 [1] : vector<256x6272xf32> to vector<256xf32>
    %broadcast_in_dim3A_621 = vector.shape_cast %reduce_min3A_620 : vector<256xf32> to vector<256x1xf32>
    %eq3A_622 = vector.broadcast %broadcast_in_dim3A_621 : vector<256x1xf32> to vector<256x6272xf32>
    %eq3A_623 = arith.cmpf oeq, %select_n3A_548, %eq3A_622 : vector<256x6272xf32>
    %jit3A_624 = arith.constant 6272 : i32
    %broadcast_in_dim3A_625 = vector.broadcast %jit3A_624 : i32 to vector<256x6272xi32>
    %select_n3A_626 = arith.select %eq3A_623, %iota3A, %broadcast_in_dim3A_625 : vector<256x6272xi1>, vector<256x6272xi32>
    %reduce_min3A_627 = arith.constant dense<2147483647> : vector<256xi32>
    %reduce_min3A_628 = vector.multi_reduction <minsi>, %select_n3A_626, %reduce_min3A_627 [1] : vector<256x6272xi32> to vector<256xi32>
    %broadcast_in_dim3A_629 = vector.shape_cast %reduce_min3A_628 : vector<256xi32> to vector<256x1xi32>
    %eq3A_630 = vector.broadcast %broadcast_in_dim3A_629 : vector<256x1xi32> to vector<256x6272xi32>
    %eq3A_631 = arith.cmpi eq, %iota3A, %eq3A_630 : vector<256x6272xi32>
    %jit3A_632 = arith.constant 3.000000e+38 : f32
    %broadcast_in_dim3A_633 = vector.broadcast %jit3A_632 : f32 to vector<256x6272xf32>
    %select_n3A_634 = arith.select %eq3A_631, %broadcast_in_dim3A_633, %select_n3A_548 : vector<256x6272xi1>, vector<256x6272xf32>
    %jit3A_635 = arith.constant 128 : i32
    %div3A_636 = vector.broadcast %jit3A_635 : i32 to vector<256x1xi32>
    %div3A_637 = arith.divsi %broadcast_in_dim3A_629, %div3A_636 : vector<256x1xi32>
    %sign3A_638 = arith.constant 0 : i32
    %sign3A_639 = vector.broadcast %sign3A_638 : i32 to vector<256x1xi32>
    %sign3A_640 = arith.cmpi sgt, %broadcast_in_dim3A_629, %sign3A_639 : vector<256x1xi32>
    %sign3A_641 = arith.extui %sign3A_640 : vector<256x1xi1> to vector<256x1xi32>
    %sign3A_642 = arith.constant 0 : i32
    %sign3A_643 = vector.broadcast %sign3A_642 : i32 to vector<256x1xi32>
    %sign3A_644 = arith.cmpi slt, %broadcast_in_dim3A_629, %sign3A_643 : vector<256x1xi32>
    %sign3A_645 = arith.extui %sign3A_644 : vector<256x1xi1> to vector<256x1xi32>
    %sign3A_646 = arith.subi %sign3A_641, %sign3A_645 : vector<256x1xi32>
    %sign3A_647 = arith.constant 0 : i32
    %sign3A_648 = arith.cmpi sgt, %jit3A_635, %sign3A_647 : i32
    %sign3A_649 = arith.extui %sign3A_648 : i1 to i32
    %sign3A_650 = arith.constant 0 : i32
    %sign3A_651 = arith.cmpi slt, %jit3A_635, %sign3A_650 : i32
    %sign3A_652 = arith.extui %sign3A_651 : i1 to i32
    %sign3A_653 = arith.subi %sign3A_649, %sign3A_652 : i32
    %ne3A_654 = vector.broadcast %sign3A_653 : i32 to vector<256x1xi32>
    %ne3A_655 = arith.cmpi ne, %sign3A_646, %ne3A_654 : vector<256x1xi32>
    %rem3A_656 = vector.broadcast %jit3A_635 : i32 to vector<256x1xi32>
    %rem3A_657 = arith.remsi %broadcast_in_dim3A_629, %rem3A_656 : vector<256x1xi32>
    %ne3A_658 = arith.constant 0 : i32
    %ne3A_659 = vector.broadcast %ne3A_658 : i32 to vector<256x1xi32>
    %ne3A_660 = arith.cmpi ne, %rem3A_657, %ne3A_659 : vector<256x1xi32>
    %and3A_661 = arith.andi %ne3A_655, %ne3A_660 : vector<256x1xi1>
    %sub3A_662 = arith.constant 1 : i32
    %sub3A_663 = vector.broadcast %sub3A_662 : i32 to vector<256x1xi32>
    %sub3A_664 = arith.subi %div3A_637, %sub3A_663 : vector<256x1xi32>
    %select_n3A_665 = arith.select %and3A_661, %sub3A_664, %div3A_637 : vector<256x1xi1>, vector<256x1xi32>
    %mul3A_666 = arith.constant 2048 : i32
    %mul3A_667 = vector.broadcast %mul3A_666 : i32 to vector<256x1xi32>
    %mul3A_668 = arith.muli %select_n3A_665, %mul3A_667 : vector<256x1xi32>
    %jit3A_669 = arith.constant 128 : i32
    %eq3A_670 = arith.constant 0 : i32
    %eq3A_671 = arith.cmpi eq, %jit3A_669, %eq3A_670 : i32
    %jit3A_672 = arith.constant 1 : i32
    %select_n3A_673 = arith.select %eq3A_671, %jit3A_672, %jit3A_669 : i32
    %rem3A_674 = vector.broadcast %select_n3A_673 : i32 to vector<256x1xi32>
    %rem3A_675 = arith.remsi %broadcast_in_dim3A_629, %rem3A_674 : vector<256x1xi32>
    %ne3A_676 = arith.constant 0 : i32
    %ne3A_677 = vector.broadcast %ne3A_676 : i32 to vector<256x1xi32>
    %ne3A_678 = arith.cmpi ne, %rem3A_675, %ne3A_677 : vector<256x1xi32>
    %lt3A_679 = arith.constant 0 : i32
    %lt3A_680 = vector.broadcast %lt3A_679 : i32 to vector<256x1xi32>
    %lt3A_681 = arith.cmpi slt, %rem3A_675, %lt3A_680 : vector<256x1xi32>
    %lt3A_682 = arith.constant 0 : i32
    %lt3A_683 = arith.cmpi slt, %select_n3A_673, %lt3A_682 : i32
    %ne3A_684 = vector.broadcast %lt3A_683 : i1 to vector<256x1xi1>
    %ne3A_685 = vector.broadcast %ne3A_684 : vector<256x1xi1> to vector<256x1xi1>
    %ne3A_686 = arith.xori %lt3A_681, %ne3A_685 : vector<256x1xi1>
    %and3A_687 = arith.andi %ne3A_686, %ne3A_678 : vector<256x1xi1>
    %add3A_688 = vector.broadcast %select_n3A_673 : i32 to vector<256x1xi32>
    %add3A_689 = arith.addi %rem3A_675, %add3A_688 : vector<256x1xi32>
    %select_n3A_690 = arith.select %and3A_687, %add3A_689, %rem3A_675 : vector<256x1xi1>, vector<256x1xi32>
    %add3A_691 = arith.addi %mul3A_668, %select_n3A_690 : vector<256x1xi32>
    %ge3A_692 = arith.constant 112 : i32
    %ge3A_693 = vector.broadcast %ge3A_692 : i32 to vector<256x160xi32>
    %ge3A_694 = arith.cmpi sge, %iota3A_2, %ge3A_693 : vector<256x160xi32>
    %lt3A_695 = arith.constant 128 : i32
    %lt3A_696 = vector.broadcast %lt3A_695 : i32 to vector<256x160xi32>
    %lt3A_697 = arith.cmpi slt, %iota3A_2, %lt3A_696 : vector<256x160xi32>
    %and3A_698 = arith.andi %ge3A_694, %lt3A_697 : vector<256x160xi1>
    %mul3A_699 = arith.constant 128 : i32
    %mul3A_700 = vector.broadcast %mul3A_699 : i32 to vector<256x160xi32>
    %mul3A_701 = arith.muli %mul3A_700, %select_n3A_20 : vector<256x160xi32>
    %add3A_702 = vector.broadcast %add3A_691 : vector<256x1xi32> to vector<256x160xi32>
    %add3A_703 = arith.addi %add3A_702, %mul3A_701 : vector<256x160xi32>
    %select_n3A_704 = arith.select %and3A_698, %add3A_703, %select_n3A_618 : vector<256x160xi1>, vector<256x160xi32>
    %reduce_min3A_705 = arith.constant dense<0x7F800000> : vector<256xf32>
    %reduce_min3A_706 = vector.multi_reduction <minimumf>, %select_n3A_634, %reduce_min3A_705 [1] : vector<256x6272xf32> to vector<256xf32>
    %broadcast_in_dim3A_707 = vector.shape_cast %reduce_min3A_706 : vector<256xf32> to vector<256x1xf32>
    %eq3A_708 = vector.broadcast %broadcast_in_dim3A_707 : vector<256x1xf32> to vector<256x6272xf32>
    %eq3A_709 = arith.cmpf oeq, %select_n3A_634, %eq3A_708 : vector<256x6272xf32>
    %jit3A_710 = arith.constant 6272 : i32
    %broadcast_in_dim3A_711 = vector.broadcast %jit3A_710 : i32 to vector<256x6272xi32>
    %select_n3A_712 = arith.select %eq3A_709, %iota3A, %broadcast_in_dim3A_711 : vector<256x6272xi1>, vector<256x6272xi32>
    %reduce_min3A_713 = arith.constant dense<2147483647> : vector<256xi32>
    %reduce_min3A_714 = vector.multi_reduction <minsi>, %select_n3A_712, %reduce_min3A_713 [1] : vector<256x6272xi32> to vector<256xi32>
    %broadcast_in_dim3A_715 = vector.shape_cast %reduce_min3A_714 : vector<256xi32> to vector<256x1xi32>
    %eq3A_716 = vector.broadcast %broadcast_in_dim3A_715 : vector<256x1xi32> to vector<256x6272xi32>
    %eq3A_717 = arith.cmpi eq, %iota3A, %eq3A_716 : vector<256x6272xi32>
    %jit3A_718 = arith.constant 3.000000e+38 : f32
    %broadcast_in_dim3A_719 = vector.broadcast %jit3A_718 : f32 to vector<256x6272xf32>
    %select_n3A_720 = arith.select %eq3A_717, %broadcast_in_dim3A_719, %select_n3A_634 : vector<256x6272xi1>, vector<256x6272xf32>
    %jit3A_721 = arith.constant 128 : i32
    %div3A_722 = vector.broadcast %jit3A_721 : i32 to vector<256x1xi32>
    %div3A_723 = arith.divsi %broadcast_in_dim3A_715, %div3A_722 : vector<256x1xi32>
    %sign3A_724 = arith.constant 0 : i32
    %sign3A_725 = vector.broadcast %sign3A_724 : i32 to vector<256x1xi32>
    %sign3A_726 = arith.cmpi sgt, %broadcast_in_dim3A_715, %sign3A_725 : vector<256x1xi32>
    %sign3A_727 = arith.extui %sign3A_726 : vector<256x1xi1> to vector<256x1xi32>
    %sign3A_728 = arith.constant 0 : i32
    %sign3A_729 = vector.broadcast %sign3A_728 : i32 to vector<256x1xi32>
    %sign3A_730 = arith.cmpi slt, %broadcast_in_dim3A_715, %sign3A_729 : vector<256x1xi32>
    %sign3A_731 = arith.extui %sign3A_730 : vector<256x1xi1> to vector<256x1xi32>
    %sign3A_732 = arith.subi %sign3A_727, %sign3A_731 : vector<256x1xi32>
    %sign3A_733 = arith.constant 0 : i32
    %sign3A_734 = arith.cmpi sgt, %jit3A_721, %sign3A_733 : i32
    %sign3A_735 = arith.extui %sign3A_734 : i1 to i32
    %sign3A_736 = arith.constant 0 : i32
    %sign3A_737 = arith.cmpi slt, %jit3A_721, %sign3A_736 : i32
    %sign3A_738 = arith.extui %sign3A_737 : i1 to i32
    %sign3A_739 = arith.subi %sign3A_735, %sign3A_738 : i32
    %ne3A_740 = vector.broadcast %sign3A_739 : i32 to vector<256x1xi32>
    %ne3A_741 = arith.cmpi ne, %sign3A_732, %ne3A_740 : vector<256x1xi32>
    %rem3A_742 = vector.broadcast %jit3A_721 : i32 to vector<256x1xi32>
    %rem3A_743 = arith.remsi %broadcast_in_dim3A_715, %rem3A_742 : vector<256x1xi32>
    %ne3A_744 = arith.constant 0 : i32
    %ne3A_745 = vector.broadcast %ne3A_744 : i32 to vector<256x1xi32>
    %ne3A_746 = arith.cmpi ne, %rem3A_743, %ne3A_745 : vector<256x1xi32>
    %and3A_747 = arith.andi %ne3A_741, %ne3A_746 : vector<256x1xi1>
    %sub3A_748 = arith.constant 1 : i32
    %sub3A_749 = vector.broadcast %sub3A_748 : i32 to vector<256x1xi32>
    %sub3A_750 = arith.subi %div3A_723, %sub3A_749 : vector<256x1xi32>
    %select_n3A_751 = arith.select %and3A_747, %sub3A_750, %div3A_723 : vector<256x1xi1>, vector<256x1xi32>
    %mul3A_752 = arith.constant 2048 : i32
    %mul3A_753 = vector.broadcast %mul3A_752 : i32 to vector<256x1xi32>
    %mul3A_754 = arith.muli %select_n3A_751, %mul3A_753 : vector<256x1xi32>
    %jit3A_755 = arith.constant 128 : i32
    %eq3A_756 = arith.constant 0 : i32
    %eq3A_757 = arith.cmpi eq, %jit3A_755, %eq3A_756 : i32
    %jit3A_758 = arith.constant 1 : i32
    %select_n3A_759 = arith.select %eq3A_757, %jit3A_758, %jit3A_755 : i32
    %rem3A_760 = vector.broadcast %select_n3A_759 : i32 to vector<256x1xi32>
    %rem3A_761 = arith.remsi %broadcast_in_dim3A_715, %rem3A_760 : vector<256x1xi32>
    %ne3A_762 = arith.constant 0 : i32
    %ne3A_763 = vector.broadcast %ne3A_762 : i32 to vector<256x1xi32>
    %ne3A_764 = arith.cmpi ne, %rem3A_761, %ne3A_763 : vector<256x1xi32>
    %lt3A_765 = arith.constant 0 : i32
    %lt3A_766 = vector.broadcast %lt3A_765 : i32 to vector<256x1xi32>
    %lt3A_767 = arith.cmpi slt, %rem3A_761, %lt3A_766 : vector<256x1xi32>
    %lt3A_768 = arith.constant 0 : i32
    %lt3A_769 = arith.cmpi slt, %select_n3A_759, %lt3A_768 : i32
    %ne3A_770 = vector.broadcast %lt3A_769 : i1 to vector<256x1xi1>
    %ne3A_771 = vector.broadcast %ne3A_770 : vector<256x1xi1> to vector<256x1xi1>
    %ne3A_772 = arith.xori %lt3A_767, %ne3A_771 : vector<256x1xi1>
    %and3A_773 = arith.andi %ne3A_772, %ne3A_764 : vector<256x1xi1>
    %add3A_774 = vector.broadcast %select_n3A_759 : i32 to vector<256x1xi32>
    %add3A_775 = arith.addi %rem3A_761, %add3A_774 : vector<256x1xi32>
    %select_n3A_776 = arith.select %and3A_773, %add3A_775, %rem3A_761 : vector<256x1xi1>, vector<256x1xi32>
    %add3A_777 = arith.addi %mul3A_754, %select_n3A_776 : vector<256x1xi32>
    %ge3A_778 = arith.constant 128 : i32
    %ge3A_779 = vector.broadcast %ge3A_778 : i32 to vector<256x160xi32>
    %ge3A_780 = arith.cmpi sge, %iota3A_2, %ge3A_779 : vector<256x160xi32>
    %lt3A_781 = arith.constant 144 : i32
    %lt3A_782 = vector.broadcast %lt3A_781 : i32 to vector<256x160xi32>
    %lt3A_783 = arith.cmpi slt, %iota3A_2, %lt3A_782 : vector<256x160xi32>
    %and3A_784 = arith.andi %ge3A_780, %lt3A_783 : vector<256x160xi1>
    %mul3A_785 = arith.constant 128 : i32
    %mul3A_786 = vector.broadcast %mul3A_785 : i32 to vector<256x160xi32>
    %mul3A_787 = arith.muli %mul3A_786, %select_n3A_20 : vector<256x160xi32>
    %add3A_788 = vector.broadcast %add3A_777 : vector<256x1xi32> to vector<256x160xi32>
    %add3A_789 = arith.addi %add3A_788, %mul3A_787 : vector<256x160xi32>
    %select_n3A_790 = arith.select %and3A_784, %add3A_789, %select_n3A_704 : vector<256x160xi1>, vector<256x160xi32>
    %reduce_min3A_791 = arith.constant dense<0x7F800000> : vector<256xf32>
    %reduce_min3A_792 = vector.multi_reduction <minimumf>, %select_n3A_720, %reduce_min3A_791 [1] : vector<256x6272xf32> to vector<256xf32>
    %broadcast_in_dim3A_793 = vector.shape_cast %reduce_min3A_792 : vector<256xf32> to vector<256x1xf32>
    %eq3A_794 = vector.broadcast %broadcast_in_dim3A_793 : vector<256x1xf32> to vector<256x6272xf32>
    %eq3A_795 = arith.cmpf oeq, %select_n3A_720, %eq3A_794 : vector<256x6272xf32>
    %jit3A_796 = arith.constant 6272 : i32
    %broadcast_in_dim3A_797 = vector.broadcast %jit3A_796 : i32 to vector<256x6272xi32>
    %select_n3A_798 = arith.select %eq3A_795, %iota3A, %broadcast_in_dim3A_797 : vector<256x6272xi1>, vector<256x6272xi32>
    %reduce_min3A_799 = arith.constant dense<2147483647> : vector<256xi32>
    %reduce_min3A_800 = vector.multi_reduction <minsi>, %select_n3A_798, %reduce_min3A_799 [1] : vector<256x6272xi32> to vector<256xi32>
    %broadcast_in_dim3A_801 = vector.shape_cast %reduce_min3A_800 : vector<256xi32> to vector<256x1xi32>
    %jit3A_802 = arith.constant 128 : i32
    %div3A_803 = vector.broadcast %jit3A_802 : i32 to vector<256x1xi32>
    %div3A_804 = arith.divsi %broadcast_in_dim3A_801, %div3A_803 : vector<256x1xi32>
    %sign3A_805 = arith.constant 0 : i32
    %sign3A_806 = vector.broadcast %sign3A_805 : i32 to vector<256x1xi32>
    %sign3A_807 = arith.cmpi sgt, %broadcast_in_dim3A_801, %sign3A_806 : vector<256x1xi32>
    %sign3A_808 = arith.extui %sign3A_807 : vector<256x1xi1> to vector<256x1xi32>
    %sign3A_809 = arith.constant 0 : i32
    %sign3A_810 = vector.broadcast %sign3A_809 : i32 to vector<256x1xi32>
    %sign3A_811 = arith.cmpi slt, %broadcast_in_dim3A_801, %sign3A_810 : vector<256x1xi32>
    %sign3A_812 = arith.extui %sign3A_811 : vector<256x1xi1> to vector<256x1xi32>
    %sign3A_813 = arith.subi %sign3A_808, %sign3A_812 : vector<256x1xi32>
    %sign3A_814 = arith.constant 0 : i32
    %sign3A_815 = arith.cmpi sgt, %jit3A_802, %sign3A_814 : i32
    %sign3A_816 = arith.extui %sign3A_815 : i1 to i32
    %sign3A_817 = arith.constant 0 : i32
    %sign3A_818 = arith.cmpi slt, %jit3A_802, %sign3A_817 : i32
    %sign3A_819 = arith.extui %sign3A_818 : i1 to i32
    %sign3A_820 = arith.subi %sign3A_816, %sign3A_819 : i32
    %ne3A_821 = vector.broadcast %sign3A_820 : i32 to vector<256x1xi32>
    %ne3A_822 = arith.cmpi ne, %sign3A_813, %ne3A_821 : vector<256x1xi32>
    %rem3A_823 = vector.broadcast %jit3A_802 : i32 to vector<256x1xi32>
    %rem3A_824 = arith.remsi %broadcast_in_dim3A_801, %rem3A_823 : vector<256x1xi32>
    %ne3A_825 = arith.constant 0 : i32
    %ne3A_826 = vector.broadcast %ne3A_825 : i32 to vector<256x1xi32>
    %ne3A_827 = arith.cmpi ne, %rem3A_824, %ne3A_826 : vector<256x1xi32>
    %and3A_828 = arith.andi %ne3A_822, %ne3A_827 : vector<256x1xi1>
    %sub3A_829 = arith.constant 1 : i32
    %sub3A_830 = vector.broadcast %sub3A_829 : i32 to vector<256x1xi32>
    %sub3A_831 = arith.subi %div3A_804, %sub3A_830 : vector<256x1xi32>
    %select_n3A_832 = arith.select %and3A_828, %sub3A_831, %div3A_804 : vector<256x1xi1>, vector<256x1xi32>
    %mul3A_833 = arith.constant 2048 : i32
    %mul3A_834 = vector.broadcast %mul3A_833 : i32 to vector<256x1xi32>
    %mul3A_835 = arith.muli %select_n3A_832, %mul3A_834 : vector<256x1xi32>
    %jit3A_836 = arith.constant 128 : i32
    %eq3A_837 = arith.constant 0 : i32
    %eq3A_838 = arith.cmpi eq, %jit3A_836, %eq3A_837 : i32
    %jit3A_839 = arith.constant 1 : i32
    %select_n3A_840 = arith.select %eq3A_838, %jit3A_839, %jit3A_836 : i32
    %rem3A_841 = vector.broadcast %select_n3A_840 : i32 to vector<256x1xi32>
    %rem3A_842 = arith.remsi %broadcast_in_dim3A_801, %rem3A_841 : vector<256x1xi32>
    %ne3A_843 = arith.constant 0 : i32
    %ne3A_844 = vector.broadcast %ne3A_843 : i32 to vector<256x1xi32>
    %ne3A_845 = arith.cmpi ne, %rem3A_842, %ne3A_844 : vector<256x1xi32>
    %lt3A_846 = arith.constant 0 : i32
    %lt3A_847 = vector.broadcast %lt3A_846 : i32 to vector<256x1xi32>
    %lt3A_848 = arith.cmpi slt, %rem3A_842, %lt3A_847 : vector<256x1xi32>
    %lt3A_849 = arith.constant 0 : i32
    %lt3A_850 = arith.cmpi slt, %select_n3A_840, %lt3A_849 : i32
    %ne3A_851 = vector.broadcast %lt3A_850 : i1 to vector<256x1xi1>
    %ne3A_852 = vector.broadcast %ne3A_851 : vector<256x1xi1> to vector<256x1xi1>
    %ne3A_853 = arith.xori %lt3A_848, %ne3A_852 : vector<256x1xi1>
    %and3A_854 = arith.andi %ne3A_853, %ne3A_845 : vector<256x1xi1>
    %add3A_855 = vector.broadcast %select_n3A_840 : i32 to vector<256x1xi32>
    %add3A_856 = arith.addi %rem3A_842, %add3A_855 : vector<256x1xi32>
    %select_n3A_857 = arith.select %and3A_854, %add3A_856, %rem3A_842 : vector<256x1xi1>, vector<256x1xi32>
    %add3A_858 = arith.addi %mul3A_835, %select_n3A_857 : vector<256x1xi32>
    %ge3A_859 = arith.constant 144 : i32
    %ge3A_860 = vector.broadcast %ge3A_859 : i32 to vector<256x160xi32>
    %ge3A_861 = arith.cmpi sge, %iota3A_2, %ge3A_860 : vector<256x160xi32>
    %lt3A_862 = arith.constant 160 : i32
    %lt3A_863 = vector.broadcast %lt3A_862 : i32 to vector<256x160xi32>
    %lt3A_864 = arith.cmpi slt, %iota3A_2, %lt3A_863 : vector<256x160xi32>
    %and3A_865 = arith.andi %ge3A_861, %lt3A_864 : vector<256x160xi1>
    %mul3A_866 = arith.constant 128 : i32
    %mul3A_867 = vector.broadcast %mul3A_866 : i32 to vector<256x160xi32>
    %mul3A_868 = arith.muli %mul3A_867, %select_n3A_20 : vector<256x160xi32>
    %add3A_869 = vector.broadcast %add3A_858 : vector<256x1xi32> to vector<256x160xi32>
    %add3A_870 = arith.addi %add3A_869, %mul3A_868 : vector<256x160xi32>
    %select_n3A_871 = arith.select %and3A_865, %add3A_870, %select_n3A_790 : vector<256x160xi1>, vector<256x160xi32>
    %swap3A = arith.constant 0 : index
    %swap3A_872 = arith.constant 0 : index
    %swap3A_873 = vector.load %arg3[%swap3A, %swap3A_872] : memref<256x160xi32, #tpu.memory_space<vmem>>, vector<256x160xi32>
    tpu.vector_store %arg3[%swap3A, %swap3A_872], %select_n3A_871 {strides = array<i32>} : memref<256x160xi32, #tpu.memory_space<vmem>>, vector<256x160xi32>,
    %jit3A_874 = arith.constant 128 : i32
    %div3A_875 = vector.broadcast %jit3A_874 : i32 to vector<256x160xi32>
    %div3A_876 = arith.divsi %select_n3A_871, %div3A_875 : vector<256x160xi32>
    %sign3A_877 = arith.constant 0 : i32
    %sign3A_878 = vector.broadcast %sign3A_877 : i32 to vector<256x160xi32>
    %sign3A_879 = arith.cmpi sgt, %select_n3A_871, %sign3A_878 : vector<256x160xi32>
    %sign3A_880 = arith.extui %sign3A_879 : vector<256x160xi1> to vector<256x160xi32>
    %sign3A_881 = arith.constant 0 : i32
    %sign3A_882 = vector.broadcast %sign3A_881 : i32 to vector<256x160xi32>
    %sign3A_883 = arith.cmpi slt, %select_n3A_871, %sign3A_882 : vector<256x160xi32>
    %sign3A_884 = arith.extui %sign3A_883 : vector<256x160xi1> to vector<256x160xi32>
    %sign3A_885 = arith.subi %sign3A_880, %sign3A_884 : vector<256x160xi32>
    %sign3A_886 = arith.constant 0 : i32
    %sign3A_887 = arith.cmpi sgt, %jit3A_874, %sign3A_886 : i32
    %sign3A_888 = arith.extui %sign3A_887 : i1 to i32
    %sign3A_889 = arith.constant 0 : i32
    %sign3A_890 = arith.cmpi slt, %jit3A_874, %sign3A_889 : i32
    %sign3A_891 = arith.extui %sign3A_890 : i1 to i32
    %sign3A_892 = arith.subi %sign3A_888, %sign3A_891 : i32
    %ne3A_893 = vector.broadcast %sign3A_892 : i32 to vector<256x160xi32>
    %ne3A_894 = arith.cmpi ne, %sign3A_885, %ne3A_893 : vector<256x160xi32>
    %rem3A_895 = vector.broadcast %jit3A_874 : i32 to vector<256x160xi32>
    %rem3A_896 = arith.remsi %select_n3A_871, %rem3A_895 : vector<256x160xi32>
    %ne3A_897 = arith.constant 0 : i32
    %ne3A_898 = vector.broadcast %ne3A_897 : i32 to vector<256x160xi32>
    %ne3A_899 = arith.cmpi ne, %rem3A_896, %ne3A_898 : vector<256x160xi32>
    %and3A_900 = arith.andi %ne3A_894, %ne3A_899 : vector<256x160xi1>
    %sub3A_901 = arith.constant 1 : i32
    %sub3A_902 = vector.broadcast %sub3A_901 : i32 to vector<256x160xi32>
    %sub3A_903 = arith.subi %div3A_876, %sub3A_902 : vector<256x160xi32>
    %select_n3A_904 = arith.select %and3A_900, %sub3A_903, %div3A_876 : vector<256x160xi1>, vector<256x160xi32>
    %mul3A_905 = arith.constant 131072 : i32
    %mul3A_906 = vector.broadcast %mul3A_905 : i32 to vector<256x160xi32>
    %mul3A_907 = arith.muli %select_n3A_904, %mul3A_906 : vector<256x160xi32>
    %mul3A_908 = arith.constant 128 : i32
    %mul3A_909 = vector.broadcast %mul3A_908 : i32 to vector<256x160xi32>
    %mul3A_910 = arith.muli %add3A_5, %mul3A_909 : vector<256x160xi32>
    %add3A_911 = arith.addi %mul3A_907, %mul3A_910 : vector<256x160xi32>
    %jit3A_912 = arith.constant 128 : i32
    %eq3A_913 = arith.constant 0 : i32
    %eq3A_914 = arith.cmpi eq, %jit3A_912, %eq3A_913 : i32
    %jit3A_915 = arith.constant 1 : i32
    %select_n3A_916 = arith.select %eq3A_914, %jit3A_915, %jit3A_912 : i32
    %rem3A_917 = vector.broadcast %select_n3A_916 : i32 to vector<256x160xi32>
    %rem3A_918 = arith.remsi %select_n3A_871, %rem3A_917 : vector<256x160xi32>
    %ne3A_919 = arith.constant 0 : i32
    %ne3A_920 = vector.broadcast %ne3A_919 : i32 to vector<256x160xi32>
    %ne3A_921 = arith.cmpi ne, %rem3A_918, %ne3A_920 : vector<256x160xi32>
    %lt3A_922 = arith.constant 0 : i32
    %lt3A_923 = vector.broadcast %lt3A_922 : i32 to vector<256x160xi32>
    %lt3A_924 = arith.cmpi slt, %rem3A_918, %lt3A_923 : vector<256x160xi32>
    %lt3A_925 = arith.constant 0 : i32
    %lt3A_926 = arith.cmpi slt, %select_n3A_916, %lt3A_925 : i32
    %ne3A_927 = vector.broadcast %lt3A_926 : i1 to vector<256x160xi1>
    %ne3A_928 = vector.broadcast %ne3A_927 : vector<256x160xi1> to vector<256x160xi1>
    %ne3A_929 = arith.xori %lt3A_924, %ne3A_928 : vector<256x160xi1>
    %and3A_930 = arith.andi %ne3A_929, %ne3A_921 : vector<256x160xi1>
    %add3A_931 = vector.broadcast %select_n3A_916 : i32 to vector<256x160xi32>
    %add3A_932 = arith.addi %rem3A_918, %add3A_931 : vector<256x160xi32>
    %select_n3A_933 = arith.select %and3A_930, %add3A_932, %rem3A_918 : vector<256x160xi1>, vector<256x160xi32>
    %add3A_934 = arith.addi %add3A_911, %select_n3A_933 : vector<256x160xi32>
    %swap3A_935 = arith.constant 0 : index
    %swap3A_936 = arith.constant 0 : index
    %swap3A_937 = vector.load %arg2[%swap3A_935, %swap3A_936] : memref<256x160xi32, #tpu.memory_space<vmem>>, vector<256x160xi32>
    tpu.vector_store %arg2[%swap3A_935, %swap3A_936], %add3A_934 {strides = array<i32>} : memref<256x160xi32, #tpu.memory_space<vmem>>, vector<256x160xi32>,
    return
  }
  func.func @transform_0(%arg0: i32) -> (i32, i32) {
    %c0_i32 = arith.constant 0 : i32
    %c0_i32_0 = arith.constant 0 : i32
    return %arg0, %c0_i32 : i32, i32
  }
  func.func @transform_1(%arg0: i32) -> (i32, i32) {
    %c0_i32 = arith.constant 0 : i32
    %c0_i32_0 = arith.constant 0 : i32
    return %arg0, %c0_i32 : i32, i32
  }
  func.func @transform_2(%arg0: i32) -> (i32, i32) {
    %c0_i32 = arith.constant 0 : i32
    %c0_i32_0 = arith.constant 0 : i32
    return %arg0, %c0_i32 : i32, i32
  }
}

module attributes {stable_mosaic.version = 14 : i64} {
  func.func @_final_kernel(%arg0: memref<1024x160xf32, #tpu.memory_space<vmem>>, %arg1: memref<1024x160xf32, #tpu.memory_space<vmem>>, %arg2: memref<1024x160xi32, #tpu.memory_space<vmem>>, %arg3: memref<1024x128xf32, #tpu.memory_space<vmem>>, %arg4: memref<1x1xf32, #tpu.memory_space<vmem>>, %arg5: memref<1024x1xf32, #tpu.memory_space<vmem>>, %arg6: memref<1024x1xi32, #tpu.memory_space<vmem>>) attributes {dimension_semantics = [], scalar_prefetch = 0 : i64, scratch_operands = 0 : i64, tpu.core_type = #tpu.core_type<tc>} {
    %get3A = arith.constant 0 : index
    %get3A_0 = arith.constant 0 : index
    %get3A_1 = vector.load %arg0[%get3A, %get3A_0] : memref<1024x160xf32, #tpu.memory_space<vmem>>, vector<1024x160xf32>
    %get3A_2 = arith.constant 0 : index
    %get3A_3 = arith.constant 0 : index
    %get3A_4 = vector.load %arg1[%get3A_2, %get3A_3] : memref<1024x160xf32, #tpu.memory_space<vmem>>, vector<1024x160xf32>
    %get3A_5 = arith.constant 0 : index
    %get3A_6 = arith.constant 0 : index
    %get3A_7 = vector.load %arg2[%get3A_5, %get3A_6] : memref<1024x160xi32, #tpu.memory_space<vmem>>, vector<1024x160xi32>
    %iota3A = tpu.iota {dimensions = array<i32: 1>} : vector<1024x160xi32>
    %iota3A_8 = tpu.iota {dimensions = array<i32: 1>} : vector<1024x16xi32>
    %broadcast_in_dim3A = arith.constant 3.000000e+38 : f32
    %broadcast_in_dim3A_9 = vector.broadcast %broadcast_in_dim3A : f32 to vector<1024x16xf32>
    %broadcast_in_dim3A_10 = arith.constant 0 : i32
    %broadcast_in_dim3A_11 = vector.broadcast %broadcast_in_dim3A_10 : i32 to vector<1024x16xi32>
    %broadcast_in_dim3A_12 = arith.constant 0.000000e+00 : f32
    %broadcast_in_dim3A_13 = vector.broadcast %broadcast_in_dim3A_12 : f32 to vector<1024x16xf32>
    %reduce_min3A = arith.constant dense<0x7F800000> : vector<1024xf32>
    %reduce_min3A_14 = vector.multi_reduction <minimumf>, %get3A_1, %reduce_min3A [1] : vector<1024x160xf32> to vector<1024xf32>
    %broadcast_in_dim3A_15 = vector.shape_cast %reduce_min3A_14 : vector<1024xf32> to vector<1024x1xf32>
    %eq3A = vector.broadcast %broadcast_in_dim3A_15 : vector<1024x1xf32> to vector<1024x160xf32>
    %eq3A_16 = arith.cmpf oeq, %get3A_1, %eq3A : vector<1024x160xf32>
    %jit3A = arith.constant 160 : i32
    %broadcast_in_dim3A_17 = vector.broadcast %jit3A : i32 to vector<1024x160xi32>
    %select_n3A = arith.select %eq3A_16, %iota3A, %broadcast_in_dim3A_17 : vector<1024x160xi1>, vector<1024x160xi32>
    %reduce_min3A_18 = arith.constant dense<2147483647> : vector<1024xi32>
    %reduce_min3A_19 = vector.multi_reduction <minsi>, %select_n3A, %reduce_min3A_18 [1] : vector<1024x160xi32> to vector<1024xi32>
    %broadcast_in_dim3A_20 = vector.shape_cast %reduce_min3A_19 : vector<1024xi32> to vector<1024x1xi32>
    %eq3A_21 = vector.broadcast %broadcast_in_dim3A_20 : vector<1024x1xi32> to vector<1024x160xi32>
    %eq3A_22 = arith.cmpi eq, %iota3A, %eq3A_21 : vector<1024x160xi32>
    %jit3A_23 = arith.constant 0 : i32
    %broadcast_in_dim3A_24 = vector.broadcast %jit3A_23 : i32 to vector<1024x160xi32>
    %select_n3A_25 = arith.select %eq3A_22, %get3A_7, %broadcast_in_dim3A_24 : vector<1024x160xi1>, vector<1024x160xi32>
    %reduce_sum3A = arith.constant dense<0> : vector<1024xi32>
    %reduce_sum3A_26 = vector.multi_reduction <add>, %select_n3A_25, %reduce_sum3A [1] : vector<1024x160xi32> to vector<1024xi32>
    %broadcast_in_dim3A_27 = vector.shape_cast %reduce_sum3A_26 : vector<1024xi32> to vector<1024x1xi32>
    %jit3A_28 = arith.constant 0.000000e+00 : f32
    %broadcast_in_dim3A_29 = vector.broadcast %jit3A_28 : f32 to vector<1024x160xf32>
    %select_n3A_30 = arith.select %eq3A_22, %get3A_4, %broadcast_in_dim3A_29 : vector<1024x160xi1>, vector<1024x160xf32>
    %reduce_sum3A_31 = arith.constant dense<0.000000e+00> : vector<1024xf32>
    %reduce_sum3A_32 = vector.multi_reduction <add>, %select_n3A_30, %reduce_sum3A_31 [1] : vector<1024x160xf32> to vector<1024xf32>
    %broadcast_in_dim3A_33 = vector.shape_cast %reduce_sum3A_32 : vector<1024xf32> to vector<1024x1xf32>
    %eq3A_34 = arith.constant 0 : i32
    %eq3A_35 = vector.broadcast %eq3A_34 : i32 to vector<1024x16xi32>
    %eq3A_36 = arith.cmpi eq, %iota3A_8, %eq3A_35 : vector<1024x16xi32>
    %broadcast_in_dim3A_37 = vector.shape_cast %broadcast_in_dim3A_15 : vector<1024x1xf32> to vector<1024x1xf32>
    %broadcast_in_dim3A_38 = vector.broadcast %broadcast_in_dim3A_37 : vector<1024x1xf32> to vector<1024x16xf32>
    %select_n3A_39 = arith.select %eq3A_36, %broadcast_in_dim3A_38, %broadcast_in_dim3A_9 : vector<1024x16xi1>, vector<1024x16xf32>
    %eq3A_40 = arith.constant 0 : i32
    %eq3A_41 = vector.broadcast %eq3A_40 : i32 to vector<1024x16xi32>
    %eq3A_42 = arith.cmpi eq, %iota3A_8, %eq3A_41 : vector<1024x16xi32>
    %broadcast_in_dim3A_43 = vector.shape_cast %broadcast_in_dim3A_27 : vector<1024x1xi32> to vector<1024x1xi32>
    %broadcast_in_dim3A_44 = vector.broadcast %broadcast_in_dim3A_43 : vector<1024x1xi32> to vector<1024x16xi32>
    %select_n3A_45 = arith.select %eq3A_42, %broadcast_in_dim3A_44, %broadcast_in_dim3A_11 : vector<1024x16xi1>, vector<1024x16xi32>
    %eq3A_46 = arith.constant 0 : i32
    %eq3A_47 = vector.broadcast %eq3A_46 : i32 to vector<1024x16xi32>
    %eq3A_48 = arith.cmpi eq, %iota3A_8, %eq3A_47 : vector<1024x16xi32>
    %broadcast_in_dim3A_49 = vector.shape_cast %broadcast_in_dim3A_33 : vector<1024x1xf32> to vector<1024x1xf32>
    %broadcast_in_dim3A_50 = vector.broadcast %broadcast_in_dim3A_49 : vector<1024x1xf32> to vector<1024x16xf32>
    %select_n3A_51 = arith.select %eq3A_48, %broadcast_in_dim3A_50, %broadcast_in_dim3A_13 : vector<1024x16xi1>, vector<1024x16xf32>
    %jit3A_52 = arith.constant 3.000000e+38 : f32
    %broadcast_in_dim3A_53 = vector.broadcast %jit3A_52 : f32 to vector<1024x160xf32>
    %select_n3A_54 = arith.select %eq3A_22, %broadcast_in_dim3A_53, %get3A_1 : vector<1024x160xi1>, vector<1024x160xf32>
    %reduce_min3A_55 = arith.constant dense<0x7F800000> : vector<1024xf32>
    %reduce_min3A_56 = vector.multi_reduction <minimumf>, %select_n3A_54, %reduce_min3A_55 [1] : vector<1024x160xf32> to vector<1024xf32>
    %broadcast_in_dim3A_57 = vector.shape_cast %reduce_min3A_56 : vector<1024xf32> to vector<1024x1xf32>
    %eq3A_58 = vector.broadcast %broadcast_in_dim3A_57 : vector<1024x1xf32> to vector<1024x160xf32>
    %eq3A_59 = arith.cmpf oeq, %select_n3A_54, %eq3A_58 : vector<1024x160xf32>
    %jit3A_60 = arith.constant 160 : i32
    %broadcast_in_dim3A_61 = vector.broadcast %jit3A_60 : i32 to vector<1024x160xi32>
    %select_n3A_62 = arith.select %eq3A_59, %iota3A, %broadcast_in_dim3A_61 : vector<1024x160xi1>, vector<1024x160xi32>
    %reduce_min3A_63 = arith.constant dense<2147483647> : vector<1024xi32>
    %reduce_min3A_64 = vector.multi_reduction <minsi>, %select_n3A_62, %reduce_min3A_63 [1] : vector<1024x160xi32> to vector<1024xi32>
    %broadcast_in_dim3A_65 = vector.shape_cast %reduce_min3A_64 : vector<1024xi32> to vector<1024x1xi32>
    %eq3A_66 = vector.broadcast %broadcast_in_dim3A_65 : vector<1024x1xi32> to vector<1024x160xi32>
    %eq3A_67 = arith.cmpi eq, %iota3A, %eq3A_66 : vector<1024x160xi32>
    %jit3A_68 = arith.constant 0 : i32
    %broadcast_in_dim3A_69 = vector.broadcast %jit3A_68 : i32 to vector<1024x160xi32>
    %select_n3A_70 = arith.select %eq3A_67, %get3A_7, %broadcast_in_dim3A_69 : vector<1024x160xi1>, vector<1024x160xi32>
    %reduce_sum3A_71 = arith.constant dense<0> : vector<1024xi32>
    %reduce_sum3A_72 = vector.multi_reduction <add>, %select_n3A_70, %reduce_sum3A_71 [1] : vector<1024x160xi32> to vector<1024xi32>
    %broadcast_in_dim3A_73 = vector.shape_cast %reduce_sum3A_72 : vector<1024xi32> to vector<1024x1xi32>
    %jit3A_74 = arith.constant 0.000000e+00 : f32
    %broadcast_in_dim3A_75 = vector.broadcast %jit3A_74 : f32 to vector<1024x160xf32>
    %select_n3A_76 = arith.select %eq3A_67, %get3A_4, %broadcast_in_dim3A_75 : vector<1024x160xi1>, vector<1024x160xf32>
    %reduce_sum3A_77 = arith.constant dense<0.000000e+00> : vector<1024xf32>
    %reduce_sum3A_78 = vector.multi_reduction <add>, %select_n3A_76, %reduce_sum3A_77 [1] : vector<1024x160xf32> to vector<1024xf32>
    %broadcast_in_dim3A_79 = vector.shape_cast %reduce_sum3A_78 : vector<1024xf32> to vector<1024x1xf32>
    %eq3A_80 = arith.constant 1 : i32
    %eq3A_81 = vector.broadcast %eq3A_80 : i32 to vector<1024x16xi32>
    %eq3A_82 = arith.cmpi eq, %iota3A_8, %eq3A_81 : vector<1024x16xi32>
    %broadcast_in_dim3A_83 = vector.shape_cast %broadcast_in_dim3A_57 : vector<1024x1xf32> to vector<1024x1xf32>
    %broadcast_in_dim3A_84 = vector.broadcast %broadcast_in_dim3A_83 : vector<1024x1xf32> to vector<1024x16xf32>
    %select_n3A_85 = arith.select %eq3A_82, %broadcast_in_dim3A_84, %select_n3A_39 : vector<1024x16xi1>, vector<1024x16xf32>
    %eq3A_86 = arith.constant 1 : i32
    %eq3A_87 = vector.broadcast %eq3A_86 : i32 to vector<1024x16xi32>
    %eq3A_88 = arith.cmpi eq, %iota3A_8, %eq3A_87 : vector<1024x16xi32>
    %broadcast_in_dim3A_89 = vector.shape_cast %broadcast_in_dim3A_73 : vector<1024x1xi32> to vector<1024x1xi32>
    %broadcast_in_dim3A_90 = vector.broadcast %broadcast_in_dim3A_89 : vector<1024x1xi32> to vector<1024x16xi32>
    %select_n3A_91 = arith.select %eq3A_88, %broadcast_in_dim3A_90, %select_n3A_45 : vector<1024x16xi1>, vector<1024x16xi32>
    %eq3A_92 = arith.constant 1 : i32
    %eq3A_93 = vector.broadcast %eq3A_92 : i32 to vector<1024x16xi32>
    %eq3A_94 = arith.cmpi eq, %iota3A_8, %eq3A_93 : vector<1024x16xi32>
    %broadcast_in_dim3A_95 = vector.shape_cast %broadcast_in_dim3A_79 : vector<1024x1xf32> to vector<1024x1xf32>
    %broadcast_in_dim3A_96 = vector.broadcast %broadcast_in_dim3A_95 : vector<1024x1xf32> to vector<1024x16xf32>
    %select_n3A_97 = arith.select %eq3A_94, %broadcast_in_dim3A_96, %select_n3A_51 : vector<1024x16xi1>, vector<1024x16xf32>
    %jit3A_98 = arith.constant 3.000000e+38 : f32
    %broadcast_in_dim3A_99 = vector.broadcast %jit3A_98 : f32 to vector<1024x160xf32>
    %select_n3A_100 = arith.select %eq3A_67, %broadcast_in_dim3A_99, %select_n3A_54 : vector<1024x160xi1>, vector<1024x160xf32>
    %reduce_min3A_101 = arith.constant dense<0x7F800000> : vector<1024xf32>
    %reduce_min3A_102 = vector.multi_reduction <minimumf>, %select_n3A_100, %reduce_min3A_101 [1] : vector<1024x160xf32> to vector<1024xf32>
    %broadcast_in_dim3A_103 = vector.shape_cast %reduce_min3A_102 : vector<1024xf32> to vector<1024x1xf32>
    %eq3A_104 = vector.broadcast %broadcast_in_dim3A_103 : vector<1024x1xf32> to vector<1024x160xf32>
    %eq3A_105 = arith.cmpf oeq, %select_n3A_100, %eq3A_104 : vector<1024x160xf32>
    %jit3A_106 = arith.constant 160 : i32
    %broadcast_in_dim3A_107 = vector.broadcast %jit3A_106 : i32 to vector<1024x160xi32>
    %select_n3A_108 = arith.select %eq3A_105, %iota3A, %broadcast_in_dim3A_107 : vector<1024x160xi1>, vector<1024x160xi32>
    %reduce_min3A_109 = arith.constant dense<2147483647> : vector<1024xi32>
    %reduce_min3A_110 = vector.multi_reduction <minsi>, %select_n3A_108, %reduce_min3A_109 [1] : vector<1024x160xi32> to vector<1024xi32>
    %broadcast_in_dim3A_111 = vector.shape_cast %reduce_min3A_110 : vector<1024xi32> to vector<1024x1xi32>
    %eq3A_112 = vector.broadcast %broadcast_in_dim3A_111 : vector<1024x1xi32> to vector<1024x160xi32>
    %eq3A_113 = arith.cmpi eq, %iota3A, %eq3A_112 : vector<1024x160xi32>
    %jit3A_114 = arith.constant 0 : i32
    %broadcast_in_dim3A_115 = vector.broadcast %jit3A_114 : i32 to vector<1024x160xi32>
    %select_n3A_116 = arith.select %eq3A_113, %get3A_7, %broadcast_in_dim3A_115 : vector<1024x160xi1>, vector<1024x160xi32>
    %reduce_sum3A_117 = arith.constant dense<0> : vector<1024xi32>
    %reduce_sum3A_118 = vector.multi_reduction <add>, %select_n3A_116, %reduce_sum3A_117 [1] : vector<1024x160xi32> to vector<1024xi32>
    %broadcast_in_dim3A_119 = vector.shape_cast %reduce_sum3A_118 : vector<1024xi32> to vector<1024x1xi32>
    %jit3A_120 = arith.constant 0.000000e+00 : f32
    %broadcast_in_dim3A_121 = vector.broadcast %jit3A_120 : f32 to vector<1024x160xf32>
    %select_n3A_122 = arith.select %eq3A_113, %get3A_4, %broadcast_in_dim3A_121 : vector<1024x160xi1>, vector<1024x160xf32>
    %reduce_sum3A_123 = arith.constant dense<0.000000e+00> : vector<1024xf32>
    %reduce_sum3A_124 = vector.multi_reduction <add>, %select_n3A_122, %reduce_sum3A_123 [1] : vector<1024x160xf32> to vector<1024xf32>
    %broadcast_in_dim3A_125 = vector.shape_cast %reduce_sum3A_124 : vector<1024xf32> to vector<1024x1xf32>
    %eq3A_126 = arith.constant 2 : i32
    %eq3A_127 = vector.broadcast %eq3A_126 : i32 to vector<1024x16xi32>
    %eq3A_128 = arith.cmpi eq, %iota3A_8, %eq3A_127 : vector<1024x16xi32>
    %broadcast_in_dim3A_129 = vector.shape_cast %broadcast_in_dim3A_103 : vector<1024x1xf32> to vector<1024x1xf32>
    %broadcast_in_dim3A_130 = vector.broadcast %broadcast_in_dim3A_129 : vector<1024x1xf32> to vector<1024x16xf32>
    %select_n3A_131 = arith.select %eq3A_128, %broadcast_in_dim3A_130, %select_n3A_85 : vector<1024x16xi1>, vector<1024x16xf32>
    %eq3A_132 = arith.constant 2 : i32
    %eq3A_133 = vector.broadcast %eq3A_132 : i32 to vector<1024x16xi32>
    %eq3A_134 = arith.cmpi eq, %iota3A_8, %eq3A_133 : vector<1024x16xi32>
    %broadcast_in_dim3A_135 = vector.shape_cast %broadcast_in_dim3A_119 : vector<1024x1xi32> to vector<1024x1xi32>
    %broadcast_in_dim3A_136 = vector.broadcast %broadcast_in_dim3A_135 : vector<1024x1xi32> to vector<1024x16xi32>
    %select_n3A_137 = arith.select %eq3A_134, %broadcast_in_dim3A_136, %select_n3A_91 : vector<1024x16xi1>, vector<1024x16xi32>
    %eq3A_138 = arith.constant 2 : i32
    %eq3A_139 = vector.broadcast %eq3A_138 : i32 to vector<1024x16xi32>
    %eq3A_140 = arith.cmpi eq, %iota3A_8, %eq3A_139 : vector<1024x16xi32>
    %broadcast_in_dim3A_141 = vector.shape_cast %broadcast_in_dim3A_125 : vector<1024x1xf32> to vector<1024x1xf32>
    %broadcast_in_dim3A_142 = vector.broadcast %broadcast_in_dim3A_141 : vector<1024x1xf32> to vector<1024x16xf32>
    %select_n3A_143 = arith.select %eq3A_140, %broadcast_in_dim3A_142, %select_n3A_97 : vector<1024x16xi1>, vector<1024x16xf32>
    %jit3A_144 = arith.constant 3.000000e+38 : f32
    %broadcast_in_dim3A_145 = vector.broadcast %jit3A_144 : f32 to vector<1024x160xf32>
    %select_n3A_146 = arith.select %eq3A_113, %broadcast_in_dim3A_145, %select_n3A_100 : vector<1024x160xi1>, vector<1024x160xf32>
    %reduce_min3A_147 = arith.constant dense<0x7F800000> : vector<1024xf32>
    %reduce_min3A_148 = vector.multi_reduction <minimumf>, %select_n3A_146, %reduce_min3A_147 [1] : vector<1024x160xf32> to vector<1024xf32>
    %broadcast_in_dim3A_149 = vector.shape_cast %reduce_min3A_148 : vector<1024xf32> to vector<1024x1xf32>
    %eq3A_150 = vector.broadcast %broadcast_in_dim3A_149 : vector<1024x1xf32> to vector<1024x160xf32>
    %eq3A_151 = arith.cmpf oeq, %select_n3A_146, %eq3A_150 : vector<1024x160xf32>
    %jit3A_152 = arith.constant 160 : i32
    %broadcast_in_dim3A_153 = vector.broadcast %jit3A_152 : i32 to vector<1024x160xi32>
    %select_n3A_154 = arith.select %eq3A_151, %iota3A, %broadcast_in_dim3A_153 : vector<1024x160xi1>, vector<1024x160xi32>
    %reduce_min3A_155 = arith.constant dense<2147483647> : vector<1024xi32>
    %reduce_min3A_156 = vector.multi_reduction <minsi>, %select_n3A_154, %reduce_min3A_155 [1] : vector<1024x160xi32> to vector<1024xi32>
    %broadcast_in_dim3A_157 = vector.shape_cast %reduce_min3A_156 : vector<1024xi32> to vector<1024x1xi32>
    %eq3A_158 = vector.broadcast %broadcast_in_dim3A_157 : vector<1024x1xi32> to vector<1024x160xi32>
    %eq3A_159 = arith.cmpi eq, %iota3A, %eq3A_158 : vector<1024x160xi32>
    %jit3A_160 = arith.constant 0 : i32
    %broadcast_in_dim3A_161 = vector.broadcast %jit3A_160 : i32 to vector<1024x160xi32>
    %select_n3A_162 = arith.select %eq3A_159, %get3A_7, %broadcast_in_dim3A_161 : vector<1024x160xi1>, vector<1024x160xi32>
    %reduce_sum3A_163 = arith.constant dense<0> : vector<1024xi32>
    %reduce_sum3A_164 = vector.multi_reduction <add>, %select_n3A_162, %reduce_sum3A_163 [1] : vector<1024x160xi32> to vector<1024xi32>
    %broadcast_in_dim3A_165 = vector.shape_cast %reduce_sum3A_164 : vector<1024xi32> to vector<1024x1xi32>
    %jit3A_166 = arith.constant 0.000000e+00 : f32
    %broadcast_in_dim3A_167 = vector.broadcast %jit3A_166 : f32 to vector<1024x160xf32>
    %select_n3A_168 = arith.select %eq3A_159, %get3A_4, %broadcast_in_dim3A_167 : vector<1024x160xi1>, vector<1024x160xf32>
    %reduce_sum3A_169 = arith.constant dense<0.000000e+00> : vector<1024xf32>
    %reduce_sum3A_170 = vector.multi_reduction <add>, %select_n3A_168, %reduce_sum3A_169 [1] : vector<1024x160xf32> to vector<1024xf32>
    %broadcast_in_dim3A_171 = vector.shape_cast %reduce_sum3A_170 : vector<1024xf32> to vector<1024x1xf32>
    %eq3A_172 = arith.constant 3 : i32
    %eq3A_173 = vector.broadcast %eq3A_172 : i32 to vector<1024x16xi32>
    %eq3A_174 = arith.cmpi eq, %iota3A_8, %eq3A_173 : vector<1024x16xi32>
    %broadcast_in_dim3A_175 = vector.shape_cast %broadcast_in_dim3A_149 : vector<1024x1xf32> to vector<1024x1xf32>
    %broadcast_in_dim3A_176 = vector.broadcast %broadcast_in_dim3A_175 : vector<1024x1xf32> to vector<1024x16xf32>
    %select_n3A_177 = arith.select %eq3A_174, %broadcast_in_dim3A_176, %select_n3A_131 : vector<1024x16xi1>, vector<1024x16xf32>
    %eq3A_178 = arith.constant 3 : i32
    %eq3A_179 = vector.broadcast %eq3A_178 : i32 to vector<1024x16xi32>
    %eq3A_180 = arith.cmpi eq, %iota3A_8, %eq3A_179 : vector<1024x16xi32>
    %broadcast_in_dim3A_181 = vector.shape_cast %broadcast_in_dim3A_165 : vector<1024x1xi32> to vector<1024x1xi32>
    %broadcast_in_dim3A_182 = vector.broadcast %broadcast_in_dim3A_181 : vector<1024x1xi32> to vector<1024x16xi32>
    %select_n3A_183 = arith.select %eq3A_180, %broadcast_in_dim3A_182, %select_n3A_137 : vector<1024x16xi1>, vector<1024x16xi32>
    %eq3A_184 = arith.constant 3 : i32
    %eq3A_185 = vector.broadcast %eq3A_184 : i32 to vector<1024x16xi32>
    %eq3A_186 = arith.cmpi eq, %iota3A_8, %eq3A_185 : vector<1024x16xi32>
    %broadcast_in_dim3A_187 = vector.shape_cast %broadcast_in_dim3A_171 : vector<1024x1xf32> to vector<1024x1xf32>
    %broadcast_in_dim3A_188 = vector.broadcast %broadcast_in_dim3A_187 : vector<1024x1xf32> to vector<1024x16xf32>
    %select_n3A_189 = arith.select %eq3A_186, %broadcast_in_dim3A_188, %select_n3A_143 : vector<1024x16xi1>, vector<1024x16xf32>
    %jit3A_190 = arith.constant 3.000000e+38 : f32
    %broadcast_in_dim3A_191 = vector.broadcast %jit3A_190 : f32 to vector<1024x160xf32>
    %select_n3A_192 = arith.select %eq3A_159, %broadcast_in_dim3A_191, %select_n3A_146 : vector<1024x160xi1>, vector<1024x160xf32>
    %reduce_min3A_193 = arith.constant dense<0x7F800000> : vector<1024xf32>
    %reduce_min3A_194 = vector.multi_reduction <minimumf>, %select_n3A_192, %reduce_min3A_193 [1] : vector<1024x160xf32> to vector<1024xf32>
    %broadcast_in_dim3A_195 = vector.shape_cast %reduce_min3A_194 : vector<1024xf32> to vector<1024x1xf32>
    %eq3A_196 = vector.broadcast %broadcast_in_dim3A_195 : vector<1024x1xf32> to vector<1024x160xf32>
    %eq3A_197 = arith.cmpf oeq, %select_n3A_192, %eq3A_196 : vector<1024x160xf32>
    %jit3A_198 = arith.constant 160 : i32
    %broadcast_in_dim3A_199 = vector.broadcast %jit3A_198 : i32 to vector<1024x160xi32>
    %select_n3A_200 = arith.select %eq3A_197, %iota3A, %broadcast_in_dim3A_199 : vector<1024x160xi1>, vector<1024x160xi32>
    %reduce_min3A_201 = arith.constant dense<2147483647> : vector<1024xi32>
    %reduce_min3A_202 = vector.multi_reduction <minsi>, %select_n3A_200, %reduce_min3A_201 [1] : vector<1024x160xi32> to vector<1024xi32>
    %broadcast_in_dim3A_203 = vector.shape_cast %reduce_min3A_202 : vector<1024xi32> to vector<1024x1xi32>
    %eq3A_204 = vector.broadcast %broadcast_in_dim3A_203 : vector<1024x1xi32> to vector<1024x160xi32>
    %eq3A_205 = arith.cmpi eq, %iota3A, %eq3A_204 : vector<1024x160xi32>
    %jit3A_206 = arith.constant 0 : i32
    %broadcast_in_dim3A_207 = vector.broadcast %jit3A_206 : i32 to vector<1024x160xi32>
    %select_n3A_208 = arith.select %eq3A_205, %get3A_7, %broadcast_in_dim3A_207 : vector<1024x160xi1>, vector<1024x160xi32>
    %reduce_sum3A_209 = arith.constant dense<0> : vector<1024xi32>
    %reduce_sum3A_210 = vector.multi_reduction <add>, %select_n3A_208, %reduce_sum3A_209 [1] : vector<1024x160xi32> to vector<1024xi32>
    %broadcast_in_dim3A_211 = vector.shape_cast %reduce_sum3A_210 : vector<1024xi32> to vector<1024x1xi32>
    %jit3A_212 = arith.constant 0.000000e+00 : f32
    %broadcast_in_dim3A_213 = vector.broadcast %jit3A_212 : f32 to vector<1024x160xf32>
    %select_n3A_214 = arith.select %eq3A_205, %get3A_4, %broadcast_in_dim3A_213 : vector<1024x160xi1>, vector<1024x160xf32>
    %reduce_sum3A_215 = arith.constant dense<0.000000e+00> : vector<1024xf32>
    %reduce_sum3A_216 = vector.multi_reduction <add>, %select_n3A_214, %reduce_sum3A_215 [1] : vector<1024x160xf32> to vector<1024xf32>
    %broadcast_in_dim3A_217 = vector.shape_cast %reduce_sum3A_216 : vector<1024xf32> to vector<1024x1xf32>
    %eq3A_218 = arith.constant 4 : i32
    %eq3A_219 = vector.broadcast %eq3A_218 : i32 to vector<1024x16xi32>
    %eq3A_220 = arith.cmpi eq, %iota3A_8, %eq3A_219 : vector<1024x16xi32>
    %broadcast_in_dim3A_221 = vector.shape_cast %broadcast_in_dim3A_195 : vector<1024x1xf32> to vector<1024x1xf32>
    %broadcast_in_dim3A_222 = vector.broadcast %broadcast_in_dim3A_221 : vector<1024x1xf32> to vector<1024x16xf32>
    %select_n3A_223 = arith.select %eq3A_220, %broadcast_in_dim3A_222, %select_n3A_177 : vector<1024x16xi1>, vector<1024x16xf32>
    %eq3A_224 = arith.constant 4 : i32
    %eq3A_225 = vector.broadcast %eq3A_224 : i32 to vector<1024x16xi32>
    %eq3A_226 = arith.cmpi eq, %iota3A_8, %eq3A_225 : vector<1024x16xi32>
    %broadcast_in_dim3A_227 = vector.shape_cast %broadcast_in_dim3A_211 : vector<1024x1xi32> to vector<1024x1xi32>
    %broadcast_in_dim3A_228 = vector.broadcast %broadcast_in_dim3A_227 : vector<1024x1xi32> to vector<1024x16xi32>
    %select_n3A_229 = arith.select %eq3A_226, %broadcast_in_dim3A_228, %select_n3A_183 : vector<1024x16xi1>, vector<1024x16xi32>
    %eq3A_230 = arith.constant 4 : i32
    %eq3A_231 = vector.broadcast %eq3A_230 : i32 to vector<1024x16xi32>
    %eq3A_232 = arith.cmpi eq, %iota3A_8, %eq3A_231 : vector<1024x16xi32>
    %broadcast_in_dim3A_233 = vector.shape_cast %broadcast_in_dim3A_217 : vector<1024x1xf32> to vector<1024x1xf32>
    %broadcast_in_dim3A_234 = vector.broadcast %broadcast_in_dim3A_233 : vector<1024x1xf32> to vector<1024x16xf32>
    %select_n3A_235 = arith.select %eq3A_232, %broadcast_in_dim3A_234, %select_n3A_189 : vector<1024x16xi1>, vector<1024x16xf32>
    %jit3A_236 = arith.constant 3.000000e+38 : f32
    %broadcast_in_dim3A_237 = vector.broadcast %jit3A_236 : f32 to vector<1024x160xf32>
    %select_n3A_238 = arith.select %eq3A_205, %broadcast_in_dim3A_237, %select_n3A_192 : vector<1024x160xi1>, vector<1024x160xf32>
    %reduce_min3A_239 = arith.constant dense<0x7F800000> : vector<1024xf32>
    %reduce_min3A_240 = vector.multi_reduction <minimumf>, %select_n3A_238, %reduce_min3A_239 [1] : vector<1024x160xf32> to vector<1024xf32>
    %broadcast_in_dim3A_241 = vector.shape_cast %reduce_min3A_240 : vector<1024xf32> to vector<1024x1xf32>
    %eq3A_242 = vector.broadcast %broadcast_in_dim3A_241 : vector<1024x1xf32> to vector<1024x160xf32>
    %eq3A_243 = arith.cmpf oeq, %select_n3A_238, %eq3A_242 : vector<1024x160xf32>
    %jit3A_244 = arith.constant 160 : i32
    %broadcast_in_dim3A_245 = vector.broadcast %jit3A_244 : i32 to vector<1024x160xi32>
    %select_n3A_246 = arith.select %eq3A_243, %iota3A, %broadcast_in_dim3A_245 : vector<1024x160xi1>, vector<1024x160xi32>
    %reduce_min3A_247 = arith.constant dense<2147483647> : vector<1024xi32>
    %reduce_min3A_248 = vector.multi_reduction <minsi>, %select_n3A_246, %reduce_min3A_247 [1] : vector<1024x160xi32> to vector<1024xi32>
    %broadcast_in_dim3A_249 = vector.shape_cast %reduce_min3A_248 : vector<1024xi32> to vector<1024x1xi32>
    %eq3A_250 = vector.broadcast %broadcast_in_dim3A_249 : vector<1024x1xi32> to vector<1024x160xi32>
    %eq3A_251 = arith.cmpi eq, %iota3A, %eq3A_250 : vector<1024x160xi32>
    %jit3A_252 = arith.constant 0 : i32
    %broadcast_in_dim3A_253 = vector.broadcast %jit3A_252 : i32 to vector<1024x160xi32>
    %select_n3A_254 = arith.select %eq3A_251, %get3A_7, %broadcast_in_dim3A_253 : vector<1024x160xi1>, vector<1024x160xi32>
    %reduce_sum3A_255 = arith.constant dense<0> : vector<1024xi32>
    %reduce_sum3A_256 = vector.multi_reduction <add>, %select_n3A_254, %reduce_sum3A_255 [1] : vector<1024x160xi32> to vector<1024xi32>
    %broadcast_in_dim3A_257 = vector.shape_cast %reduce_sum3A_256 : vector<1024xi32> to vector<1024x1xi32>
    %jit3A_258 = arith.constant 0.000000e+00 : f32
    %broadcast_in_dim3A_259 = vector.broadcast %jit3A_258 : f32 to vector<1024x160xf32>
    %select_n3A_260 = arith.select %eq3A_251, %get3A_4, %broadcast_in_dim3A_259 : vector<1024x160xi1>, vector<1024x160xf32>
    %reduce_sum3A_261 = arith.constant dense<0.000000e+00> : vector<1024xf32>
    %reduce_sum3A_262 = vector.multi_reduction <add>, %select_n3A_260, %reduce_sum3A_261 [1] : vector<1024x160xf32> to vector<1024xf32>
    %broadcast_in_dim3A_263 = vector.shape_cast %reduce_sum3A_262 : vector<1024xf32> to vector<1024x1xf32>
    %eq3A_264 = arith.constant 5 : i32
    %eq3A_265 = vector.broadcast %eq3A_264 : i32 to vector<1024x16xi32>
    %eq3A_266 = arith.cmpi eq, %iota3A_8, %eq3A_265 : vector<1024x16xi32>
    %broadcast_in_dim3A_267 = vector.shape_cast %broadcast_in_dim3A_241 : vector<1024x1xf32> to vector<1024x1xf32>
    %broadcast_in_dim3A_268 = vector.broadcast %broadcast_in_dim3A_267 : vector<1024x1xf32> to vector<1024x16xf32>
    %select_n3A_269 = arith.select %eq3A_266, %broadcast_in_dim3A_268, %select_n3A_223 : vector<1024x16xi1>, vector<1024x16xf32>
    %eq3A_270 = arith.constant 5 : i32
    %eq3A_271 = vector.broadcast %eq3A_270 : i32 to vector<1024x16xi32>
    %eq3A_272 = arith.cmpi eq, %iota3A_8, %eq3A_271 : vector<1024x16xi32>
    %broadcast_in_dim3A_273 = vector.shape_cast %broadcast_in_dim3A_257 : vector<1024x1xi32> to vector<1024x1xi32>
    %broadcast_in_dim3A_274 = vector.broadcast %broadcast_in_dim3A_273 : vector<1024x1xi32> to vector<1024x16xi32>
    %select_n3A_275 = arith.select %eq3A_272, %broadcast_in_dim3A_274, %select_n3A_229 : vector<1024x16xi1>, vector<1024x16xi32>
    %eq3A_276 = arith.constant 5 : i32
    %eq3A_277 = vector.broadcast %eq3A_276 : i32 to vector<1024x16xi32>
    %eq3A_278 = arith.cmpi eq, %iota3A_8, %eq3A_277 : vector<1024x16xi32>
    %broadcast_in_dim3A_279 = vector.shape_cast %broadcast_in_dim3A_263 : vector<1024x1xf32> to vector<1024x1xf32>
    %broadcast_in_dim3A_280 = vector.broadcast %broadcast_in_dim3A_279 : vector<1024x1xf32> to vector<1024x16xf32>
    %select_n3A_281 = arith.select %eq3A_278, %broadcast_in_dim3A_280, %select_n3A_235 : vector<1024x16xi1>, vector<1024x16xf32>
    %jit3A_282 = arith.constant 3.000000e+38 : f32
    %broadcast_in_dim3A_283 = vector.broadcast %jit3A_282 : f32 to vector<1024x160xf32>
    %select_n3A_284 = arith.select %eq3A_251, %broadcast_in_dim3A_283, %select_n3A_238 : vector<1024x160xi1>, vector<1024x160xf32>
    %reduce_min3A_285 = arith.constant dense<0x7F800000> : vector<1024xf32>
    %reduce_min3A_286 = vector.multi_reduction <minimumf>, %select_n3A_284, %reduce_min3A_285 [1] : vector<1024x160xf32> to vector<1024xf32>
    %broadcast_in_dim3A_287 = vector.shape_cast %reduce_min3A_286 : vector<1024xf32> to vector<1024x1xf32>
    %eq3A_288 = vector.broadcast %broadcast_in_dim3A_287 : vector<1024x1xf32> to vector<1024x160xf32>
    %eq3A_289 = arith.cmpf oeq, %select_n3A_284, %eq3A_288 : vector<1024x160xf32>
    %jit3A_290 = arith.constant 160 : i32
    %broadcast_in_dim3A_291 = vector.broadcast %jit3A_290 : i32 to vector<1024x160xi32>
    %select_n3A_292 = arith.select %eq3A_289, %iota3A, %broadcast_in_dim3A_291 : vector<1024x160xi1>, vector<1024x160xi32>
    %reduce_min3A_293 = arith.constant dense<2147483647> : vector<1024xi32>
    %reduce_min3A_294 = vector.multi_reduction <minsi>, %select_n3A_292, %reduce_min3A_293 [1] : vector<1024x160xi32> to vector<1024xi32>
    %broadcast_in_dim3A_295 = vector.shape_cast %reduce_min3A_294 : vector<1024xi32> to vector<1024x1xi32>
    %eq3A_296 = vector.broadcast %broadcast_in_dim3A_295 : vector<1024x1xi32> to vector<1024x160xi32>
    %eq3A_297 = arith.cmpi eq, %iota3A, %eq3A_296 : vector<1024x160xi32>
    %jit3A_298 = arith.constant 0 : i32
    %broadcast_in_dim3A_299 = vector.broadcast %jit3A_298 : i32 to vector<1024x160xi32>
    %select_n3A_300 = arith.select %eq3A_297, %get3A_7, %broadcast_in_dim3A_299 : vector<1024x160xi1>, vector<1024x160xi32>
    %reduce_sum3A_301 = arith.constant dense<0> : vector<1024xi32>
    %reduce_sum3A_302 = vector.multi_reduction <add>, %select_n3A_300, %reduce_sum3A_301 [1] : vector<1024x160xi32> to vector<1024xi32>
    %broadcast_in_dim3A_303 = vector.shape_cast %reduce_sum3A_302 : vector<1024xi32> to vector<1024x1xi32>
    %jit3A_304 = arith.constant 0.000000e+00 : f32
    %broadcast_in_dim3A_305 = vector.broadcast %jit3A_304 : f32 to vector<1024x160xf32>
    %select_n3A_306 = arith.select %eq3A_297, %get3A_4, %broadcast_in_dim3A_305 : vector<1024x160xi1>, vector<1024x160xf32>
    %reduce_sum3A_307 = arith.constant dense<0.000000e+00> : vector<1024xf32>
    %reduce_sum3A_308 = vector.multi_reduction <add>, %select_n3A_306, %reduce_sum3A_307 [1] : vector<1024x160xf32> to vector<1024xf32>
    %broadcast_in_dim3A_309 = vector.shape_cast %reduce_sum3A_308 : vector<1024xf32> to vector<1024x1xf32>
    %eq3A_310 = arith.constant 6 : i32
    %eq3A_311 = vector.broadcast %eq3A_310 : i32 to vector<1024x16xi32>
    %eq3A_312 = arith.cmpi eq, %iota3A_8, %eq3A_311 : vector<1024x16xi32>
    %broadcast_in_dim3A_313 = vector.shape_cast %broadcast_in_dim3A_287 : vector<1024x1xf32> to vector<1024x1xf32>
    %broadcast_in_dim3A_314 = vector.broadcast %broadcast_in_dim3A_313 : vector<1024x1xf32> to vector<1024x16xf32>
    %select_n3A_315 = arith.select %eq3A_312, %broadcast_in_dim3A_314, %select_n3A_269 : vector<1024x16xi1>, vector<1024x16xf32>
    %eq3A_316 = arith.constant 6 : i32
    %eq3A_317 = vector.broadcast %eq3A_316 : i32 to vector<1024x16xi32>
    %eq3A_318 = arith.cmpi eq, %iota3A_8, %eq3A_317 : vector<1024x16xi32>
    %broadcast_in_dim3A_319 = vector.shape_cast %broadcast_in_dim3A_303 : vector<1024x1xi32> to vector<1024x1xi32>
    %broadcast_in_dim3A_320 = vector.broadcast %broadcast_in_dim3A_319 : vector<1024x1xi32> to vector<1024x16xi32>
    %select_n3A_321 = arith.select %eq3A_318, %broadcast_in_dim3A_320, %select_n3A_275 : vector<1024x16xi1>, vector<1024x16xi32>
    %eq3A_322 = arith.constant 6 : i32
    %eq3A_323 = vector.broadcast %eq3A_322 : i32 to vector<1024x16xi32>
    %eq3A_324 = arith.cmpi eq, %iota3A_8, %eq3A_323 : vector<1024x16xi32>
    %broadcast_in_dim3A_325 = vector.shape_cast %broadcast_in_dim3A_309 : vector<1024x1xf32> to vector<1024x1xf32>
    %broadcast_in_dim3A_326 = vector.broadcast %broadcast_in_dim3A_325 : vector<1024x1xf32> to vector<1024x16xf32>
    %select_n3A_327 = arith.select %eq3A_324, %broadcast_in_dim3A_326, %select_n3A_281 : vector<1024x16xi1>, vector<1024x16xf32>
    %jit3A_328 = arith.constant 3.000000e+38 : f32
    %broadcast_in_dim3A_329 = vector.broadcast %jit3A_328 : f32 to vector<1024x160xf32>
    %select_n3A_330 = arith.select %eq3A_297, %broadcast_in_dim3A_329, %select_n3A_284 : vector<1024x160xi1>, vector<1024x160xf32>
    %reduce_min3A_331 = arith.constant dense<0x7F800000> : vector<1024xf32>
    %reduce_min3A_332 = vector.multi_reduction <minimumf>, %select_n3A_330, %reduce_min3A_331 [1] : vector<1024x160xf32> to vector<1024xf32>
    %broadcast_in_dim3A_333 = vector.shape_cast %reduce_min3A_332 : vector<1024xf32> to vector<1024x1xf32>
    %eq3A_334 = vector.broadcast %broadcast_in_dim3A_333 : vector<1024x1xf32> to vector<1024x160xf32>
    %eq3A_335 = arith.cmpf oeq, %select_n3A_330, %eq3A_334 : vector<1024x160xf32>
    %jit3A_336 = arith.constant 160 : i32
    %broadcast_in_dim3A_337 = vector.broadcast %jit3A_336 : i32 to vector<1024x160xi32>
    %select_n3A_338 = arith.select %eq3A_335, %iota3A, %broadcast_in_dim3A_337 : vector<1024x160xi1>, vector<1024x160xi32>
    %reduce_min3A_339 = arith.constant dense<2147483647> : vector<1024xi32>
    %reduce_min3A_340 = vector.multi_reduction <minsi>, %select_n3A_338, %reduce_min3A_339 [1] : vector<1024x160xi32> to vector<1024xi32>
    %broadcast_in_dim3A_341 = vector.shape_cast %reduce_min3A_340 : vector<1024xi32> to vector<1024x1xi32>
    %eq3A_342 = vector.broadcast %broadcast_in_dim3A_341 : vector<1024x1xi32> to vector<1024x160xi32>
    %eq3A_343 = arith.cmpi eq, %iota3A, %eq3A_342 : vector<1024x160xi32>
    %jit3A_344 = arith.constant 0 : i32
    %broadcast_in_dim3A_345 = vector.broadcast %jit3A_344 : i32 to vector<1024x160xi32>
    %select_n3A_346 = arith.select %eq3A_343, %get3A_7, %broadcast_in_dim3A_345 : vector<1024x160xi1>, vector<1024x160xi32>
    %reduce_sum3A_347 = arith.constant dense<0> : vector<1024xi32>
    %reduce_sum3A_348 = vector.multi_reduction <add>, %select_n3A_346, %reduce_sum3A_347 [1] : vector<1024x160xi32> to vector<1024xi32>
    %broadcast_in_dim3A_349 = vector.shape_cast %reduce_sum3A_348 : vector<1024xi32> to vector<1024x1xi32>
    %jit3A_350 = arith.constant 0.000000e+00 : f32
    %broadcast_in_dim3A_351 = vector.broadcast %jit3A_350 : f32 to vector<1024x160xf32>
    %select_n3A_352 = arith.select %eq3A_343, %get3A_4, %broadcast_in_dim3A_351 : vector<1024x160xi1>, vector<1024x160xf32>
    %reduce_sum3A_353 = arith.constant dense<0.000000e+00> : vector<1024xf32>
    %reduce_sum3A_354 = vector.multi_reduction <add>, %select_n3A_352, %reduce_sum3A_353 [1] : vector<1024x160xf32> to vector<1024xf32>
    %broadcast_in_dim3A_355 = vector.shape_cast %reduce_sum3A_354 : vector<1024xf32> to vector<1024x1xf32>
    %eq3A_356 = arith.constant 7 : i32
    %eq3A_357 = vector.broadcast %eq3A_356 : i32 to vector<1024x16xi32>
    %eq3A_358 = arith.cmpi eq, %iota3A_8, %eq3A_357 : vector<1024x16xi32>
    %broadcast_in_dim3A_359 = vector.shape_cast %broadcast_in_dim3A_333 : vector<1024x1xf32> to vector<1024x1xf32>
    %broadcast_in_dim3A_360 = vector.broadcast %broadcast_in_dim3A_359 : vector<1024x1xf32> to vector<1024x16xf32>
    %select_n3A_361 = arith.select %eq3A_358, %broadcast_in_dim3A_360, %select_n3A_315 : vector<1024x16xi1>, vector<1024x16xf32>
    %eq3A_362 = arith.constant 7 : i32
    %eq3A_363 = vector.broadcast %eq3A_362 : i32 to vector<1024x16xi32>
    %eq3A_364 = arith.cmpi eq, %iota3A_8, %eq3A_363 : vector<1024x16xi32>
    %broadcast_in_dim3A_365 = vector.shape_cast %broadcast_in_dim3A_349 : vector<1024x1xi32> to vector<1024x1xi32>
    %broadcast_in_dim3A_366 = vector.broadcast %broadcast_in_dim3A_365 : vector<1024x1xi32> to vector<1024x16xi32>
    %select_n3A_367 = arith.select %eq3A_364, %broadcast_in_dim3A_366, %select_n3A_321 : vector<1024x16xi1>, vector<1024x16xi32>
    %eq3A_368 = arith.constant 7 : i32
    %eq3A_369 = vector.broadcast %eq3A_368 : i32 to vector<1024x16xi32>
    %eq3A_370 = arith.cmpi eq, %iota3A_8, %eq3A_369 : vector<1024x16xi32>
    %broadcast_in_dim3A_371 = vector.shape_cast %broadcast_in_dim3A_355 : vector<1024x1xf32> to vector<1024x1xf32>
    %broadcast_in_dim3A_372 = vector.broadcast %broadcast_in_dim3A_371 : vector<1024x1xf32> to vector<1024x16xf32>
    %select_n3A_373 = arith.select %eq3A_370, %broadcast_in_dim3A_372, %select_n3A_327 : vector<1024x16xi1>, vector<1024x16xf32>
    %jit3A_374 = arith.constant 3.000000e+38 : f32
    %broadcast_in_dim3A_375 = vector.broadcast %jit3A_374 : f32 to vector<1024x160xf32>
    %select_n3A_376 = arith.select %eq3A_343, %broadcast_in_dim3A_375, %select_n3A_330 : vector<1024x160xi1>, vector<1024x160xf32>
    %reduce_min3A_377 = arith.constant dense<0x7F800000> : vector<1024xf32>
    %reduce_min3A_378 = vector.multi_reduction <minimumf>, %select_n3A_376, %reduce_min3A_377 [1] : vector<1024x160xf32> to vector<1024xf32>
    %broadcast_in_dim3A_379 = vector.shape_cast %reduce_min3A_378 : vector<1024xf32> to vector<1024x1xf32>
    %eq3A_380 = vector.broadcast %broadcast_in_dim3A_379 : vector<1024x1xf32> to vector<1024x160xf32>
    %eq3A_381 = arith.cmpf oeq, %select_n3A_376, %eq3A_380 : vector<1024x160xf32>
    %jit3A_382 = arith.constant 160 : i32
    %broadcast_in_dim3A_383 = vector.broadcast %jit3A_382 : i32 to vector<1024x160xi32>
    %select_n3A_384 = arith.select %eq3A_381, %iota3A, %broadcast_in_dim3A_383 : vector<1024x160xi1>, vector<1024x160xi32>
    %reduce_min3A_385 = arith.constant dense<2147483647> : vector<1024xi32>
    %reduce_min3A_386 = vector.multi_reduction <minsi>, %select_n3A_384, %reduce_min3A_385 [1] : vector<1024x160xi32> to vector<1024xi32>
    %broadcast_in_dim3A_387 = vector.shape_cast %reduce_min3A_386 : vector<1024xi32> to vector<1024x1xi32>
    %eq3A_388 = vector.broadcast %broadcast_in_dim3A_387 : vector<1024x1xi32> to vector<1024x160xi32>
    %eq3A_389 = arith.cmpi eq, %iota3A, %eq3A_388 : vector<1024x160xi32>
    %jit3A_390 = arith.constant 0 : i32
    %broadcast_in_dim3A_391 = vector.broadcast %jit3A_390 : i32 to vector<1024x160xi32>
    %select_n3A_392 = arith.select %eq3A_389, %get3A_7, %broadcast_in_dim3A_391 : vector<1024x160xi1>, vector<1024x160xi32>
    %reduce_sum3A_393 = arith.constant dense<0> : vector<1024xi32>
    %reduce_sum3A_394 = vector.multi_reduction <add>, %select_n3A_392, %reduce_sum3A_393 [1] : vector<1024x160xi32> to vector<1024xi32>
    %broadcast_in_dim3A_395 = vector.shape_cast %reduce_sum3A_394 : vector<1024xi32> to vector<1024x1xi32>
    %jit3A_396 = arith.constant 0.000000e+00 : f32
    %broadcast_in_dim3A_397 = vector.broadcast %jit3A_396 : f32 to vector<1024x160xf32>
    %select_n3A_398 = arith.select %eq3A_389, %get3A_4, %broadcast_in_dim3A_397 : vector<1024x160xi1>, vector<1024x160xf32>
    %reduce_sum3A_399 = arith.constant dense<0.000000e+00> : vector<1024xf32>
    %reduce_sum3A_400 = vector.multi_reduction <add>, %select_n3A_398, %reduce_sum3A_399 [1] : vector<1024x160xf32> to vector<1024xf32>
    %broadcast_in_dim3A_401 = vector.shape_cast %reduce_sum3A_400 : vector<1024xf32> to vector<1024x1xf32>
    %eq3A_402 = arith.constant 8 : i32
    %eq3A_403 = vector.broadcast %eq3A_402 : i32 to vector<1024x16xi32>
    %eq3A_404 = arith.cmpi eq, %iota3A_8, %eq3A_403 : vector<1024x16xi32>
    %broadcast_in_dim3A_405 = vector.shape_cast %broadcast_in_dim3A_379 : vector<1024x1xf32> to vector<1024x1xf32>
    %broadcast_in_dim3A_406 = vector.broadcast %broadcast_in_dim3A_405 : vector<1024x1xf32> to vector<1024x16xf32>
    %select_n3A_407 = arith.select %eq3A_404, %broadcast_in_dim3A_406, %select_n3A_361 : vector<1024x16xi1>, vector<1024x16xf32>
    %eq3A_408 = arith.constant 8 : i32
    %eq3A_409 = vector.broadcast %eq3A_408 : i32 to vector<1024x16xi32>
    %eq3A_410 = arith.cmpi eq, %iota3A_8, %eq3A_409 : vector<1024x16xi32>
    %broadcast_in_dim3A_411 = vector.shape_cast %broadcast_in_dim3A_395 : vector<1024x1xi32> to vector<1024x1xi32>
    %broadcast_in_dim3A_412 = vector.broadcast %broadcast_in_dim3A_411 : vector<1024x1xi32> to vector<1024x16xi32>
    %select_n3A_413 = arith.select %eq3A_410, %broadcast_in_dim3A_412, %select_n3A_367 : vector<1024x16xi1>, vector<1024x16xi32>
    %eq3A_414 = arith.constant 8 : i32
    %eq3A_415 = vector.broadcast %eq3A_414 : i32 to vector<1024x16xi32>
    %eq3A_416 = arith.cmpi eq, %iota3A_8, %eq3A_415 : vector<1024x16xi32>
    %broadcast_in_dim3A_417 = vector.shape_cast %broadcast_in_dim3A_401 : vector<1024x1xf32> to vector<1024x1xf32>
    %broadcast_in_dim3A_418 = vector.broadcast %broadcast_in_dim3A_417 : vector<1024x1xf32> to vector<1024x16xf32>
    %select_n3A_419 = arith.select %eq3A_416, %broadcast_in_dim3A_418, %select_n3A_373 : vector<1024x16xi1>, vector<1024x16xf32>
    %jit3A_420 = arith.constant 3.000000e+38 : f32
    %broadcast_in_dim3A_421 = vector.broadcast %jit3A_420 : f32 to vector<1024x160xf32>
    %select_n3A_422 = arith.select %eq3A_389, %broadcast_in_dim3A_421, %select_n3A_376 : vector<1024x160xi1>, vector<1024x160xf32>
    %reduce_min3A_423 = arith.constant dense<0x7F800000> : vector<1024xf32>
    %reduce_min3A_424 = vector.multi_reduction <minimumf>, %select_n3A_422, %reduce_min3A_423 [1] : vector<1024x160xf32> to vector<1024xf32>
    %broadcast_in_dim3A_425 = vector.shape_cast %reduce_min3A_424 : vector<1024xf32> to vector<1024x1xf32>
    %eq3A_426 = vector.broadcast %broadcast_in_dim3A_425 : vector<1024x1xf32> to vector<1024x160xf32>
    %eq3A_427 = arith.cmpf oeq, %select_n3A_422, %eq3A_426 : vector<1024x160xf32>
    %jit3A_428 = arith.constant 160 : i32
    %broadcast_in_dim3A_429 = vector.broadcast %jit3A_428 : i32 to vector<1024x160xi32>
    %select_n3A_430 = arith.select %eq3A_427, %iota3A, %broadcast_in_dim3A_429 : vector<1024x160xi1>, vector<1024x160xi32>
    %reduce_min3A_431 = arith.constant dense<2147483647> : vector<1024xi32>
    %reduce_min3A_432 = vector.multi_reduction <minsi>, %select_n3A_430, %reduce_min3A_431 [1] : vector<1024x160xi32> to vector<1024xi32>
    %broadcast_in_dim3A_433 = vector.shape_cast %reduce_min3A_432 : vector<1024xi32> to vector<1024x1xi32>
    %eq3A_434 = vector.broadcast %broadcast_in_dim3A_433 : vector<1024x1xi32> to vector<1024x160xi32>
    %eq3A_435 = arith.cmpi eq, %iota3A, %eq3A_434 : vector<1024x160xi32>
    %jit3A_436 = arith.constant 0 : i32
    %broadcast_in_dim3A_437 = vector.broadcast %jit3A_436 : i32 to vector<1024x160xi32>
    %select_n3A_438 = arith.select %eq3A_435, %get3A_7, %broadcast_in_dim3A_437 : vector<1024x160xi1>, vector<1024x160xi32>
    %reduce_sum3A_439 = arith.constant dense<0> : vector<1024xi32>
    %reduce_sum3A_440 = vector.multi_reduction <add>, %select_n3A_438, %reduce_sum3A_439 [1] : vector<1024x160xi32> to vector<1024xi32>
    %broadcast_in_dim3A_441 = vector.shape_cast %reduce_sum3A_440 : vector<1024xi32> to vector<1024x1xi32>
    %jit3A_442 = arith.constant 0.000000e+00 : f32
    %broadcast_in_dim3A_443 = vector.broadcast %jit3A_442 : f32 to vector<1024x160xf32>
    %select_n3A_444 = arith.select %eq3A_435, %get3A_4, %broadcast_in_dim3A_443 : vector<1024x160xi1>, vector<1024x160xf32>
    %reduce_sum3A_445 = arith.constant dense<0.000000e+00> : vector<1024xf32>
    %reduce_sum3A_446 = vector.multi_reduction <add>, %select_n3A_444, %reduce_sum3A_445 [1] : vector<1024x160xf32> to vector<1024xf32>
    %broadcast_in_dim3A_447 = vector.shape_cast %reduce_sum3A_446 : vector<1024xf32> to vector<1024x1xf32>
    %eq3A_448 = arith.constant 9 : i32
    %eq3A_449 = vector.broadcast %eq3A_448 : i32 to vector<1024x16xi32>
    %eq3A_450 = arith.cmpi eq, %iota3A_8, %eq3A_449 : vector<1024x16xi32>
    %broadcast_in_dim3A_451 = vector.shape_cast %broadcast_in_dim3A_425 : vector<1024x1xf32> to vector<1024x1xf32>
    %broadcast_in_dim3A_452 = vector.broadcast %broadcast_in_dim3A_451 : vector<1024x1xf32> to vector<1024x16xf32>
    %select_n3A_453 = arith.select %eq3A_450, %broadcast_in_dim3A_452, %select_n3A_407 : vector<1024x16xi1>, vector<1024x16xf32>
    %eq3A_454 = arith.constant 9 : i32
    %eq3A_455 = vector.broadcast %eq3A_454 : i32 to vector<1024x16xi32>
    %eq3A_456 = arith.cmpi eq, %iota3A_8, %eq3A_455 : vector<1024x16xi32>
    %broadcast_in_dim3A_457 = vector.shape_cast %broadcast_in_dim3A_441 : vector<1024x1xi32> to vector<1024x1xi32>
    %broadcast_in_dim3A_458 = vector.broadcast %broadcast_in_dim3A_457 : vector<1024x1xi32> to vector<1024x16xi32>
    %select_n3A_459 = arith.select %eq3A_456, %broadcast_in_dim3A_458, %select_n3A_413 : vector<1024x16xi1>, vector<1024x16xi32>
    %eq3A_460 = arith.constant 9 : i32
    %eq3A_461 = vector.broadcast %eq3A_460 : i32 to vector<1024x16xi32>
    %eq3A_462 = arith.cmpi eq, %iota3A_8, %eq3A_461 : vector<1024x16xi32>
    %broadcast_in_dim3A_463 = vector.shape_cast %broadcast_in_dim3A_447 : vector<1024x1xf32> to vector<1024x1xf32>
    %broadcast_in_dim3A_464 = vector.broadcast %broadcast_in_dim3A_463 : vector<1024x1xf32> to vector<1024x16xf32>
    %select_n3A_465 = arith.select %eq3A_462, %broadcast_in_dim3A_464, %select_n3A_419 : vector<1024x16xi1>, vector<1024x16xf32>
    %get3A_466 = arith.constant 0 : index
    %get3A_467 = arith.constant 0 : index
    %get3A_468 = vector.load %arg3[%get3A_466, %get3A_467] : memref<1024x128xf32, #tpu.memory_space<vmem>>, vector<1024x128xf32>
    %mul3A = arith.mulf %get3A_468, %get3A_468 : vector<1024x128xf32>
    %reduce_sum3A_469 = arith.constant dense<0.000000e+00> : vector<1024xf32>
    %reduce_sum3A_470 = vector.multi_reduction <add>, %mul3A, %reduce_sum3A_469 [1] : vector<1024x128xf32> to vector<1024xf32>
    %broadcast_in_dim3A_471 = vector.shape_cast %reduce_sum3A_470 : vector<1024xf32> to vector<1024x1xf32>
    %get3A_472 = arith.constant 0 : index
    %get3A_473 = arith.constant 0 : index
    %get3A_474 = vector.load %arg4[%get3A_472, %get3A_473] : memref<1x1xf32, #tpu.memory_space<vmem>>, vector<1x1xf32>
    %get3A_475 = vector.extract %get3A_474[0, 0] : f32 from vector<1x1xf32>
    %add3A = vector.broadcast %broadcast_in_dim3A_471 : vector<1024x1xf32> to vector<1024x16xf32>
    %add3A_476 = arith.addf %select_n3A_453, %add3A : vector<1024x16xf32>
    %sub3A = vector.broadcast %get3A_475 : f32 to vector<1024x16xf32>
    %sub3A_477 = arith.subf %sub3A, %select_n3A_465 : vector<1024x16xf32>
    %div3A = arith.constant 1.000000e+00 : f32
    %div3A_478 = vector.broadcast %div3A : f32 to vector<1024x16xf32>
    %div3A_479 = arith.divf %sub3A_477, %div3A_478 : vector<1024x16xf32>
    %sub3A_480 = arith.subf %add3A_476, %div3A_479 : vector<1024x16xf32>
    %max3A = arith.constant 0.000000e+00 : f32
    %max3A_481 = vector.broadcast %max3A : f32 to vector<1024x16xf32>
    %max3A_482 = arith.maximumf %sub3A_480, %max3A_481 : vector<1024x16xf32>
    %sqrt3A = math.sqrt %max3A_482 : vector<1024x16xf32>
    %mul3A_483 = arith.constant 1.000000e+00 : f32
    %mul3A_484 = vector.broadcast %mul3A_483 : f32 to vector<1024x16xf32>
    %mul3A_485 = arith.mulf %mul3A_484, %sqrt3A : vector<1024x16xf32>
    %sub3A_486 = arith.subf %select_n3A_465, %mul3A_485 : vector<1024x16xf32>
    %ge3A = arith.constant 10 : i32
    %ge3A_487 = vector.broadcast %ge3A : i32 to vector<1024x16xi32>
    %ge3A_488 = arith.cmpi sge, %iota3A_8, %ge3A_487 : vector<1024x16xi32>
    %jit3A_489 = arith.constant -3.000000e+38 : f32
    %broadcast_in_dim3A_490 = vector.broadcast %jit3A_489 : f32 to vector<1024x16xf32>
    %select_n3A_491 = arith.select %ge3A_488, %broadcast_in_dim3A_490, %sub3A_486 : vector<1024x16xi1>, vector<1024x16xf32>
    %reduce_max3A = arith.constant dense<0xFF800000> : vector<1024xf32>
    %reduce_max3A_492 = vector.multi_reduction <maximumf>, %select_n3A_491, %reduce_max3A [1] : vector<1024x16xf32> to vector<1024xf32>
    %broadcast_in_dim3A_493 = vector.shape_cast %reduce_max3A_492 : vector<1024xf32> to vector<1024x1xf32>
    %eq3A_494 = vector.broadcast %broadcast_in_dim3A_493 : vector<1024x1xf32> to vector<1024x16xf32>
    %eq3A_495 = arith.cmpf oeq, %select_n3A_491, %eq3A_494 : vector<1024x16xf32>
    %jit3A_496 = arith.constant 16 : i32
    %broadcast_in_dim3A_497 = vector.broadcast %jit3A_496 : i32 to vector<1024x16xi32>
    %select_n3A_498 = arith.select %eq3A_495, %iota3A_8, %broadcast_in_dim3A_497 : vector<1024x16xi1>, vector<1024x16xi32>
    %reduce_min3A_499 = arith.constant dense<2147483647> : vector<1024xi32>
    %reduce_min3A_500 = vector.multi_reduction <minsi>, %select_n3A_498, %reduce_min3A_499 [1] : vector<1024x16xi32> to vector<1024xi32>
    %broadcast_in_dim3A_501 = vector.shape_cast %reduce_min3A_500 : vector<1024xi32> to vector<1024x1xi32>
    %swap3A = arith.constant 0 : index
    %swap3A_502 = arith.constant 0 : index
    %swap3A_503 = vector.load %arg5[%swap3A, %swap3A_502] : memref<1024x1xf32, #tpu.memory_space<vmem>>, vector<1024x1xf32>
    tpu.vector_store %arg5[%swap3A, %swap3A_502], %broadcast_in_dim3A_493 {strides = array<i32>} : memref<1024x1xf32, #tpu.memory_space<vmem>>, vector<1024x1xf32>,
    %eq3A_504 = vector.broadcast %broadcast_in_dim3A_501 : vector<1024x1xi32> to vector<1024x16xi32>
    %eq3A_505 = arith.cmpi eq, %iota3A_8, %eq3A_504 : vector<1024x16xi32>
    %jit3A_506 = arith.constant 0 : i32
    %broadcast_in_dim3A_507 = vector.broadcast %jit3A_506 : i32 to vector<1024x16xi32>
    %select_n3A_508 = arith.select %eq3A_505, %select_n3A_459, %broadcast_in_dim3A_507 : vector<1024x16xi1>, vector<1024x16xi32>
    %reduce_sum3A_509 = arith.constant dense<0> : vector<1024xi32>
    %reduce_sum3A_510 = vector.multi_reduction <add>, %select_n3A_508, %reduce_sum3A_509 [1] : vector<1024x16xi32> to vector<1024xi32>
    %broadcast_in_dim3A_511 = vector.shape_cast %reduce_sum3A_510 : vector<1024xi32> to vector<1024x1xi32>
    %swap3A_512 = arith.constant 0 : index
    %swap3A_513 = arith.constant 0 : index
    %swap3A_514 = vector.load %arg6[%swap3A_512, %swap3A_513] : memref<1024x1xi32, #tpu.memory_space<vmem>>, vector<1024x1xi32>
    tpu.vector_store %arg6[%swap3A_512, %swap3A_513], %broadcast_in_dim3A_511 {strides = array<i32>} : memref<1024x1xi32, #tpu.memory_space<vmem>>, vector<1024x1xi32>,
    return
  }
}

</mosaic_0001>

<sc_bundles>
// kernel: kernel.6.cloned.1.call-start
scs
__scs_entry_jumppad:
0x0: {  	(pc) =	sbr.rel $0x88, $3  }
0x1: {  	(tag) =	ssettag $0x0;
	lr =	simm.s32 $0x1  }
0x2: {  	[smem:$0x3F9E] =	sst lr;
	_ =	strace $0xD0000000  }
0x3: {  	_ = 	snop  }
0x4: {  	_ = 	snop  }
0x5: {  	_ = 	snop  }
0x6: {  	_ = 	snop  }
0x7: {  	_ = 	snop  }
__scs_overlays_trampoline_lowered:
0x8: {  	[smem:$0x3FAD] =	sst s0  }
0x9: {  	[smem:$0x3FAE] =	sst s1  }
0xa: {  	[smem:$0x3FAF] =	sst s2  }
0xb: {  	[smem:$0x3FB0] =	sst s3  }
0xc: {  	[smem:$0x3FB1] =	sst s4  }
0xd: {  	[smem:$0x3FB2] =	sst s5  }
0xe: {  	[smem:$0x3FB3] =	sst s6  }
0xf: {  	[smem:$0x3FB4] =	sst s7  }
0x10: {  	[smem:$0x3FB5] =	sst s8  }
0x11: {  	[smem:$0x3FB6] =	sst s9;
	s0 =	simm.s32 @!p0 $0x0  }
0x12: {  	s1 =	sld [smem:$0x3F9C];
	s0 =	simm.s32 @p0 $0x1  }
0x13: {  	[smem:$0x3FB7] =	sst s0;
	s0 =	simm.s32 @!p1 $0x0  }
0x14: {  	s2 =	sld [smem:$0x3F9B];
	s0 =	simm.s32 @p1 $0x1  }
0x15: {  	[smem:$0x3FB8] =	sst s0;
	s0 =	simm.s32 @!p2 $0x0  }
0x16: {  	s3 =	sld [smem:$0x3FDB];
	s0 =	simm.s32 @p2 $0x1  }
0x17: {  	s4 =	simm.s32 $0x1BF5;
	[smem:$0x3FBA] =	sst s0  }
0x18: {  	s0 =	sld [smem:$0x3F9D];
	_ =	swait.ge [sflag:s4], $0x0  }
0x19: {  	s7 =	sld [smem:$0x3F9E]  }
0x1a: {  	s8 =	sadd.s32 $0xFFFFE003, lr  }
0x1b: {  	s9 =	sadd.s32 $0xFFFFFEF7, lr;
	s5 =	simm.s32 $0xFFFFFFFF;
	p2 =	slt.u32 s8, $0xFFFFF086  }
0x1c: {  	p1 =	slt.u32 s9, $0xF7A;
	s5 =	simm.s32 @!p2 $0x0  }
0x1d: {  	s5 =	simm.s32 @p1 $0x1;
	p0 =	seq.s32 s7, s2  }
0x1e: {  	s7 =	smul.u32 @!p0 $0xF7A, s2;
	p2 =	seq.s32 @!p0 s5, $0x0  }
0x1f: {  	s9 =	smul.u32 $0xF7A, s1;
	s8 =	simm.s32 @!p0 $0x1BF5;
	p2 =	por !p2, p0  }
0x20: {  	[sflag:s8] =	ssyncset.s32 @!p0 $0xFFFFF086;
	s6 =	sadd.s32 @!p0 s3, s7;
	s7 =	simm.s32 @!p0 $0x108  }
0x21: {  	s3 =	sadd.s32 s3, s9;
	s6 =	sadd.s32 @!p0 $0x88, s6;
	s7 =	simm.s32 @p2 $0x1082  }
0x22: {  	[simem:s7], [sflag:s8] =	dma.local @!p0 [hbm:s6], $0xF7A  }
0x23: {  	s9 =	sor.u32 $0xD0000000, s2;
	s6 =	simm.s32 $0x108;
	_ =	swait.ge @!p0 [sflag:s8], $0x0  }
0x24: {  	s3 =	sadd.s32 $0x88, s3;
	s6 =	simm.s32 @!p1 $0x1082;
	[sflag:s4] =	ssyncset.s32 $0xFFFFF086  }
0x25: {  	[simem:s6], [sflag:s4] =	dma.local [hbm:s3], $0xF7A  }
0x26: {  	[smem:$0x3F9E] =	sst s1;
	(tag) =	ssettag s2;
	_ =	strace s9  }
0x27: {  	s1 =	sld [smem:$0x3FAE]  }
0x28: {  	s2 =	sld [smem:$0x3FAF]  }
0x29: {  	s4 =	sld [smem:$0x3FB1]  }
0x2a: {  	p0 =	seq.s32 s5, $0x0;
	s5 =	sld [smem:$0x3FB2]  }
0x2b: {  	s6 =	sld [smem:$0x3FB3]  }
0x2c: {  	s7 =	sld [smem:$0x3FB4]  }
0x2d: {  	s3 =	simm.s32 $0x108;
	s8 =	sld [smem:$0x3FB5]  }
0x2e: {  	s3 =	simm.s32 @!p0 $0x1082;
	s9 =	sld [smem:$0x3FB6]  }
0x2f: {  	lr =	sadd.s32 s0, s3;
	s0 =	sld [smem:$0x3FAD]  }
0x30: {  	s3 =	sld [smem:$0x3FB0]  }
0x31: {  	[smem:$0x3FB9] =	sst s10  }
0x32: {  	s10 =	sld [smem:$0x3FB7];
	_ =	sdelay $0x3  }
0x33: {  	p0 =	seq.s32 s10, $0x1;
	s10 =	sld [smem:$0x3FB9];
	_ =	sdelay $0x3  }
0x34: {  	[smem:$0x3FB9] =	sst s10  }
0x35: {  	s10 =	sld [smem:$0x3FB8];
	_ =	sdelay $0x3  }
0x36: {  	p1 =	seq.s32 s10, $0x1;
	s10 =	sld [smem:$0x3FB9];
	_ =	sdelay $0x3  }
0x37: {  	[smem:$0x3FB9] =	sst s10  }
0x38: {  	s10 =	sld [smem:$0x3FBA]  }
0x39: {  	_ = 	snop;
	(pc) =	sbr.ind lr, $3  }
0x3a: {  	_ = 	snop  }
0x3b: {  	_ = 	snop  }
0x3c: {  	p2 =	seq.s32 s10, $0x1;
	s10 =	sld [smem:$0x3FB9]  }
0x3d: {  	_ =	shalt  }
0x3e: {  	_ =	shalt  }
0x3f: {  	_ =	shalt  }
0x40: {  	_ =	shalt  }
0x41: {  	_ =	shalt  }
0x42: {  	_ =	shalt  }
0x43: {  	_ =	shalt  }
0x44: {  	_ =	shalt  }
0x45: {  	_ =	shalt  }
0x46: {  	_ =	shalt  }
0x47: {  	_ =	shalt  }
0x48: {  	_ =	shalt  }
0x49: {  	_ =	shalt  }
0x4a: {  	_ =	shalt  }
0x4b: {  	_ =	shalt  }
0x4c: {  	_ =	shalt  }
0x4d: {  	_ =	shalt  }
0x4e: {  	_ =	shalt  }
0x4f: {  	_ =	shalt  }
0x50: {  	_ =	shalt  }
0x51: {  	_ =	shalt  }
0x52: {  	_ =	shalt  }
0x53: {  	_ =	shalt  }
0x54: {  	_ =	shalt  }
0x55: {  	_ =	shalt  }
0x56: {  	_ =	shalt  }
0x57: {  	_ =	shalt  }
0x58: {  	_ =	shalt  }
0x59: {  	_ =	shalt  }
0x5a: {  	_ =	shalt  }
0x5b: {  	_ =	shalt  }
0x5c: {  	_ =	shalt  }
0x5d: {  	_ =	shalt  }
0x5e: {  	_ =	shalt  }
0x5f: {  	_ =	shalt  }
0x60: {  	_ =	shalt  }
0x61: {  	_ =	shalt  }
0x62: {  	_ =	shalt  }
0x63: {  	_ =	shalt  }
0x64: {  	_ =	shalt  }
0x65: {  	_ =	shalt  }
0x66: {  	_ =	shalt  }
0x67: {  	_ =	shalt  }
0x68: {  	_ =	shalt  }
0x69: {  	_ =	shalt  }
0x6a: {  	_ =	shalt  }
0x6b: {  	_ =	shalt  }
0x6c: {  	_ =	shalt  }
0x6d: {  	_ =	shalt  }
0x6e: {  	_ =	shalt  }
0x6f: {  	_ =	shalt  }
0x70: {  	_ =	shalt  }
0x71: {  	_ =	shalt  }
0x72: {  	_ =	shalt  }
0x73: {  	_ =	shalt  }
0x74: {  	_ =	shalt  }
0x75: {  	_ =	shalt  }
0x76: {  	_ =	shalt  }
0x77: {  	_ =	shalt  }
0x78: {  	_ =	shalt  }
0x79: {  	_ =	shalt  }
0x7a: {  	_ =	shalt  }
0x7b: {  	_ =	shalt  }
0x7c: {  	_ =	shalt  }
0x7d: {  	_ =	shalt  }
0x7e: {  	_ =	shalt  }
0x7f: {  	_ =	shalt  }
0x80: {  	_ =	shalt  }
0x81: {  	_ =	shalt  }
0x82: {  	_ =	shalt  }
0x83: {  	_ =	shalt  }
0x84: {  	_ =	shalt  }
0x85: {  	_ =	shalt  }
0x86: {  	_ =	shalt  }
0x87: {  	_ =	shalt  }
.Lfunc_end0:
.L_simem_size_0:
called_computation_lowered:
.L_overlay_start_0:
0x88: {  	s2 =	sld [smem:$0x3FD9]  }
0x89: {  	s3 =	sld [smem:$0x3FFE];
	_ =	sdelay $0x1  }
0x8a: {  	s1 =	srdreg.scid  }
0x8b: {  	s0 =	sand.u32 $0x1, s1  }
0x8c: {  	s16 =	sshll.u32 s0, $0xA;
	s2 =	sadd.s32 s3, s2  }
0x8d: {  	s2 =	sadd.s32 s2, s16  }
0x8e: {  	[smem:$0x3FC5] =	sst s2  }
0x8f: {  	_ = 	snop  }
0x90: {  	(tm) =	ssettm $0x1  }
0x91: {  	s17 =	sld [smem:$0x3FFB];
	_ =	sdelay $0x3  }
0x92: {  	_ =	strace s17  }
0x93: {  	s2 =	sld [smem:$0x3FFC];
	_ =	sdelay $0x3  }
0x94: {  	_ =	strace s2  }
0x95: {  	s2 =	sld [smem:$0x3FFD];
	_ =	sdelay $0x3  }
0x96: {  	_ =	strace s2  }
0x97: {  	_ =	strace $0x8FFFFFFF  }
0x98: {  	s18 =	sld [smem:$0x3FDB];
	_ =	sdelay $0x1  }
0x99: {  	s19 =	simm.s32 $_scs_section_size  }
0x9a: {  	s4 =	simm.s32 $_size__tile_overlayer_lowered;
	s5 =	simm.s32 $_tile_overlayer_lowered  }
0x9b: {  	s22 =	simm.s32 $0x1BFF;
	s21 =	sshll.u32 s5, $0x1;
	s2 =	sadd.s32 s19, s18  }
0x9c: {  	s6 =	simm.s32 $0x0;
	s20 =	sshll.u32 s4, $0x1;
	s4 =	sadd.s32 s21, s2  }
0x9d: {  	[timem:s6], [sflag:s22] =	dma.local [hbm:s4], s20  }
0x9e: {  	_ =	swait.ge [sflag:s22], s20  }
0x9f: {  	s3 =	ssub.s32 $0x0, s20;
	[sflag:s22] =	ssyncset.done $0x0  }
0xa0: {  	[sflag:s22] =	ssyncadd.s32 s3;
	_ =	sdelay $0x1  }
0xa1: {  	s23 =	simm.s32 $0x1B8B  }
0xa2: {  	_ =	swait.ge [sflag:s23], $0x1  }
0xa3: {  	[sflag:s23] =	ssyncset.done $0x0  }
0xa4: {  	s25 =	simm.s32 $0x1B8E;
	s24 =	sld [smem:$0x3FFE];
	[sflag:s23] =	ssyncadd.s32 $0xFFFFFFFF  }
0xa5: {  	s26 =	simm.s32 $execute0_lowered;
	[smem:$0x3FD2] =	sst s25  }
0xa6: {  	s4 =	sshll.u32 s26, $0x1;
	_ =	strace $0x80000046;
	[dreg:$0x1] =	wrdreg $0xFFFFFFFF  }
0xa7: {  	s28 =	simm.s32 $_size_execute0_lowered;
	s2 =	sadd.s32 s2, s4;
	[dreg:$0x0] =	wrdreg $0x0  }
0xa8: {  	s4 =	sshll.u32 s28, $0x1;
	[dreg:$0x2] =	wrdreg s2  }
0xa9: {  	[dreg:$0x3] =	wrdreg s4  }
0xaa: {  	[dreg:$0x4] =	wrdreg $0xC0  }
0xab: {  	_ =	task [dreg:s6], $0x5FFFF  }
0xac: {  	[dreg:$0x1] =	wrdreg $0xFFFFFFFF  }
0xad: {  	[dreg:$0x0] =	wrdreg $0x60  }
0xae: {  	[dreg:$0x2] =	wrdreg s24  }
0xaf: {  	[dreg:$0x3] =	wrdreg $0x9  }
0xb0: {  	_ =	task.clear_ibuf [dreg:s6], $0x4FFFF;
	_ =	strace $0x90000046  }
0xb1: {  	s29 =	simm.s32 $0x9;
	_ =	strace $0x80000048  }
0xb2: {  	_ =	swait.ge [sflag:s29], $0x1  }
0xb3: {  	[sflag:s29] =	ssyncadd.s32 $0xFFFFFFFF  }
0xb4: {  	_ =	strace $0x90000048  }
0xb5: {  	_ =	sfence  }
0xb6: {  	s30 =	sld [smem:$0x0];
	_ =	sdelay $0x2  }
0xb7: {  	s31 =	sshll.u32 s1, $0xD;
	s1 =	sshrl.u32 s1, $0x2  }
0xb8: {  	s3 =	sand.u32 $0x4000, s31;
	s1 =	sadd.s32 s1, s30  }
0xb9: {  	s0 =	sor.u32 s3, s0;
	s1 =	sshll.u32 s1, $0x11  }
0xba: {  	s0 =	sor.u32 s1, s0  }
0xbb: {  	s0 =	sadd.s32 $0x8F2B, s0  }
0xbc: {  	[sflag:s0] =	ssyncadd.remote.s32 $0x1  }
0xbd: {  	_ =	sfence.sel $0xFFFF  }
0xbe: {  	[dreg:$0x0] =	wrdreg $0xFFFFFFFF;
	(pc) =	sbr.abs _section_cstart, $3  }
0xbf: {  	[dreg:$0x1] =	wrdreg $0xFFFFFFFF  }
0xc0: {  	_ =	task.clear_ibuf [dreg:s6], $0x2FFFF;
	_ =	strace $0x9FFFFFFF  }
0xc1: {  	(tm) =	ssettm $0x7FFFFFFF  }
tec
execute0_lowered:
.L_overlay_start_1:
0x0: {  	(tag) =	ssettag $0x1  }
0x1: {  	s1 =	srdreg.scid;
	s0 =	stileid.u32  }
0x2: {  	s5 =	rddreg [dreg:$0x0];
	s2 =	simm.s32 $0x0;
	s10 =	simm.s32 $0x2  }
0x3: {  	s11 =	simm.s32 $0x1400;
	s12 =	simm.s32 $0x80;
	s13 =	simm.s32 $0x2800  }
0x4: {  	s14 =	simm.s32 $0x3C00;
	s16 =	simm.s32 $0x1480;
	s17 =	simm.s32 $0x3C80  }
0x5: {  	s18 =	simm.s32 $0x100;
	s19 =	simm.s32 $0x2900;
	s20 =	simm.s32 $0x1500  }
0x6: {  	s21 =	simm.s32 $0x3D00;
	s22 =	simm.s32 $0x180;
	s23 =	simm.s32 $0x2980  }
0x7: {  	s24 =	simm.s32 $0x1580;
	s1 =	sand.u32 $0x1, s1;
	s3 =	sshll.u32 s0, $0x1  }
0x8: {  	s25 =	simm.s32 $0x3D80;
	s26 =	simm.s32 $0x1;
	s3 =	sor.u32 s1, s3  }
0x9: {  	s28 =	simm.s32 $0x0;
	s1 =	ssub.s32 $0x2, s1;
	s6 =	smul.u32 $0x280, s3  }
0xa: {  	[smem:$0x7FF] =	sst s2;
	s4 =	sadd.s32 $0xA00, s5;
	s31 =	sshrl.u32 s1, $0x1  }
0xb: {  	_ =	strace $0x80000047;
	s1 =	ssub.s32 s1, s31;
	s8 =	sadd.s32 s6, s5  }
0xc: {  	s3 =	sadd.s32 $0xC7C00, s5;
	s9 =	smax.u32 s1, $0x1;
	s5 =	sadd.s32 $0xBC00, s8  }
0xd: {  	s6 =	sadd.s32 $0x10C00, s8;
	s7 =	sadd.s32 $0x15C00, s8;
	s8 =	sadd.s32 $0x1AC00, s8  }
.LBB2_1:
0xe: {  	[tilespmem:s2], [sflag:$0x2] =	stream.linear.gather [hbm4b:s5+s2], $0x1400, $0x38;
	[tilespmem:$0x5000] =	vst v63  }
0xf: {  	_ =	swait.ge [sflag:s10], $0x1400  }
0x10: {  	[sflag:s10] =	ssyncset.done $0x0  }
0x11: {  	[sflag:s10] =	ssyncadd.s32 $0xFFFFEC00  }
0x12: {  	[tilespmem:s11], [sflag:$0x2] =	stream.linear.gather [hbm4b:s6+s2], $0x1400, $0x38;
	[tilespmem:$0x5000] =	vst v63  }
0x13: {  	_ =	swait.ge [sflag:s10], $0x1400  }
0x14: {  	[sflag:s10] =	ssyncset.done $0x0  }
0x15: {  	[sflag:s10] =	ssyncadd.s32 $0xFFFFEC00  }
0x16: {  	[tilespmem:s13], [sflag:$0x1] =	stream.indirect.gather [hbm4b:s3+s12], $0x1, s2, s12, $0xb8;
	[tilespmem:$0x5000] =	vst v63  }
0x17: {  	_ = 	snop  }
0x18: {  	[tilespmem:s14], [sflag:$0x1] =	stream.indirect.gather [hbm4b:s4+s12], $0x1, s11, s12, $0xb8;
	[tilespmem:$0x5000] =	vst v63  }
0x19: {  	s0 =	simm.s32 $0x2880  }
0x1a: {  	[tilespmem:s0], [sflag:$0x1] =	stream.indirect.gather [hbm4b:s3+s12], $0x1, s12, s12, $0xb8;
	[tilespmem:$0x5000] =	vst v63  }
0x1b: {  	_ = 	snop  }
0x1c: {  	[tilespmem:s17], [sflag:$0x1] =	stream.indirect.gather [hbm4b:s4+s12], $0x1, s16, s12, $0xb8;
	[tilespmem:$0x5000] =	vst v63  }
0x1d: {  	_ = 	snop  }
0x1e: {  	[tilespmem:s19], [sflag:$0x1] =	stream.indirect.gather [hbm4b:s3+s12], $0x1, s18, s12, $0xb8;
	[tilespmem:$0x5000] =	vst v63  }
0x1f: {  	_ = 	snop  }
0x20: {  	[tilespmem:s21], [sflag:$0x1] =	stream.indirect.gather [hbm4b:s4+s12], $0x1, s20, s12, $0xb8;
	[tilespmem:$0x5000] =	vst v63  }
0x21: {  	_ = 	snop  }
0x22: {  	[tilespmem:s23], [sflag:$0x1] =	stream.indirect.gather [hbm4b:s3+s12], $0x1, s22, s12, $0xb8;
	[tilespmem:$0x5000] =	vst v63  }
0x23: {  	_ = 	snop  }
0x24: {  	[tilespmem:s25], [sflag:$0x1] =	stream.indirect.gather [hbm4b:s4+s12], $0x1, s24, s12, $0xb8;
	[tilespmem:$0x5000] =	vst v63  }
0x25: {  	s1 =	simm.s32 $0x2A00;
	s29 =	simm.s32 $0x200  }
0x26: {  	[tilespmem:s1], [sflag:$0x1] =	stream.indirect.gather [hbm4b:s3+s12], $0x1, s29, s12, $0xb8;
	[tilespmem:$0x5000] =	vst v63  }
0x27: {  	s15 =	simm.s32 $0x1600;
	s0 =	simm.s32 $0x3E00  }
0x28: {  	[tilespmem:s0], [sflag:$0x1] =	stream.indirect.gather [hbm4b:s4+s12], $0x1, s15, s12, $0xb8;
	[tilespmem:$0x5000] =	vst v63  }
0x29: {  	s0 =	simm.s32 $0x2A80;
	s15 =	simm.s32 $0x280  }
0x2a: {  	[tilespmem:s0], [sflag:$0x1] =	stream.indirect.gather [hbm4b:s3+s12], $0x1, s15, s12, $0xb8;
	[tilespmem:$0x5000] =	vst v63  }
0x2b: {  	s0 =	simm.s32 $0x3E80;
	s15 =	simm.s32 $0x1680  }
0x2c: {  	[tilespmem:s0], [sflag:$0x1] =	stream.indirect.gather [hbm4b:s4+s12], $0x1, s15, s12, $0xb8;
	[tilespmem:$0x5000] =	vst v63  }
0x2d: {  	s0 =	simm.s32 $0x2B00;
	s15 =	simm.s32 $0x300  }
0x2e: {  	[tilespmem:s0], [sflag:$0x1] =	stream.indirect.gather [hbm4b:s3+s12], $0x1, s15, s12, $0xb8;
	[tilespmem:$0x5000] =	vst v63  }
0x2f: {  	s0 =	simm.s32 $0x3F00;
	s15 =	simm.s32 $0x1700  }
0x30: {  	[tilespmem:s0], [sflag:$0x1] =	stream.indirect.gather [hbm4b:s4+s12], $0x1, s15, s12, $0xb8;
	[tilespmem:$0x5000] =	vst v63  }
0x31: {  	s0 =	simm.s32 $0x2B80;
	s15 =	simm.s32 $0x380  }
0x32: {  	[tilespmem:s0], [sflag:$0x1] =	stream.indirect.gather [hbm4b:s3+s12], $0x1, s15, s12, $0xb8;
	[tilespmem:$0x5000] =	vst v63  }
0x33: {  	s0 =	simm.s32 $0x3F80;
	s15 =	simm.s32 $0x1780  }
0x34: {  	[tilespmem:s0], [sflag:$0x1] =	stream.indirect.gather [hbm4b:s4+s12], $0x1, s15, s12, $0xb8;
	[tilespmem:$0x5000] =	vst v63  }
0x35: {  	_ =	swait.ge [sflag:s26], $0x80  }
0x36: {  	[sflag:s26] =	ssyncset.done $0x0  }
0x37: {  	[sflag:s26] =	ssyncadd.s32 $0xFFFFFF80  }
0x38: {  	_ =	swait.ge [sflag:s26], $0x80  }
0x39: {  	[sflag:s26] =	ssyncset.done $0x0  }
0x3a: {  	[sflag:s26] =	ssyncadd.s32 $0xFFFFFF80  }
0x3b: {  	_ =	swait.ge [sflag:s26], $0x80  }
0x3c: {  	[sflag:s26] =	ssyncset.done $0x0  }
0x3d: {  	[sflag:s26] =	ssyncadd.s32 $0xFFFFFF80  }
0x3e: {  	_ =	swait.ge [sflag:s26], $0x80  }
0x3f: {  	[sflag:s26] =	ssyncset.done $0x0  }
0x40: {  	[sflag:s26] =	ssyncadd.s32 $0xFFFFFF80  }
0x41: {  	_ =	swait.ge [sflag:s26], $0x80  }
0x42: {  	[sflag:s26] =	ssyncset.done $0x0  }
0x43: {  	[sflag:s26] =	ssyncadd.s32 $0xFFFFFF80  }
0x44: {  	_ =	swait.ge [sflag:s26], $0x80  }
0x45: {  	[sflag:s26] =	ssyncset.done $0x0  }
0x46: {  	[sflag:s26] =	ssyncadd.s32 $0xFFFFFF80  }
0x47: {  	_ =	swait.ge [sflag:s26], $0x80  }
0x48: {  	[sflag:s26] =	ssyncset.done $0x0  }
0x49: {  	[sflag:s26] =	ssyncadd.s32 $0xFFFFFF80  }
0x4a: {  	_ =	swait.ge [sflag:s26], $0x80  }
0x4b: {  	s30 =	simm.s32 $0x1000;
	s31 =	simm.s32 $0x200;
	[sflag:s26] =	ssyncset.done $0x0  }
.LBB2_2:
0x4c: {  	s1 =	sadd.s32 $0x2A00, s31  }
0x4d: {  	s0 =	sadd.s32 $0x200, s31;
	[sflag:s26] =	ssyncadd.s32 $0xFFFFFF80;
	s29 =	smov.u32 s30  }
0x4e: {  	[tilespmem:s1], [sflag:$0x1] =	stream.indirect.gather [hbm4b:s3+s12], $0x1, s0, s12, $0xb8;
	[tilespmem:$0x5000] =	vst v63  }
0x4f: {  	s15 =	sadd.s32 $0x1600, s31;
	s1 =	sadd.s32 $0x800, s30;
	s0 =	sadd.s32 $0x3E00, s31  }
0x50: {  	[tilespmem:s0], [sflag:$0x1] =	stream.indirect.gather [hbm4b:s4+s12], $0x1, s15, s12, $0xb8;
	[tilespmem:$0x5000] =	vst v63  }
0x51: {  	p0 =	sne.s32 s30, $0x4000;
	s0 =	sadd.s32 $0x2A80, s31;
	s15 =	sadd.s32 $0x280, s31  }
0x52: {  	[tilespmem:s0], [sflag:$0x1] =	stream.indirect.gather [hbm4b:s3+s12], $0x1, s15, s12, $0xb8;
	[tilespmem:$0x5000] =	vst v63  }
0x53: {  	s0 =	sadd.s32 $0x3E80, s31;
	s15 =	sadd.s32 $0x1680, s31  }
0x54: {  	[tilespmem:s0], [sflag:$0x1] =	stream.indirect.gather [hbm4b:s4+s12], $0x1, s15, s12, $0xb8;
	[tilespmem:$0x5000] =	vst v63  }
0x55: {  	s0 =	sadd.s32 $0x2B00, s31;
	s15 =	sadd.s32 $0x300, s31  }
0x56: {  	[tilespmem:s0], [sflag:$0x1] =	stream.indirect.gather [hbm4b:s3+s12], $0x1, s15, s12, $0xb8;
	[tilespmem:$0x5000] =	vst v63  }
0x57: {  	s0 =	sadd.s32 $0x3F00, s31;
	s15 =	sadd.s32 $0x1700, s31  }
0x58: {  	[tilespmem:s0], [sflag:$0x1] =	stream.indirect.gather [hbm4b:s4+s12], $0x1, s15, s12, $0xb8;
	[tilespmem:$0x5000] =	vst v63  }
0x59: {  	s0 =	sadd.s32 $0x2B80, s31;
	s15 =	sadd.s32 $0x380, s31  }
0x5a: {  	[tilespmem:s0], [sflag:$0x1] =	stream.indirect.gather [hbm4b:s3+s12], $0x1, s15, s12, $0xb8;
	[tilespmem:$0x5000] =	vst v63  }
0x5b: {  	s0 =	sadd.s32 $0x3F80, s31;
	s15 =	sadd.s32 $0x1780, s31  }
0x5c: {  	[tilespmem:s0], [sflag:$0x1] =	stream.indirect.gather [hbm4b:s4+s12], $0x1, s15, s12, $0xb8;
	[tilespmem:$0x5000] =	vst v63  }
0x5d: {  	_ =	swait.ge [sflag:s26], $0x80  }
0x5e: {  	[sflag:s26] =	ssyncset.done $0x0  }
0x5f: {  	[sflag:s26] =	ssyncadd.s32 $0xFFFFFF80  }
0x60: {  	_ =	swait.ge [sflag:s26], $0x80  }
0x61: {  	[sflag:s26] =	ssyncset.done $0x0  }
0x62: {  	[sflag:s26] =	ssyncadd.s32 $0xFFFFFF80  }
0x63: {  	_ =	swait.ge [sflag:s26], $0x80  }
0x64: {  	[sflag:s26] =	ssyncset.done $0x0  }
0x65: {  	[sflag:s26] =	ssyncadd.s32 $0xFFFFFF80  }
0x66: {  	_ =	swait.ge [sflag:s26], $0x80  }
0x67: {  	[sflag:s26] =	ssyncset.done $0x0  }
0x68: {  	[sflag:s26] =	ssyncadd.s32 $0xFFFFFF80  }
0x69: {  	_ =	swait.ge [sflag:s26], $0x80  }
0x6a: {  	[sflag:s26] =	ssyncset.done $0x0  }
0x6b: {  	[sflag:s26] =	ssyncadd.s32 $0xFFFFFF80  }
0x6c: {  	_ =	swait.ge [sflag:s26], $0x80  }
0x6d: {  	[sflag:s26] =	ssyncset.done $0x0  }
0x6e: {  	[sflag:s26] =	ssyncadd.s32 $0xFFFFFF80  }
.Ltmp0:
0x6f: {  	_ =	swait.ge [sflag:s26], $0x80;
	(pc) =	sbr.rel @p0 .LBB2_2-.Ltmp0, $4  }
0x70: {  	[sflag:s26] =	ssyncset.done $0x0  }
0x71: {  	[sflag:s26] =	ssyncadd.s32 $0xFFFFFF80  }
0x72: {  	_ =	swait.ge [sflag:s26], $0x80  }
0x73: {  	s30 =	smov.u32 s1;
	s31 =	sshra.s32 s29, $0x2;
	[sflag:s26] =	ssyncset.done $0x0  }
0x74: {  	s0 =	sadd.s32 $0x2A00, s31;
	s1 =	sadd.s32 $0x200, s31;
	[sflag:s26] =	ssyncadd.s32 $0xFFFFFF80  }
0x75: {  	[tilespmem:s0], [sflag:$0x1] =	stream.indirect.gather [hbm4b:s3+s12], $0x1, s1, s12, $0xb8;
	[tilespmem:$0x5000] =	vst v63  }
0x76: {  	s29 =	sadd.s32 $0x3E00, s31;
	s30 =	sadd.s32 $0x1600, s31  }
0x77: {  	[tilespmem:s29], [sflag:$0x1] =	stream.indirect.gather [hbm4b:s4+s12], $0x1, s30, s12, $0xb8;
	[tilespmem:$0x5000] =	vst v63  }
0x78: {  	s15 =	sadd.s32 $0x280, s31;
	s1 =	sadd.s32 $0x2A80, s31  }
0x79: {  	[tilespmem:s1], [sflag:$0x1] =	stream.indirect.gather [hbm4b:s3+s12], $0x1, s15, s12, $0xb8;
	[tilespmem:$0x5000] =	vst v63  }
0x7a: {  	s29 =	sadd.s32 $0x3E80, s31;
	s30 =	sadd.s32 $0x1680, s31  }
0x7b: {  	[tilespmem:s29], [sflag:$0x1] =	stream.indirect.gather [hbm4b:s4+s12], $0x1, s30, s12, $0xb8;
	[tilespmem:$0x5000] =	vst v63  }
0x7c: {  	s1 =	sadd.s32 $0x2B00, s31;
	s15 =	sadd.s32 $0x300, s31  }
0x7d: {  	[tilespmem:s1], [sflag:$0x1] =	stream.indirect.gather [hbm4b:s3+s12], $0x1, s15, s12, $0xb8;
	[tilespmem:$0x5000] =	vst v63  }
0x7e: {  	s29 =	sadd.s32 $0x3F00, s31;
	s30 =	sadd.s32 $0x1700, s31  }
0x7f: {  	[tilespmem:s29], [sflag:$0x1] =	stream.indirect.gather [hbm4b:s4+s12], $0x1, s30, s12, $0xb8;
	[tilespmem:$0x5000] =	vst v63  }
0x80: {  	s15 =	sadd.s32 $0x2B80, s31;
	s29 =	sadd.s32 $0x380, s31  }
0x81: {  	[tilespmem:s15], [sflag:$0x1] =	stream.indirect.gather [hbm4b:s3+s12], $0x1, s29, s12, $0xb8;
	[tilespmem:$0x5000] =	vst v63  }
0x82: {  	s30 =	sadd.s32 $0x3F80, s31;
	s31 =	sadd.s32 $0x1780, s31  }
0x83: {  	[tilespmem:s30], [sflag:$0x1] =	stream.indirect.gather [hbm4b:s4+s12], $0x1, s31, s12, $0xb8;
	[tilespmem:$0x5000] =	vst v63  }
0x84: {  	_ =	swait.ge [sflag:s26], $0x80  }
0x85: {  	[sflag:s26] =	ssyncset.done $0x0  }
0x86: {  	[sflag:s26] =	ssyncadd.s32 $0xFFFFFF80  }
0x87: {  	_ =	swait.ge [sflag:s26], $0x80  }
0x88: {  	[sflag:s26] =	ssyncset.done $0x0  }
0x89: {  	[sflag:s26] =	ssyncadd.s32 $0xFFFFFF80  }
0x8a: {  	_ =	swait.ge [sflag:s26], $0x80  }
0x8b: {  	[sflag:s26] =	ssyncset.done $0x0  }
0x8c: {  	[sflag:s26] =	ssyncadd.s32 $0xFFFFFF80  }
0x8d: {  	_ =	swait.ge [sflag:s26], $0x80  }
0x8e: {  	[sflag:s26] =	ssyncset.done $0x0  }
0x8f: {  	[sflag:s26] =	ssyncadd.s32 $0xFFFFFF80  }
0x90: {  	_ =	swait.ge [sflag:s26], $0x80  }
0x91: {  	[sflag:s26] =	ssyncset.done $0x0  }
0x92: {  	[sflag:s26] =	ssyncadd.s32 $0xFFFFFF80  }
0x93: {  	_ =	swait.ge [sflag:s26], $0x80  }
0x94: {  	[sflag:s26] =	ssyncset.done $0x0  }
0x95: {  	[sflag:s26] =	ssyncadd.s32 $0xFFFFFF80  }
0x96: {  	_ =	swait.ge [sflag:s26], $0x80  }
0x97: {  	[sflag:s26] =	ssyncset.done $0x0  }
0x98: {  	[sflag:s26] =	ssyncadd.s32 $0xFFFFFF80  }
0x99: {  	_ =	swait.ge [sflag:s26], $0x80  }
0x9a: {  	[sflag:s26] =	ssyncset.done $0x0  }
0x9b: {  	[sflag:s26] =	ssyncadd.s32 $0xFFFFFF80  }
0x9c: {  	_ =	swait.ge [sflag:s26], $0x80  }
0x9d: {  	[sflag:s26] =	ssyncset.done $0x0  }
0x9e: {  	[sflag:s26] =	ssyncadd.s32 $0xFFFFFF80  }
0x9f: {  	_ =	swait.ge [sflag:s26], $0x80  }
0xa0: {  	[sflag:s26] =	ssyncset.done $0x0  }
0xa1: {  	[sflag:s26] =	ssyncadd.s32 $0xFFFFFF80  }
0xa2: {  	_ =	swait.ge [sflag:s26], $0x80  }
0xa3: {  	[sflag:s26] =	ssyncset.done $0x0  }
0xa4: {  	[sflag:s26] =	ssyncadd.s32 $0xFFFFFF80  }
0xa5: {  	_ =	swait.ge [sflag:s26], $0x80  }
0xa6: {  	[sflag:s26] =	ssyncset.done $0x0  }
0xa7: {  	[sflag:s26] =	ssyncadd.s32 $0xFFFFFF80  }
0xa8: {  	_ =	swait.ge [sflag:s26], $0x80  }
0xa9: {  	[sflag:s26] =	ssyncset.done $0x0  }
0xaa: {  	[sflag:s26] =	ssyncadd.s32 $0xFFFFFF80  }
0xab: {  	_ =	swait.ge [sflag:s26], $0x80  }
0xac: {  	[sflag:s26] =	ssyncset.done $0x0  }
0xad: {  	[sflag:s26] =	ssyncadd.s32 $0xFFFFFF80  }
0xae: {  	_ =	swait.ge [sflag:s26], $0x80  }
0xaf: {  	[sflag:s26] =	ssyncset.done $0x0  }
0xb0: {  	[sflag:s26] =	ssyncadd.s32 $0xFFFFFF80  }
0xb1: {  	_ =	swait.ge [sflag:s26], $0x80  }
0xb2: {  	[sflag:s26] =	ssyncset.done $0x0  }
0xb3: {  	[sflag:s26] =	ssyncadd.s32 $0xFFFFFF80  }
0xb4: {  	[hbm4b:s7+s2] =	stream.linear.scatter [tilespmem:s13], [sflag:$0x2], $0x1400, $0x38;
	[tilespmem:$0x5000] =	vst v63  }
0xb5: {  	s28 =	sadd.s32 $0x1, s28;
	_ =	swait.ge [sflag:s10], $0x1400  }
0xb6: {  	p0 =	sne.s32 s28, s9;
	[sflag:s10] =	ssyncset.done $0x0  }
.Ltmp1:
0xb7: {  	[sflag:s10] =	ssyncadd.s32 $0xFFFFEC00;
	(pc) =	sbr.rel @p0 .LBB2_1-.Ltmp1, $4  }
0xb8: {  	[hbm4b:s8+s2] =	stream.linear.scatter [tilespmem:s14], [sflag:$0x2], $0x1400, $0x38;
	[tilespmem:$0x5000] =	vst v63  }
0xb9: {  	_ =	swait.ge [sflag:s10], $0x1400  }
0xba: {  	[sflag:s10] =	ssyncset.done $0x0  }
0xbb: {  	[sflag:s10] =	ssyncadd.s32 $0xFFFFEC00  }
0xbc: {  	_ =	sfence.sel $0x180000  }
0xbd: {  	[bflag:$0x0] =	sbarrier.arrive $0xFFFF  }
0xbe: {  	_ =	strace $0x90000047  }
0xbf: {  	s0 =	stileid.u32;
	[bflag:$0x2] =	sbarrier.arrive $0xFFFF  }
0xc0: {  	p0 =	sne.s32 s0, $0x0;
	s0 =	rddreg [dreg:$0x1]  }
0xc1: {  	s0 =	sadd.s32 @!p0 $0x100000, s0  }
0xc2: {  	[sflag:s0] =	ssyncadd.tile.s32 @!p0 $0x1;
	_ =	shalt  }
.Lfunc_end2:
_tile_overlayer_lowered:
.L_overlay_start_2:
0xc3: {  	(tag) =	ssettag $0x2  }
0xc4: {  	s0 =	rddreg [dreg:$0x0];
	s2 =	stileid.u32  }
0xc5: {  	s1 =	rddreg [dreg:$0x1];
	p0 =	sne.s32 s2, $0x0  }
0xc6: {  	s3 =	rddreg [dreg:$0x2];
	[bflag:$0x3] =	sbarrier.arrive $0xFFFF;
	s2 =	simm.s32 @!p0 $0x1C02  }
0xc7: {  	[timem:s3], [sflag:s2] =	dma.local @!p0 [hbm:s0], s1  }
0xc8: {  	s0 =	simm.s32 @!p0 $0x2  }
0xc9: {  	_ =	swait.ge @!p0 [sflag:s0], s1  }
0xca: {  	s1 =	ssub.s32 @!p0 $0x0, s1;
	[sflag:s0] =	ssyncset.done @!p0 $0x0  }
0xcb: {  	[sflag:s0] =	ssyncadd.s32 @!p0 s1  }
0xcc: {  	[bflag:$0x3] =	sbarrier.arrive $0xFFFF  }
0xcd: {  	_ =	shalt  }

</sc_bundles>
